<compile_context>
chip_gen: v7x
topology: tpu7x:2x2x1
jax: 0.10.2.dev20260603
libtpu: 0.0.44.dev20260713+nightly
codegen_flags: <defaults>
</compile_context>

<pallas_src>
import jax
import jax.numpy as jnp
from jax import lax
from jax.experimental import pallas as pl
from jax.experimental.pallas import tpu as pltpu
from jax.experimental.pallas import tpu_sc as plsc

N = 10000
E = 320000
HID = 128
OUT_HALF = 64
N_CLASSES = 32
EPS = 1e-5

NC = 2
NS = 16
NW = NC * NS
C = 80
EPW = E // NW
NCHUNK = EPW // C
Z0 = 640
ZL = N - (NS - 1) * Z0

BLK = 2000
NBLK = N // BLK



_MESH = plsc.VectorSubcoreMesh(core_axis_name="c", subcore_axis_name="s")


def _zero(s, zsrc, dst_sp):
  @pl.when(s < NS - 1)
  def _():
    pltpu.sync_copy(zsrc, dst_sp.at[pl.ds(s * Z0, Z0)])
  @pl.when(s == NS - 1)
  def _():
    pltpu.sync_copy(zsrc.at[pl.ds(0, ZL)], dst_sp.at[pl.ds((NS - 1) * Z0, ZL)])


def _dump(c, s, src_sp, dst_hbm):
  @pl.when(s < NS - 1)
  def _():
    pltpu.sync_copy(src_sp.at[pl.ds(s * Z0, Z0)],
                    dst_hbm.at[pl.ds(c * N + s * Z0, Z0)])
  @pl.when(s == NS - 1)
  def _():
    pltpu.sync_copy(src_sp.at[pl.ds((NS - 1) * Z0, ZL)],
                    dst_hbm.at[pl.ds(c * N + (NS - 1) * Z0, ZL)])


def _make_seg(feat):
  out_type = jax.ShapeDtypeStruct((NC * N, feat), jnp.float32)
  scratch = [
      pltpu.VMEM((EPW,), jnp.int32),
      pltpu.VMEM((NCHUNK, C), jnp.int32),
      pltpu.VMEM((C, feat), jnp.float32),
      pltpu.VMEM((C, feat), jnp.float32),
      pltpu.VMEM_SHARED((N, feat), jnp.float32),
      pltpu.SemaphoreType.DMA,
      pltpu.SemaphoreType.DMA,
      pltpu.SemaphoreType.DMA,
      pltpu.SemaphoreType.DMA,
  ]

  def body(y, srcf, dstr, zf, out, src_v, dst_v, rows0, rows1, acc,
           sem0, sem1, sems0, sems1):
    c = lax.axis_index("c")
    s = lax.axis_index("s")
    wid = c * NS + s
    _zero(s, zf, acc)
    pltpu.sync_copy(srcf.at[wid], src_v)
    pltpu.sync_copy(dstr.at[wid], dst_v)
    plsc.subcore_barrier()

    def _idx(j):
      return src_v.at[pl.ds(pl.multiple_of(j * C, 8), C)]

    def gat_start(j, buf, sem):
      pltpu.async_copy(y.at[_idx(j)], buf, sem)

    def gat_wait(j, buf, sem):
      pltpu.make_async_copy(y.at[_idx(j)], buf, sem).wait()

    def sca_start(j, buf, sem):
      pltpu.async_copy(buf, acc.at[dst_v.at[j]], sem, add=True)

    def sca_wait(j, buf, sem):
      pltpu.make_async_copy(buf, acc.at[dst_v.at[j]], sem).wait()

    gat_start(0, rows0, sem0)
    gat_start(1, rows1, sem1)

    def step(k, carry):
      a = 2 * k
      gat_wait(a, rows0, sem0)
      sca_start(a, rows0, sems0)

      @pl.when(a + 1 < NCHUNK)
      def _():
        gat_wait(a + 1, rows1, sem1)
        sca_start(a + 1, rows1, sems1)

      @pl.when(a + 2 < NCHUNK)
      def _():
        sca_wait(a, rows0, sems0)
        gat_start(a + 2, rows0, sem0)

      @pl.when(a + 3 < NCHUNK)
      def _():
        sca_wait(a + 1, rows1, sems1)
        gat_start(a + 3, rows1, sem1)

      return carry

    lax.fori_loop(0, (NCHUNK + 1) // 2, step, 0)
    sca_wait(NCHUNK - 2, rows1, sems1)
    sca_wait(NCHUNK - 1, rows0, sems0)
    plsc.subcore_barrier()
    _dump(c, s, acc, out)

  return pl.kernel(body, out_type=out_type, mesh=_MESH,
                   scratch_types=scratch, name=f"sc_segsum_{feat}")


def _seg1_deg_body(y, srcf, dstr, zf, onesf, out, outdeg,
                   src_v, dst_v, rows0, rows1, acc, sem0, sem1, sems0, sems1):
  c = lax.axis_index("c")
  s = lax.axis_index("s")
  wid = c * NS + s
  _zero(s, zf, acc)
  pltpu.sync_copy(srcf.at[wid], src_v)
  pltpu.sync_copy(dstr.at[wid], dst_v)
  pltpu.sync_copy(onesf, rows0)
  plsc.subcore_barrier()

  def dsca_start(j, sem):
    pltpu.async_copy(rows0, acc.at[dst_v.at[j]], sem, add=True)

  def dsca_wait(j, sem):
    pltpu.make_async_copy(rows0, acc.at[dst_v.at[j]], sem).wait()

  dsca_start(0, sems0)
  dsca_start(1, sems1)

  def dstep(k, carry):
    a = 2 * k
    dsca_wait(a - 2, sems0)
    dsca_start(a, sems0)

    @pl.when(a + 1 < NCHUNK)
    def _():
      dsca_wait(a - 1, sems1)
      dsca_start(a + 1, sems1)

    return carry

  lax.fori_loop(1, (NCHUNK + 1) // 2, dstep, 0)
  dsca_wait(NCHUNK - 2, sems1)
  dsca_wait(NCHUNK - 1, sems0)
  plsc.subcore_barrier()
  _dump(c, s, acc, outdeg)
  _zero(s, zf, acc)
  plsc.subcore_barrier()

  def _idx(j):
    return src_v.at[pl.ds(pl.multiple_of(j * C, 8), C)]

  def gat_start(j, buf, sem):
    pltpu.async_copy(y.at[_idx(j)], buf, sem)

  def gat_wait(j, buf, sem):
    pltpu.make_async_copy(y.at[_idx(j)], buf, sem).wait()

  def sca_start(j, buf, sem):
    pltpu.async_copy(buf, acc.at[dst_v.at[j]], sem, add=True)

  def sca_wait(j, buf, sem):
    pltpu.make_async_copy(buf, acc.at[dst_v.at[j]], sem).wait()

  gat_start(0, rows0, sem0)
  gat_start(1, rows1, sem1)

  def step(k, carry):
    a = 2 * k
    gat_wait(a, rows0, sem0)
    sca_start(a, rows0, sems0)

    @pl.when(a + 1 < NCHUNK)
    def _():
      gat_wait(a + 1, rows1, sem1)
      sca_start(a + 1, rows1, sems1)

    @pl.when(a + 2 < NCHUNK)
    def _():
      sca_wait(a, rows0, sems0)
      gat_start(a + 2, rows0, sem0)

    @pl.when(a + 3 < NCHUNK)
    def _():
      sca_wait(a + 1, rows1, sems1)
      gat_start(a + 3, rows1, sem1)

    return carry

  lax.fori_loop(0, (NCHUNK + 1) // 2, step, 0)
  sca_wait(NCHUNK - 2, rows1, sems1)
  sca_wait(NCHUNK - 1, rows0, sems0)
  plsc.subcore_barrier()
  _dump(c, s, acc, out)


_seg1_deg = pl.kernel(
    _seg1_deg_body,
    out_type=[jax.ShapeDtypeStruct((NC * N, HID), jnp.float32),
              jax.ShapeDtypeStruct((NC * N, HID), jnp.float32)],
    mesh=_MESH,
    scratch_types=[
        pltpu.VMEM((EPW,), jnp.int32),
        pltpu.VMEM((NCHUNK, C), jnp.int32),
        pltpu.VMEM((C, HID), jnp.float32),
        pltpu.VMEM((C, HID), jnp.float32),
        pltpu.VMEM_SHARED((N, HID), jnp.float32),
        pltpu.SemaphoreType.DMA,
        pltpu.SemaphoreType.DMA,
        pltpu.SemaphoreType.DMA,
        pltpu.SemaphoreType.DMA,
    ],
    name="sc_seg1_deg")

_seg_128 = _make_seg(HID)



_SQRT_HALF = 0.7071067811865476


def _ln(h, g, b):
  mu = jnp.mean(h, axis=-1, keepdims=True)
  var = jnp.mean((h - mu) ** 2, axis=-1, keepdims=True)
  return (h - mu) * lax.rsqrt(var + EPS) * g + b


def _gelu(h):
  return 0.5 * h * (1.0 + lax.erf(h * _SQRT_HALF))


def _b1_body(s0, s1, d0, d1, x_ref, wl, wr, bb, g, be, wn, xo, yo, invo):
  inv = 1.0 / jnp.maximum(d0[:, 0:1] + d1[:, 0:1], 1.0)
  invo[...] = inv
  agg = (s0[...] + s1[...]) * inv
  h = jnp.dot(agg, wl[...], preferred_element_type=jnp.float32) + bb[...] \
      + jnp.dot(x_ref[...], wr[...], preferred_element_type=jnp.float32)
  h = _gelu(_ln(h, g[...], be[...]))
  xn = h + x_ref[...]
  xo[...] = xn
  yo[...] = jnp.dot(xn, wn[...], preferred_element_type=jnp.float32)


def _tc_block1(S, D, x, wl, wr, bb, g, be, wn):
  nxt = wn.shape[1]
  return pl.pallas_call(
      _b1_body,
      grid=(NBLK,),
      in_specs=[
          pl.BlockSpec((BLK, HID), lambda i: (i, 0)),
          pl.BlockSpec((BLK, HID), lambda i: (i + NBLK, 0)),
          pl.BlockSpec((BLK, HID), lambda i: (i, 0)),
          pl.BlockSpec((BLK, HID), lambda i: (i + NBLK, 0)),
          pl.BlockSpec((BLK, HID), lambda i: (i, 0)),
          pl.BlockSpec((HID, HID), lambda i: (0, 0)),
          pl.BlockSpec((HID, HID), lambda i: (0, 0)),
          pl.BlockSpec((1, HID), lambda i: (0, 0)),
          pl.BlockSpec((1, HID), lambda i: (0, 0)),
          pl.BlockSpec((1, HID), lambda i: (0, 0)),
          pl.BlockSpec((HID, nxt), lambda i: (0, 0)),
      ],
      out_specs=[
          pl.BlockSpec((BLK, HID), lambda i: (i, 0)),
          pl.BlockSpec((BLK, nxt), lambda i: (i, 0)),
          pl.BlockSpec((BLK, 1), lambda i: (i, 0)),
      ],
      out_shape=[
          jax.ShapeDtypeStruct((N, HID), jnp.float32),
          jax.ShapeDtypeStruct((N, nxt), jnp.float32),
          jax.ShapeDtypeStruct((N, 1), jnp.float32),
      ],
  )(S, S, D, D, x, wl, wr, bb, g, be, wn)


def _b12_body(s0, s1, inv_ref, x_ref, wr, bb, g, be, wn, xo, yo):
  inv = inv_ref[...]
  h = (s0[...] + s1[...]) * inv + bb[...] + jnp.dot(
      x_ref[...], wr[...], preferred_element_type=jnp.float32)
  h = _gelu(_ln(h, g[...], be[...]))
  xn = h + x_ref[...]
  xo[...] = xn
  yo[...] = jnp.dot(xn, wn[...], preferred_element_type=jnp.float32)


def _tc_block(S, invd, x, wr, bb, g, be, wn):
  nxt = wn.shape[1]
  return pl.pallas_call(
      _b12_body,
      grid=(NBLK,),
      in_specs=[
          pl.BlockSpec((BLK, HID), lambda i: (i, 0)),
          pl.BlockSpec((BLK, HID), lambda i: (i + NBLK, 0)),
          pl.BlockSpec((BLK, 1), lambda i: (i, 0)),
          pl.BlockSpec((BLK, HID), lambda i: (i, 0)),
          pl.BlockSpec((HID, HID), lambda i: (0, 0)),
          pl.BlockSpec((1, HID), lambda i: (0, 0)),
          pl.BlockSpec((1, HID), lambda i: (0, 0)),
          pl.BlockSpec((1, HID), lambda i: (0, 0)),
          pl.BlockSpec((HID, nxt), lambda i: (0, 0)),
      ],
      out_specs=[
          pl.BlockSpec((BLK, HID), lambda i: (i, 0)),
          pl.BlockSpec((BLK, nxt), lambda i: (i, 0)),
      ],
      out_shape=[
          jax.ShapeDtypeStruct((N, HID), jnp.float32),
          jax.ShapeDtypeStruct((N, nxt), jnp.float32),
      ],
  )(S, S, invd, x, wr, bb, g, be, wn)


def _b3_body(s0, s1, inv_ref, x_ref, wr, bb, g, be, wc, bc, o_ref):
  inv = inv_ref[...]
  h = (s0[:, :OUT_HALF] + s1[:, :OUT_HALF]) * inv + bb[...] + jnp.dot(
      x_ref[...], wr[...], preferred_element_type=jnp.float32)
  h = _gelu(h)
  h = _ln(h, g[...], be[...])
  o_ref[...] = jnp.dot(h, wc[...], preferred_element_type=jnp.float32) + bc[...]


def _tc_head(S, invd, x, wr, bb, g, be, wc, bc):
  return pl.pallas_call(
      _b3_body,
      grid=(NBLK,),
      in_specs=[
          pl.BlockSpec((BLK, HID), lambda i: (i, 0)),
          pl.BlockSpec((BLK, HID), lambda i: (i + NBLK, 0)),
          pl.BlockSpec((BLK, 1), lambda i: (i, 0)),
          pl.BlockSpec((BLK, HID), lambda i: (i, 0)),
          pl.BlockSpec((HID, OUT_HALF), lambda i: (0, 0)),
          pl.BlockSpec((1, OUT_HALF), lambda i: (0, 0)),
          pl.BlockSpec((1, OUT_HALF), lambda i: (0, 0)),
          pl.BlockSpec((1, OUT_HALF), lambda i: (0, 0)),
          pl.BlockSpec((OUT_HALF, N_CLASSES), lambda i: (0, 0)),
          pl.BlockSpec((1, N_CLASSES), lambda i: (0, 0)),
      ],
      out_specs=pl.BlockSpec((BLK, N_CLASSES), lambda i: (i, 0)),
      out_shape=jax.ShapeDtypeStruct((N, N_CLASSES), jnp.float32),
  )(S, S, invd, x, wr, bb, g, be, wc, bc)



def kernel(x, edge_index, W1l, b1, W1r, ln1_g, ln1_b, W2l, b2, W2r,
           ln2_g, ln2_b, W3l, b3, W3r, lnc_g, lnc_b, Wc, bc):
  ei = edge_index.astype(jnp.int32)
  srcf = ei[0].reshape(NW, EPW)
  dstr = ei[1].reshape(NW, NCHUNK, C)
  zf = jnp.zeros((Z0, HID), jnp.float32)
  onesf = jnp.ones((C, HID), jnp.float32)
  W3lp = jnp.concatenate(
      [W3l, jnp.zeros((HID, HID - OUT_HALF), jnp.float32)], axis=1)

  r2 = lambda v: v.reshape(1, -1)

  S1, D = _seg1_deg(x, srcf, dstr, zf, onesf)
  x1, y2, invd = _tc_block1(S1, D, x, W1l, W1r, r2(b1), r2(ln1_g), r2(ln1_b),
                            W2l)
  S2 = _seg_128(y2, srcf, dstr, zf)
  x2, y3 = _tc_block(S2, invd, x1, W2r, r2(b2), r2(ln2_g), r2(ln2_b), W3lp)
  S3 = _seg_128(y3, srcf, dstr, zf)
  return _tc_head(S3, invd, x2, W3r, r2(b3), r2(lnc_g), r2(lnc_b),
                  Wc, r2(bc))

# --- scband reference (transcript-rebuilt; emitter-appended) ---
"""Pipeline reference for scband-cell-type-gnn-28363964023038 (READ-ONLY COPY).

The authoritative reference and input builder live on the scoring server;
editing this copy changes nothing except your own understanding.
"""

import jax, jax.numpy as jnp
import numpy as np

N_NODES = 10000
N_EDGES = 320000
IN_DIM = 128
HID = 128
OUT_HALF = HID // 2
N_CLASSES = 32
EPS = 1e-5


def setup_inputs(seed: int = 0) -> dict:
    key = jax.random.key(seed)
    ks = jax.random.split(key, 24)
    x = jax.random.normal(ks[0], (N_NODES, IN_DIM), dtype=jnp.float32)
    edge_index = jax.random.randint(ks[1], (2, N_EDGES), 0, N_NODES, dtype=jnp.int64)
    s = 0.05
    inp = {
        'x': x,
        'edge_index': edge_index,
        'W1l': jax.random.normal(ks[2], (IN_DIM, HID), dtype=jnp.float32) * s,
        'b1': jnp.zeros((HID,), dtype=jnp.float32),
        'W1r': jax.random.normal(ks[3], (IN_DIM, HID), dtype=jnp.float32) * s,
        'ln1_g': jnp.ones((HID,), dtype=jnp.float32),
        'ln1_b': jnp.zeros((HID,), dtype=jnp.float32),
        'W2l': jax.random.normal(ks[4], (HID, HID), dtype=jnp.float32) * s,
        'b2': jnp.zeros((HID,), dtype=jnp.float32),
        'W2r': jax.random.normal(ks[5], (HID, HID), dtype=jnp.float32) * s,
        'ln2_g': jnp.ones((HID,), dtype=jnp.float32),
        'ln2_b': jnp.zeros((HID,), dtype=jnp.float32),
        'W3l': jax.random.normal(ks[6], (HID, OUT_HALF), dtype=jnp.float32) * s,
        'b3': jnp.zeros((OUT_HALF,), dtype=jnp.float32),
        'W3r': jax.random.normal(ks[7], (HID, OUT_HALF), dtype=jnp.float32) * s,
        'lnc_g': jnp.ones((OUT_HALF,), dtype=jnp.float32),
        'lnc_b': jnp.zeros((OUT_HALF,), dtype=jnp.float32),
        'Wc': jax.random.normal(ks[8], (OUT_HALF, N_CLASSES), dtype=jnp.float32) * s,
        'bc': jnp.zeros((N_CLASSES,), dtype=jnp.float32),
    }
    return inp


def _layer_norm(h, g, b):
    mu = jnp.mean(h, axis=-1, keepdims=True)
    var = jnp.mean((h - mu) ** 2, axis=-1, keepdims=True)
    return (h - mu) / jnp.sqrt(var + EPS) * g + b


def _sage_conv(x, src, dst, Wl, bl, Wr, n_nodes):
    msgs = jnp.take(x, src, axis=0)
    summed = jax.ops.segment_sum(msgs, dst, num_segments=n_nodes)
    deg = jax.ops.segment_sum(jnp.ones((src.shape[0], 1), dtype=x.dtype), dst, num_segments=n_nodes)
    agg = summed / jnp.maximum(deg, 1.0)
    return agg @ Wl + bl + x @ Wr


def reference(x, edge_index, W1l, b1, W1r, ln1_g, ln1_b, W2l, b2, W2r, ln2_g, ln2_b, W3l, b3, W3r, lnc_g, lnc_b, Wc, bc):
    src = edge_index[0]
    dst = edge_index[1]
    n = x.shape[0]
    gelu = lambda h: jax.nn.gelu(h, approximate=False)
    # block1 (in_dim == hidden_dim -> residual proj is Identity; eval mode -> dropout is identity)
    h = _sage_conv(x, src, dst, W1l, b1, W1r, n)
    h = gelu(_layer_norm(h, ln1_g, ln1_b))
    x1 = h + x
    # block2
    h = _sage_conv(x1, src, dst, W2l, b2, W2r, n)
    h = gelu(_layer_norm(h, ln2_g, ln2_b))
    x2 = h + x1
    # conv_out + gelu
    h = gelu(_sage_conv(x2, src, dst, W3l, b3, W3r, n))
    # classifier: LayerNorm + Linear
    h = _layer_norm(h, lnc_g, lnc_b)
    return h @ Wc + bc


if False:  # reference __main__ guard neutralized (emitter)
    out = reference(**setup_inputs())
    print(out.shape, out.dtype)

if __name__ == "__main__":
    import jax
    _d = setup_inputs()
    print(jax.jit(kernel)(*tuple(_d.values())))

</pallas_src>

<mosaic_0001>
#map = affine_map<(d0, d1) -> (0, 0)>
#map1 = affine_map<(d0, d1) -> (0, 0, 0)>
module attributes {stable_mosaic.version = 14 : i64} {
  func.func @sc_seg1_deg(%arg0: i32, %arg1: i32, %arg2: memref<10000x128xf32, #tpu.memory_space<hbm>>, %arg3: memref<32x10000xi32, #tpu.memory_space<hbm>>, %arg4: memref<32x125x80xi32, #tpu.memory_space<hbm>>, %arg5: memref<640x128xf32, #tpu.memory_space<hbm>>, %arg6: memref<80x128xf32, #tpu.memory_space<hbm>>, %arg7: memref<20000x128xf32, #tpu.memory_space<hbm>>, %arg8: memref<20000x128xf32, #tpu.memory_space<hbm>>, %arg9: memref<10000xi32, #tpu.memory_space<vmem>>, %arg10: memref<125x80xi32, #tpu.memory_space<vmem>>, %arg11: memref<80x128xf32, #tpu.memory_space<vmem>>, %arg12: memref<80x128xf32, #tpu.memory_space<vmem>>, %arg13: memref<10000x128xf32, #tpu.memory_space<vmem_shared>>, %arg14: memref<!tpu.dma_semaphore, #tpu.memory_space<semaphore_mem>>, %arg15: memref<!tpu.dma_semaphore, #tpu.memory_space<semaphore_mem>>, %arg16: memref<!tpu.dma_semaphore, #tpu.memory_space<semaphore_mem>>, %arg17: memref<!tpu.dma_semaphore, #tpu.memory_space<semaphore_mem>>) attributes {dimension_semantics = [#tpu.dimension_semantics<core_parallel>, #tpu.dimension_semantics<subcore_parallel>], iteration_bounds = array<i64: 2, 16>, scalar_prefetch = 0 : i64, scratch_operands = 9 : i64, tpu.core_type = #tpu.core_type<sc_vector_subcore>, window_params = [{transform_indices = #map}, {transform_indices = #map}, {transform_indices = #map1}, {transform_indices = #map}, {transform_indices = #map}, {transform_indices = #map}, {transform_indices = #map}]} {
    %mul3A = arith.constant 16 : i32
    %mul3A_0 = arith.muli %arg0, %mul3A : i32
    %add3A = arith.addi %mul3A_0, %arg1 : i32
    %lt3A = arith.constant 15 : i32
    %lt3A_1 = arith.cmpi slt, %arg1, %lt3A : i32
    %convert_element_type3A = arith.extui %lt3A_1 : i1 to i32
    %cond3A = arith.constant 0 : i32
    %cond3A_2 = arith.cmpi ne, %convert_element_type3A, %cond3A : i32
    scf.if %cond3A_2 {
      %mul3A_102 = arith.constant 640 : i32
      %mul3A_103 = arith.muli %arg1, %mul3A_102 : i32
      "tpu.region"() ({
        %run_scoped3A = tpu.sem_alloc : memref<!tpu.dma_semaphore, #tpu.memory_space<semaphore_mem>>
        %dma_start3A_104 = arith.constant 0 : i32
        %dma_start3A_105 = tpu.memref_slice %arg13[%mul3A_103, %dma_start3A_104] : memref<10000x128xf32, #tpu.memory_space<vmem_shared>> -> memref<640x128xf32, #tpu.memory_space<vmem_shared>>
        tpu.enqueue_dma source(%arg5 : memref<640x128xf32, #tpu.memory_space<hbm>>) target(%dma_start3A_105 : memref<640x128xf32, #tpu.memory_space<vmem_shared>>) target_semaphore(%run_scoped3A : memref<!tpu.dma_semaphore, #tpu.memory_space<semaphore_mem>>)
        %dma_wait3A_106 = arith.constant 0 : i32
        %dma_wait3A_107 = tpu.memref_slice %arg13[%mul3A_103, %dma_wait3A_106] : memref<10000x128xf32, #tpu.memory_space<vmem_shared>> -> memref<640x128xf32, #tpu.memory_space<vmem_shared>>
        tpu.wait_dma2 semaphore(%run_scoped3A : memref<!tpu.dma_semaphore, #tpu.memory_space<semaphore_mem>>) src(%arg5 : memref<640x128xf32, #tpu.memory_space<hbm>>) dst(%dma_wait3A_107 : memref<640x128xf32, #tpu.memory_space<vmem_shared>>)
        tpu.yield
      }) : () -> ()
    } else {
    }
    %eq3A = arith.constant 15 : i32
    %eq3A_3 = arith.cmpi eq, %arg1, %eq3A : i32
    %convert_element_type3A_4 = arith.extui %eq3A_3 : i1 to i32
    %cond3A_5 = arith.constant 0 : i32
    %cond3A_6 = arith.cmpi ne, %convert_element_type3A_4, %cond3A_5 : i32
    scf.if %cond3A_6 {
      "tpu.region"() ({
        %run_scoped3A = tpu.sem_alloc : memref<!tpu.dma_semaphore, #tpu.memory_space<semaphore_mem>>
        %dma_start3A_102 = arith.constant 9600 : i32
        %dma_start3A_103 = arith.constant 0 : i32
        %dma_start3A_104 = tpu.memref_slice %arg13[%dma_start3A_102, %dma_start3A_103] : memref<10000x128xf32, #tpu.memory_space<vmem_shared>> -> memref<400x128xf32, #tpu.memory_space<vmem_shared>>
        %dma_start3A_105 = arith.constant 0 : i32
        %dma_start3A_106 = arith.constant 0 : i32
        %dma_start3A_107 = tpu.memref_slice %arg5[%dma_start3A_105, %dma_start3A_106] : memref<640x128xf32, #tpu.memory_space<hbm>> -> memref<400x128xf32, #tpu.memory_space<hbm>>
        tpu.enqueue_dma source(%dma_start3A_107 : memref<400x128xf32, #tpu.memory_space<hbm>>) target(%dma_start3A_104 : memref<400x128xf32, #tpu.memory_space<vmem_shared>>) target_semaphore(%run_scoped3A : memref<!tpu.dma_semaphore, #tpu.memory_space<semaphore_mem>>)
        %dma_wait3A_108 = arith.constant 9600 : i32
        %dma_wait3A_109 = arith.constant 0 : i32
        %dma_wait3A_110 = tpu.memref_slice %arg13[%dma_wait3A_108, %dma_wait3A_109] : memref<10000x128xf32, #tpu.memory_space<vmem_shared>> -> memref<400x128xf32, #tpu.memory_space<vmem_shared>>
        %dma_wait3A_111 = arith.constant 0 : i32
        %dma_wait3A_112 = arith.constant 0 : i32
        %dma_wait3A_113 = tpu.memref_slice %arg5[%dma_wait3A_111, %dma_wait3A_112] : memref<640x128xf32, #tpu.memory_space<hbm>> -> memref<400x128xf32, #tpu.memory_space<hbm>>
        tpu.wait_dma2 semaphore(%run_scoped3A : memref<!tpu.dma_semaphore, #tpu.memory_space<semaphore_mem>>) src(%dma_wait3A_113 : memref<400x128xf32, #tpu.memory_space<hbm>>) dst(%dma_wait3A_110 : memref<400x128xf32, #tpu.memory_space<vmem_shared>>)
        tpu.yield
      }) : () -> ()
    } else {
    }
    "tpu.region"() ({
      %run_scoped3A = tpu.sem_alloc : memref<!tpu.dma_semaphore, #tpu.memory_space<semaphore_mem>>
      %dma_start3A_102 = arith.constant 0 : i32
      %dma_start3A_103 = tpu.memref_slice %arg3[%add3A, %dma_start3A_102] : memref<32x10000xi32, #tpu.memory_space<hbm>> -> memref<1x10000xi32, #tpu.memory_space<hbm>>
      %dma_start3A_104 = tpu.memref_squeeze %dma_start3A_103 : memref<1x10000xi32, #tpu.memory_space<hbm>> -> memref<10000xi32, #tpu.memory_space<hbm>>
      %dma_start3A_105 = arith.constant 0 : i32
      %dma_start3A_106 = tpu.memref_slice %arg3[%add3A, %dma_start3A_105] : memref<32x10000xi32, #tpu.memory_space<hbm>> -> memref<1x10000xi32, #tpu.memory_space<hbm>>
      %dma_start3A_107 = tpu.memref_squeeze %dma_start3A_106 : memref<1x10000xi32, #tpu.memory_space<hbm>> -> memref<10000xi32, #tpu.memory_space<hbm>>
      tpu.enqueue_dma source(%dma_start3A_107 : memref<10000xi32, #tpu.memory_space<hbm>>) target(%arg9 : memref<10000xi32, #tpu.memory_space<vmem>>) target_semaphore(%run_scoped3A : memref<!tpu.dma_semaphore, #tpu.memory_space<semaphore_mem>>)
      %dma_wait3A_108 = arith.constant 0 : i32
      %dma_wait3A_109 = tpu.memref_slice %arg3[%add3A, %dma_wait3A_108] : memref<32x10000xi32, #tpu.memory_space<hbm>> -> memref<1x10000xi32, #tpu.memory_space<hbm>>
      %dma_wait3A_110 = tpu.memref_squeeze %dma_wait3A_109 : memref<1x10000xi32, #tpu.memory_space<hbm>> -> memref<10000xi32, #tpu.memory_space<hbm>>
      %dma_wait3A_111 = arith.constant 0 : i32
      %dma_wait3A_112 = tpu.memref_slice %arg3[%add3A, %dma_wait3A_111] : memref<32x10000xi32, #tpu.memory_space<hbm>> -> memref<1x10000xi32, #tpu.memory_space<hbm>>
      %dma_wait3A_113 = tpu.memref_squeeze %dma_wait3A_112 : memref<1x10000xi32, #tpu.memory_space<hbm>> -> memref<10000xi32, #tpu.memory_space<hbm>>
      tpu.wait_dma2 semaphore(%run_scoped3A : memref<!tpu.dma_semaphore, #tpu.memory_space<semaphore_mem>>) src(%dma_wait3A_113 : memref<10000xi32, #tpu.memory_space<hbm>>) dst(%arg9 : memref<10000xi32, #tpu.memory_space<vmem>>)
      tpu.yield
    }) : () -> ()
    "tpu.region"() ({
      %run_scoped3A = tpu.sem_alloc : memref<!tpu.dma_semaphore, #tpu.memory_space<semaphore_mem>>
      %dma_start3A_102 = arith.constant 0 : i32
      %dma_start3A_103 = arith.constant 0 : i32
      %dma_start3A_104 = tpu.memref_slice %arg4[%add3A, %dma_start3A_102, %dma_start3A_103] : memref<32x125x80xi32, #tpu.memory_space<hbm>> -> memref<1x125x80xi32, #tpu.memory_space<hbm>>
      %dma_start3A_105 = tpu.memref_squeeze %dma_start3A_104 : memref<1x125x80xi32, #tpu.memory_space<hbm>> -> memref<125x80xi32, #tpu.memory_space<hbm>>
      %dma_start3A_106 = arith.constant 0 : i32
      %dma_start3A_107 = arith.constant 0 : i32
      %dma_start3A_108 = tpu.memref_slice %arg4[%add3A, %dma_start3A_106, %dma_start3A_107] : memref<32x125x80xi32, #tpu.memory_space<hbm>> -> memref<1x125x80xi32, #tpu.memory_space<hbm>>
      %dma_start3A_109 = tpu.memref_squeeze %dma_start3A_108 : memref<1x125x80xi32, #tpu.memory_space<hbm>> -> memref<125x80xi32, #tpu.memory_space<hbm>>
      tpu.enqueue_dma source(%dma_start3A_109 : memref<125x80xi32, #tpu.memory_space<hbm>>) target(%arg10 : memref<125x80xi32, #tpu.memory_space<vmem>>) target_semaphore(%run_scoped3A : memref<!tpu.dma_semaphore, #tpu.memory_space<semaphore_mem>>)
      %dma_wait3A_110 = arith.constant 0 : i32
      %dma_wait3A_111 = arith.constant 0 : i32
      %dma_wait3A_112 = tpu.memref_slice %arg4[%add3A, %dma_wait3A_110, %dma_wait3A_111] : memref<32x125x80xi32, #tpu.memory_space<hbm>> -> memref<1x125x80xi32, #tpu.memory_space<hbm>>
      %dma_wait3A_113 = tpu.memref_squeeze %dma_wait3A_112 : memref<1x125x80xi32, #tpu.memory_space<hbm>> -> memref<125x80xi32, #tpu.memory_space<hbm>>
      %dma_wait3A_114 = arith.constant 0 : i32
      %dma_wait3A_115 = arith.constant 0 : i32
      %dma_wait3A_116 = tpu.memref_slice %arg4[%add3A, %dma_wait3A_114, %dma_wait3A_115] : memref<32x125x80xi32, #tpu.memory_space<hbm>> -> memref<1x125x80xi32, #tpu.memory_space<hbm>>
      %dma_wait3A_117 = tpu.memref_squeeze %dma_wait3A_116 : memref<1x125x80xi32, #tpu.memory_space<hbm>> -> memref<125x80xi32, #tpu.memory_space<hbm>>
      tpu.wait_dma2 semaphore(%run_scoped3A : memref<!tpu.dma_semaphore, #tpu.memory_space<semaphore_mem>>) src(%dma_wait3A_117 : memref<125x80xi32, #tpu.memory_space<hbm>>) dst(%arg10 : memref<125x80xi32, #tpu.memory_space<vmem>>)
      tpu.yield
    }) : () -> ()
    "tpu.region"() ({
      %run_scoped3A = tpu.sem_alloc : memref<!tpu.dma_semaphore, #tpu.memory_space<semaphore_mem>>
      tpu.enqueue_dma source(%arg6 : memref<80x128xf32, #tpu.memory_space<hbm>>) target(%arg11 : memref<80x128xf32, #tpu.memory_space<vmem>>) target_semaphore(%run_scoped3A : memref<!tpu.dma_semaphore, #tpu.memory_space<semaphore_mem>>)
      tpu.wait_dma2 semaphore(%run_scoped3A : memref<!tpu.dma_semaphore, #tpu.memory_space<semaphore_mem>>) src(%arg6 : memref<80x128xf32, #tpu.memory_space<hbm>>) dst(%arg11 : memref<80x128xf32, #tpu.memory_space<vmem>>)
      tpu.yield
    }) : () -> ()
    %barrier3A = arith.constant 0 : index
    tpu.barrier barrier_id(%barrier3A)
    %dma_start3A = arith.constant 0 : i32
    %dma_start3A_7 = arith.constant 0 : i32
    %dma_start3A_8 = tpu.memref_slice %arg10[%dma_start3A, %dma_start3A_7] : memref<125x80xi32, #tpu.memory_space<vmem>> -> memref<1x80xi32, #tpu.memory_space<vmem>>
    %dma_start3A_9 = tpu.memref_squeeze %dma_start3A_8 : memref<1x80xi32, #tpu.memory_space<vmem>> -> memref<80xi32, #tpu.memory_space<vmem>>
    %dma_start3A_10 = arith.constant 0 : i32
    %dma_start3A_11 = arith.constant 0 : i32
    %dma_start3A_12 = tpu.memref_slice %arg13[%dma_start3A_10, %dma_start3A_11] : memref<10000x128xf32, #tpu.memory_space<vmem_shared>> -> memref<10000x128xf32, #tpu.memory_space<vmem_shared>>
    tpu.enqueue_indirect_dma source(%arg11 : memref<80x128xf32, #tpu.memory_space<vmem>>) target(%dma_start3A_12 : memref<10000x128xf32, #tpu.memory_space<vmem_shared>>) offsets(%dma_start3A_9 : memref<80xi32, #tpu.memory_space<vmem>>) semaphore(%arg16 : memref<!tpu.dma_semaphore, #tpu.memory_space<semaphore_mem>>) {add = true}
    %dma_start3A_13 = arith.constant 1 : i32
    %dma_start3A_14 = arith.constant 0 : i32
    %dma_start3A_15 = tpu.memref_slice %arg10[%dma_start3A_13, %dma_start3A_14] : memref<125x80xi32, #tpu.memory_space<vmem>> -> memref<1x80xi32, #tpu.memory_space<vmem>>
    %dma_start3A_16 = tpu.memref_squeeze %dma_start3A_15 : memref<1x80xi32, #tpu.memory_space<vmem>> -> memref<80xi32, #tpu.memory_space<vmem>>
    %dma_start3A_17 = arith.constant 0 : i32
    %dma_start3A_18 = arith.constant 0 : i32
    %dma_start3A_19 = tpu.memref_slice %arg13[%dma_start3A_17, %dma_start3A_18] : memref<10000x128xf32, #tpu.memory_space<vmem_shared>> -> memref<10000x128xf32, #tpu.memory_space<vmem_shared>>
    tpu.enqueue_indirect_dma source(%arg11 : memref<80x128xf32, #tpu.memory_space<vmem>>) target(%dma_start3A_19 : memref<10000x128xf32, #tpu.memory_space<vmem_shared>>) offsets(%dma_start3A_16 : memref<80xi32, #tpu.memory_space<vmem>>) semaphore(%arg17 : memref<!tpu.dma_semaphore, #tpu.memory_space<semaphore_mem>>) {add = true}
    %scan3A = arith.constant 0 : i32
    %scan3A_20 = arith.constant 1 : i32
    %scan3A_21 = arith.constant 62 : i32
    %scan3A_22 = arith.addi %scan3A_20, %scan3A_21 : i32
    %scan3A_23 = arith.constant 1 : i32
    scf.for %scan3A_102 = %scan3A_20 to %scan3A_22 step %scan3A_23  : i32 {
      %mul3A_103 = arith.constant 2 : i32
      %mul3A_104 = arith.muli %mul3A_103, %scan3A_102 : i32
      %sub3A = arith.constant 2 : i32
      %sub3A_105 = arith.subi %mul3A_104, %sub3A : i32
      %dma_wait3A_106 = arith.constant 0 : i32
      %dma_wait3A_107 = tpu.memref_slice %arg10[%sub3A_105, %dma_wait3A_106] : memref<125x80xi32, #tpu.memory_space<vmem>> -> memref<1x80xi32, #tpu.memory_space<vmem>>
      %dma_wait3A_108 = tpu.memref_squeeze %dma_wait3A_107 : memref<1x80xi32, #tpu.memory_space<vmem>> -> memref<80xi32, #tpu.memory_space<vmem>>
      %dma_wait3A_109 = arith.constant 0 : i32
      %dma_wait3A_110 = arith.constant 0 : i32
      %dma_wait3A_111 = tpu.memref_slice %arg13[%dma_wait3A_109, %dma_wait3A_110] : memref<10000x128xf32, #tpu.memory_space<vmem_shared>> -> memref<10000x128xf32, #tpu.memory_space<vmem_shared>>
      tpu.wait_indirect_dma semaphore(%arg16 : memref<!tpu.dma_semaphore, #tpu.memory_space<semaphore_mem>>) src(%arg11 : memref<80x128xf32, #tpu.memory_space<vmem>>) dst(%dma_wait3A_111 : memref<10000x128xf32, #tpu.memory_space<vmem_shared>>)
      %dma_start3A_112 = arith.constant 0 : i32
      %dma_start3A_113 = tpu.memref_slice %arg10[%mul3A_104, %dma_start3A_112] : memref<125x80xi32, #tpu.memory_space<vmem>> -> memref<1x80xi32, #tpu.memory_space<vmem>>
      %dma_start3A_114 = tpu.memref_squeeze %dma_start3A_113 : memref<1x80xi32, #tpu.memory_space<vmem>> -> memref<80xi32, #tpu.memory_space<vmem>>
      %dma_start3A_115 = arith.constant 0 : i32
      %dma_start3A_116 = arith.constant 0 : i32
      %dma_start3A_117 = tpu.memref_slice %arg13[%dma_start3A_115, %dma_start3A_116] : memref<10000x128xf32, #tpu.memory_space<vmem_shared>> -> memref<10000x128xf32, #tpu.memory_space<vmem_shared>>
      tpu.enqueue_indirect_dma source(%arg11 : memref<80x128xf32, #tpu.memory_space<vmem>>) target(%dma_start3A_117 : memref<10000x128xf32, #tpu.memory_space<vmem_shared>>) offsets(%dma_start3A_114 : memref<80xi32, #tpu.memory_space<vmem>>) semaphore(%arg16 : memref<!tpu.dma_semaphore, #tpu.memory_space<semaphore_mem>>) {add = true}
      %add3A_118 = arith.constant 1 : i32
      %add3A_119 = arith.addi %mul3A_104, %add3A_118 : i32
      %lt3A_120 = arith.constant 125 : i32
      %lt3A_121 = arith.cmpi slt, %add3A_119, %lt3A_120 : i32
      %convert_element_type3A_122 = arith.extui %lt3A_121 : i1 to i32
      %cond3A_123 = arith.constant 0 : i32
      %cond3A_124 = arith.cmpi ne, %convert_element_type3A_122, %cond3A_123 : i32
      scf.if %cond3A_124 {
        %sub3A_125 = arith.constant 1 : i32
        %sub3A_126 = arith.subi %mul3A_104, %sub3A_125 : i32
        %dma_wait3A_127 = arith.constant 0 : i32
        %dma_wait3A_128 = tpu.memref_slice %arg10[%sub3A_126, %dma_wait3A_127] : memref<125x80xi32, #tpu.memory_space<vmem>> -> memref<1x80xi32, #tpu.memory_space<vmem>>
        %dma_wait3A_129 = tpu.memref_squeeze %dma_wait3A_128 : memref<1x80xi32, #tpu.memory_space<vmem>> -> memref<80xi32, #tpu.memory_space<vmem>>
        %dma_wait3A_130 = arith.constant 0 : i32
        %dma_wait3A_131 = arith.constant 0 : i32
        %dma_wait3A_132 = tpu.memref_slice %arg13[%dma_wait3A_130, %dma_wait3A_131] : memref<10000x128xf32, #tpu.memory_space<vmem_shared>> -> memref<10000x128xf32, #tpu.memory_space<vmem_shared>>
        tpu.wait_indirect_dma semaphore(%arg17 : memref<!tpu.dma_semaphore, #tpu.memory_space<semaphore_mem>>) src(%arg11 : memref<80x128xf32, #tpu.memory_space<vmem>>) dst(%dma_wait3A_132 : memref<10000x128xf32, #tpu.memory_space<vmem_shared>>)
        %add3A_133 = arith.constant 1 : i32
        %add3A_134 = arith.addi %mul3A_104, %add3A_133 : i32
        %dma_start3A_135 = arith.constant 0 : i32
        %dma_start3A_136 = tpu.memref_slice %arg10[%add3A_134, %dma_start3A_135] : memref<125x80xi32, #tpu.memory_space<vmem>> -> memref<1x80xi32, #tpu.memory_space<vmem>>
        %dma_start3A_137 = tpu.memref_squeeze %dma_start3A_136 : memref<1x80xi32, #tpu.memory_space<vmem>> -> memref<80xi32, #tpu.memory_space<vmem>>
        %dma_start3A_138 = arith.constant 0 : i32
        %dma_start3A_139 = arith.constant 0 : i32
        %dma_start3A_140 = tpu.memref_slice %arg13[%dma_start3A_138, %dma_start3A_139] : memref<10000x128xf32, #tpu.memory_space<vmem_shared>> -> memref<10000x128xf32, #tpu.memory_space<vmem_shared>>
        tpu.enqueue_indirect_dma source(%arg11 : memref<80x128xf32, #tpu.memory_space<vmem>>) target(%dma_start3A_140 : memref<10000x128xf32, #tpu.memory_space<vmem_shared>>) offsets(%dma_start3A_137 : memref<80xi32, #tpu.memory_space<vmem>>) semaphore(%arg17 : memref<!tpu.dma_semaphore, #tpu.memory_space<semaphore_mem>>) {add = true}
      } else {
      }
    }
    %scan3A_24 = arith.constant 62 : i32
    %dma_wait3A = arith.constant 123 : i32
    %dma_wait3A_25 = arith.constant 0 : i32
    %dma_wait3A_26 = tpu.memref_slice %arg10[%dma_wait3A, %dma_wait3A_25] : memref<125x80xi32, #tpu.memory_space<vmem>> -> memref<1x80xi32, #tpu.memory_space<vmem>>
    %dma_wait3A_27 = tpu.memref_squeeze %dma_wait3A_26 : memref<1x80xi32, #tpu.memory_space<vmem>> -> memref<80xi32, #tpu.memory_space<vmem>>
    %dma_wait3A_28 = arith.constant 0 : i32
    %dma_wait3A_29 = arith.constant 0 : i32
    %dma_wait3A_30 = tpu.memref_slice %arg13[%dma_wait3A_28, %dma_wait3A_29] : memref<10000x128xf32, #tpu.memory_space<vmem_shared>> -> memref<10000x128xf32, #tpu.memory_space<vmem_shared>>
    tpu.wait_indirect_dma semaphore(%arg17 : memref<!tpu.dma_semaphore, #tpu.memory_space<semaphore_mem>>) src(%arg11 : memref<80x128xf32, #tpu.memory_space<vmem>>) dst(%dma_wait3A_30 : memref<10000x128xf32, #tpu.memory_space<vmem_shared>>)
    %dma_wait3A_31 = arith.constant 124 : i32
    %dma_wait3A_32 = arith.constant 0 : i32
    %dma_wait3A_33 = tpu.memref_slice %arg10[%dma_wait3A_31, %dma_wait3A_32] : memref<125x80xi32, #tpu.memory_space<vmem>> -> memref<1x80xi32, #tpu.memory_space<vmem>>
    %dma_wait3A_34 = tpu.memref_squeeze %dma_wait3A_33 : memref<1x80xi32, #tpu.memory_space<vmem>> -> memref<80xi32, #tpu.memory_space<vmem>>
    %dma_wait3A_35 = arith.constant 0 : i32
    %dma_wait3A_36 = arith.constant 0 : i32
    %dma_wait3A_37 = tpu.memref_slice %arg13[%dma_wait3A_35, %dma_wait3A_36] : memref<10000x128xf32, #tpu.memory_space<vmem_shared>> -> memref<10000x128xf32, #tpu.memory_space<vmem_shared>>
    tpu.wait_indirect_dma semaphore(%arg16 : memref<!tpu.dma_semaphore, #tpu.memory_space<semaphore_mem>>) src(%arg11 : memref<80x128xf32, #tpu.memory_space<vmem>>) dst(%dma_wait3A_37 : memref<10000x128xf32, #tpu.memory_space<vmem_shared>>)
    %barrier3A_38 = arith.constant 0 : index
    tpu.barrier barrier_id(%barrier3A_38)
    %lt3A_39 = arith.constant 15 : i32
    %lt3A_40 = arith.cmpi slt, %arg1, %lt3A_39 : i32
    %convert_element_type3A_41 = arith.extui %lt3A_40 : i1 to i32
    %cond3A_42 = arith.constant 0 : i32
    %cond3A_43 = arith.cmpi ne, %convert_element_type3A_41, %cond3A_42 : i32
    scf.if %cond3A_43 {
      %mul3A_102 = arith.constant 640 : i32
      %mul3A_103 = arith.muli %arg1, %mul3A_102 : i32
      %mul3A_104 = arith.constant 10000 : i32
      %mul3A_105 = arith.muli %arg0, %mul3A_104 : i32
      %mul3A_106 = arith.constant 640 : i32
      %mul3A_107 = arith.muli %arg1, %mul3A_106 : i32
      %add3A_108 = arith.addi %mul3A_105, %mul3A_107 : i32
      "tpu.region"() ({
        %run_scoped3A = tpu.sem_alloc : memref<!tpu.dma_semaphore, #tpu.memory_space<semaphore_mem>>
        %dma_start3A_109 = arith.constant 0 : i32
        %dma_start3A_110 = tpu.memref_slice %arg8[%add3A_108, %dma_start3A_109] : memref<20000x128xf32, #tpu.memory_space<hbm>> -> memref<640x128xf32, #tpu.memory_space<hbm>>
        %dma_start3A_111 = arith.constant 0 : i32
        %dma_start3A_112 = tpu.memref_slice %arg13[%mul3A_103, %dma_start3A_111] : memref<10000x128xf32, #tpu.memory_space<vmem_shared>> -> memref<640x128xf32, #tpu.memory_space<vmem_shared>>
        tpu.enqueue_dma source(%dma_start3A_112 : memref<640x128xf32, #tpu.memory_space<vmem_shared>>) target(%dma_start3A_110 : memref<640x128xf32, #tpu.memory_space<hbm>>) target_semaphore(%run_scoped3A : memref<!tpu.dma_semaphore, #tpu.memory_space<semaphore_mem>>)
        %dma_wait3A_113 = arith.constant 0 : i32
        %dma_wait3A_114 = tpu.memref_slice %arg8[%add3A_108, %dma_wait3A_113] : memref<20000x128xf32, #tpu.memory_space<hbm>> -> memref<640x128xf32, #tpu.memory_space<hbm>>
        %dma_wait3A_115 = arith.constant 0 : i32
        %dma_wait3A_116 = tpu.memref_slice %arg13[%mul3A_103, %dma_wait3A_115] : memref<10000x128xf32, #tpu.memory_space<vmem_shared>> -> memref<640x128xf32, #tpu.memory_space<vmem_shared>>
        tpu.wait_dma2 semaphore(%run_scoped3A : memref<!tpu.dma_semaphore, #tpu.memory_space<semaphore_mem>>) src(%dma_wait3A_116 : memref<640x128xf32, #tpu.memory_space<vmem_shared>>) dst(%dma_wait3A_114 : memref<640x128xf32, #tpu.memory_space<hbm>>)
        tpu.yield
      }) : () -> ()
    } else {
    }
    %eq3A_44 = arith.constant 15 : i32
    %eq3A_45 = arith.cmpi eq, %arg1, %eq3A_44 : i32
    %convert_element_type3A_46 = arith.extui %eq3A_45 : i1 to i32
    %cond3A_47 = arith.constant 0 : i32
    %cond3A_48 = arith.cmpi ne, %convert_element_type3A_46, %cond3A_47 : i32
    scf.if %cond3A_48 {
      %mul3A_102 = arith.constant 10000 : i32
      %mul3A_103 = arith.muli %arg0, %mul3A_102 : i32
      %add3A_104 = arith.constant 9600 : i32
      %add3A_105 = arith.addi %mul3A_103, %add3A_104 : i32
      "tpu.region"() ({
        %run_scoped3A = tpu.sem_alloc : memref<!tpu.dma_semaphore, #tpu.memory_space<semaphore_mem>>
        %dma_start3A_106 = arith.constant 0 : i32
        %dma_start3A_107 = tpu.memref_slice %arg8[%add3A_105, %dma_start3A_106] : memref<20000x128xf32, #tpu.memory_space<hbm>> -> memref<400x128xf32, #tpu.memory_space<hbm>>
        %dma_start3A_108 = arith.constant 9600 : i32
        %dma_start3A_109 = arith.constant 0 : i32
        %dma_start3A_110 = tpu.memref_slice %arg13[%dma_start3A_108, %dma_start3A_109] : memref<10000x128xf32, #tpu.memory_space<vmem_shared>> -> memref<400x128xf32, #tpu.memory_space<vmem_shared>>
        tpu.enqueue_dma source(%dma_start3A_110 : memref<400x128xf32, #tpu.memory_space<vmem_shared>>) target(%dma_start3A_107 : memref<400x128xf32, #tpu.memory_space<hbm>>) target_semaphore(%run_scoped3A : memref<!tpu.dma_semaphore, #tpu.memory_space<semaphore_mem>>)
        %dma_wait3A_111 = arith.constant 0 : i32
        %dma_wait3A_112 = tpu.memref_slice %arg8[%add3A_105, %dma_wait3A_111] : memref<20000x128xf32, #tpu.memory_space<hbm>> -> memref<400x128xf32, #tpu.memory_space<hbm>>
        %dma_wait3A_113 = arith.constant 9600 : i32
        %dma_wait3A_114 = arith.constant 0 : i32
        %dma_wait3A_115 = tpu.memref_slice %arg13[%dma_wait3A_113, %dma_wait3A_114] : memref<10000x128xf32, #tpu.memory_space<vmem_shared>> -> memref<400x128xf32, #tpu.memory_space<vmem_shared>>
        tpu.wait_dma2 semaphore(%run_scoped3A : memref<!tpu.dma_semaphore, #tpu.memory_space<semaphore_mem>>) src(%dma_wait3A_115 : memref<400x128xf32, #tpu.memory_space<vmem_shared>>) dst(%dma_wait3A_112 : memref<400x128xf32, #tpu.memory_space<hbm>>)
        tpu.yield
      }) : () -> ()
    } else {
    }
    %lt3A_49 = arith.constant 15 : i32
    %lt3A_50 = arith.cmpi slt, %arg1, %lt3A_49 : i32
    %convert_element_type3A_51 = arith.extui %lt3A_50 : i1 to i32
    %cond3A_52 = arith.constant 0 : i32
    %cond3A_53 = arith.cmpi ne, %convert_element_type3A_51, %cond3A_52 : i32
    scf.if %cond3A_53 {
      %mul3A_102 = arith.constant 640 : i32
      %mul3A_103 = arith.muli %arg1, %mul3A_102 : i32
      "tpu.region"() ({
        %run_scoped3A = tpu.sem_alloc : memref<!tpu.dma_semaphore, #tpu.memory_space<semaphore_mem>>
        %dma_start3A_104 = arith.constant 0 : i32
        %dma_start3A_105 = tpu.memref_slice %arg13[%mul3A_103, %dma_start3A_104] : memref<10000x128xf32, #tpu.memory_space<vmem_shared>> -> memref<640x128xf32, #tpu.memory_space<vmem_shared>>
        tpu.enqueue_dma source(%arg5 : memref<640x128xf32, #tpu.memory_space<hbm>>) target(%dma_start3A_105 : memref<640x128xf32, #tpu.memory_space<vmem_shared>>) target_semaphore(%run_scoped3A : memref<!tpu.dma_semaphore, #tpu.memory_space<semaphore_mem>>)
        %dma_wait3A_106 = arith.constant 0 : i32
        %dma_wait3A_107 = tpu.memref_slice %arg13[%mul3A_103, %dma_wait3A_106] : memref<10000x128xf32, #tpu.memory_space<vmem_shared>> -> memref<640x128xf32, #tpu.memory_space<vmem_shared>>
        tpu.wait_dma2 semaphore(%run_scoped3A : memref<!tpu.dma_semaphore, #tpu.memory_space<semaphore_mem>>) src(%arg5 : memref<640x128xf32, #tpu.memory_space<hbm>>) dst(%dma_wait3A_107 : memref<640x128xf32, #tpu.memory_space<vmem_shared>>)
        tpu.yield
      }) : () -> ()
    } else {
    }
    %eq3A_54 = arith.constant 15 : i32
    %eq3A_55 = arith.cmpi eq, %arg1, %eq3A_54 : i32
    %convert_element_type3A_56 = arith.extui %eq3A_55 : i1 to i32
    %cond3A_57 = arith.constant 0 : i32
    %cond3A_58 = arith.cmpi ne, %convert_element_type3A_56, %cond3A_57 : i32
    scf.if %cond3A_58 {
      "tpu.region"() ({
        %run_scoped3A = tpu.sem_alloc : memref<!tpu.dma_semaphore, #tpu.memory_space<semaphore_mem>>
        %dma_start3A_102 = arith.constant 9600 : i32
        %dma_start3A_103 = arith.constant 0 : i32
        %dma_start3A_104 = tpu.memref_slice %arg13[%dma_start3A_102, %dma_start3A_103] : memref<10000x128xf32, #tpu.memory_space<vmem_shared>> -> memref<400x128xf32, #tpu.memory_space<vmem_shared>>
        %dma_start3A_105 = arith.constant 0 : i32
        %dma_start3A_106 = arith.constant 0 : i32
        %dma_start3A_107 = tpu.memref_slice %arg5[%dma_start3A_105, %dma_start3A_106] : memref<640x128xf32, #tpu.memory_space<hbm>> -> memref<400x128xf32, #tpu.memory_space<hbm>>
        tpu.enqueue_dma source(%dma_start3A_107 : memref<400x128xf32, #tpu.memory_space<hbm>>) target(%dma_start3A_104 : memref<400x128xf32, #tpu.memory_space<vmem_shared>>) target_semaphore(%run_scoped3A : memref<!tpu.dma_semaphore, #tpu.memory_space<semaphore_mem>>)
        %dma_wait3A_108 = arith.constant 9600 : i32
        %dma_wait3A_109 = arith.constant 0 : i32
        %dma_wait3A_110 = tpu.memref_slice %arg13[%dma_wait3A_108, %dma_wait3A_109] : memref<10000x128xf32, #tpu.memory_space<vmem_shared>> -> memref<400x128xf32, #tpu.memory_space<vmem_shared>>
        %dma_wait3A_111 = arith.constant 0 : i32
        %dma_wait3A_112 = arith.constant 0 : i32
        %dma_wait3A_113 = tpu.memref_slice %arg5[%dma_wait3A_111, %dma_wait3A_112] : memref<640x128xf32, #tpu.memory_space<hbm>> -> memref<400x128xf32, #tpu.memory_space<hbm>>
        tpu.wait_dma2 semaphore(%run_scoped3A : memref<!tpu.dma_semaphore, #tpu.memory_space<semaphore_mem>>) src(%dma_wait3A_113 : memref<400x128xf32, #tpu.memory_space<hbm>>) dst(%dma_wait3A_110 : memref<400x128xf32, #tpu.memory_space<vmem_shared>>)
        tpu.yield
      }) : () -> ()
    } else {
    }
    %barrier3A_59 = arith.constant 0 : index
    tpu.barrier barrier_id(%barrier3A_59)
    %multiple_of3A = arith.constant 0 : i32
    %multiple_of3A_60 = tpu.assume_multiple %multiple_of3A, 8 : i32
    %dma_start3A_61 = tpu.memref_slice %arg9[%multiple_of3A_60] : memref<10000xi32, #tpu.memory_space<vmem>> -> memref<80xi32, #tpu.memory_space<vmem>>
    %dma_start3A_62 = arith.constant 0 : i32
    %dma_start3A_63 = arith.constant 0 : i32
    %dma_start3A_64 = tpu.memref_slice %arg2[%dma_start3A_62, %dma_start3A_63] : memref<10000x128xf32, #tpu.memory_space<hbm>> -> memref<10000x128xf32, #tpu.memory_space<hbm>>
    tpu.enqueue_indirect_dma source(%dma_start3A_64 : memref<10000x128xf32, #tpu.memory_space<hbm>>) target(%arg11 : memref<80x128xf32, #tpu.memory_space<vmem>>) offsets(%dma_start3A_61 : memref<80xi32, #tpu.memory_space<vmem>>) semaphore(%arg14 : memref<!tpu.dma_semaphore, #tpu.memory_space<semaphore_mem>>)
    %multiple_of3A_65 = arith.constant 80 : i32
    %multiple_of3A_66 = tpu.assume_multiple %multiple_of3A_65, 8 : i32
    %dma_start3A_67 = tpu.memref_slice %arg9[%multiple_of3A_66] : memref<10000xi32, #tpu.memory_space<vmem>> -> memref<80xi32, #tpu.memory_space<vmem>>
    %dma_start3A_68 = arith.constant 0 : i32
    %dma_start3A_69 = arith.constant 0 : i32
    %dma_start3A_70 = tpu.memref_slice %arg2[%dma_start3A_68, %dma_start3A_69] : memref<10000x128xf32, #tpu.memory_space<hbm>> -> memref<10000x128xf32, #tpu.memory_space<hbm>>
    tpu.enqueue_indirect_dma source(%dma_start3A_70 : memref<10000x128xf32, #tpu.memory_space<hbm>>) target(%arg12 : memref<80x128xf32, #tpu.memory_space<vmem>>) offsets(%dma_start3A_67 : memref<80xi32, #tpu.memory_space<vmem>>) semaphore(%arg15 : memref<!tpu.dma_semaphore, #tpu.memory_space<semaphore_mem>>)
    %scan3A_71 = arith.constant 0 : i32
    %scan3A_72 = arith.constant 0 : i32
    %scan3A_73 = arith.constant 63 : i32
    %scan3A_74 = arith.addi %scan3A_72, %scan3A_73 : i32
    %scan3A_75 = arith.constant 1 : i32
    scf.for %scan3A_102 = %scan3A_72 to %scan3A_74 step %scan3A_75  : i32 {
      %mul3A_103 = arith.constant 2 : i32
      %mul3A_104 = arith.muli %mul3A_103, %scan3A_102 : i32
      %mul3A_105 = arith.constant 80 : i32
      %mul3A_106 = arith.muli %mul3A_104, %mul3A_105 : i32
      %multiple_of3A_107 = tpu.assume_multiple %mul3A_106, 8 : i32
      %dma_wait3A_108 = tpu.memref_slice %arg9[%multiple_of3A_107] : memref<10000xi32, #tpu.memory_space<vmem>> -> memref<80xi32, #tpu.memory_space<vmem>>
      %dma_wait3A_109 = arith.constant 0 : i32
      %dma_wait3A_110 = arith.constant 0 : i32
      %dma_wait3A_111 = tpu.memref_slice %arg2[%dma_wait3A_109, %dma_wait3A_110] : memref<10000x128xf32, #tpu.memory_space<hbm>> -> memref<10000x128xf32, #tpu.memory_space<hbm>>
      tpu.wait_indirect_dma semaphore(%arg14 : memref<!tpu.dma_semaphore, #tpu.memory_space<semaphore_mem>>) src(%dma_wait3A_111 : memref<10000x128xf32, #tpu.memory_space<hbm>>) dst(%arg11 : memref<80x128xf32, #tpu.memory_space<vmem>>)
      %dma_start3A_112 = arith.constant 0 : i32
      %dma_start3A_113 = tpu.memref_slice %arg10[%mul3A_104, %dma_start3A_112] : memref<125x80xi32, #tpu.memory_space<vmem>> -> memref<1x80xi32, #tpu.memory_space<vmem>>
      %dma_start3A_114 = tpu.memref_squeeze %dma_start3A_113 : memref<1x80xi32, #tpu.memory_space<vmem>> -> memref<80xi32, #tpu.memory_space<vmem>>
      %dma_start3A_115 = arith.constant 0 : i32
      %dma_start3A_116 = arith.constant 0 : i32
      %dma_start3A_117 = tpu.memref_slice %arg13[%dma_start3A_115, %dma_start3A_116] : memref<10000x128xf32, #tpu.memory_space<vmem_shared>> -> memref<10000x128xf32, #tpu.memory_space<vmem_shared>>
      tpu.enqueue_indirect_dma source(%arg11 : memref<80x128xf32, #tpu.memory_space<vmem>>) target(%dma_start3A_117 : memref<10000x128xf32, #tpu.memory_space<vmem_shared>>) offsets(%dma_start3A_114 : memref<80xi32, #tpu.memory_space<vmem>>) semaphore(%arg16 : memref<!tpu.dma_semaphore, #tpu.memory_space<semaphore_mem>>) {add = true}
      %add3A_118 = arith.constant 1 : i32
      %add3A_119 = arith.addi %mul3A_104, %add3A_118 : i32
      %lt3A_120 = arith.constant 125 : i32
      %lt3A_121 = arith.cmpi slt, %add3A_119, %lt3A_120 : i32
      %convert_element_type3A_122 = arith.extui %lt3A_121 : i1 to i32
      %cond3A_123 = arith.constant 0 : i32
      %cond3A_124 = arith.cmpi ne, %convert_element_type3A_122, %cond3A_123 : i32
      scf.if %cond3A_124 {
        %add3A_139 = arith.constant 1 : i32
        %add3A_140 = arith.addi %mul3A_104, %add3A_139 : i32
        %mul3A_141 = arith.constant 80 : i32
        %mul3A_142 = arith.muli %add3A_140, %mul3A_141 : i32
        %multiple_of3A_143 = tpu.assume_multiple %mul3A_142, 8 : i32
        %dma_wait3A_144 = tpu.memref_slice %arg9[%multiple_of3A_143] : memref<10000xi32, #tpu.memory_space<vmem>> -> memref<80xi32, #tpu.memory_space<vmem>>
        %dma_wait3A_145 = arith.constant 0 : i32
        %dma_wait3A_146 = arith.constant 0 : i32
        %dma_wait3A_147 = tpu.memref_slice %arg2[%dma_wait3A_145, %dma_wait3A_146] : memref<10000x128xf32, #tpu.memory_space<hbm>> -> memref<10000x128xf32, #tpu.memory_space<hbm>>
        tpu.wait_indirect_dma semaphore(%arg15 : memref<!tpu.dma_semaphore, #tpu.memory_space<semaphore_mem>>) src(%dma_wait3A_147 : memref<10000x128xf32, #tpu.memory_space<hbm>>) dst(%arg12 : memref<80x128xf32, #tpu.memory_space<vmem>>)
        %add3A_148 = arith.constant 1 : i32
        %add3A_149 = arith.addi %mul3A_104, %add3A_148 : i32
        %dma_start3A_150 = arith.constant 0 : i32
        %dma_start3A_151 = tpu.memref_slice %arg10[%add3A_149, %dma_start3A_150] : memref<125x80xi32, #tpu.memory_space<vmem>> -> memref<1x80xi32, #tpu.memory_space<vmem>>
        %dma_start3A_152 = tpu.memref_squeeze %dma_start3A_151 : memref<1x80xi32, #tpu.memory_space<vmem>> -> memref<80xi32, #tpu.memory_space<vmem>>
        %dma_start3A_153 = arith.constant 0 : i32
        %dma_start3A_154 = arith.constant 0 : i32
        %dma_start3A_155 = tpu.memref_slice %arg13[%dma_start3A_153, %dma_start3A_154] : memref<10000x128xf32, #tpu.memory_space<vmem_shared>> -> memref<10000x128xf32, #tpu.memory_space<vmem_shared>>
        tpu.enqueue_indirect_dma source(%arg12 : memref<80x128xf32, #tpu.memory_space<vmem>>) target(%dma_start3A_155 : memref<10000x128xf32, #tpu.memory_space<vmem_shared>>) offsets(%dma_start3A_152 : memref<80xi32, #tpu.memory_space<vmem>>) semaphore(%arg17 : memref<!tpu.dma_semaphore, #tpu.memory_space<semaphore_mem>>) {add = true}
      } else {
      }
      %add3A_125 = arith.constant 2 : i32
      %add3A_126 = arith.addi %mul3A_104, %add3A_125 : i32
      %lt3A_127 = arith.constant 125 : i32
      %lt3A_128 = arith.cmpi slt, %add3A_126, %lt3A_127 : i32
      %convert_element_type3A_129 = arith.extui %lt3A_128 : i1 to i32
      %cond3A_130 = arith.constant 0 : i32
      %cond3A_131 = arith.cmpi ne, %convert_element_type3A_129, %cond3A_130 : i32
      scf.if %cond3A_131 {
        %dma_wait3A_139 = arith.constant 0 : i32
        %dma_wait3A_140 = tpu.memref_slice %arg10[%mul3A_104, %dma_wait3A_139] : memref<125x80xi32, #tpu.memory_space<vmem>> -> memref<1x80xi32, #tpu.memory_space<vmem>>
        %dma_wait3A_141 = tpu.memref_squeeze %dma_wait3A_140 : memref<1x80xi32, #tpu.memory_space<vmem>> -> memref<80xi32, #tpu.memory_space<vmem>>
        %dma_wait3A_142 = arith.constant 0 : i32
        %dma_wait3A_143 = arith.constant 0 : i32
        %dma_wait3A_144 = tpu.memref_slice %arg13[%dma_wait3A_142, %dma_wait3A_143] : memref<10000x128xf32, #tpu.memory_space<vmem_shared>> -> memref<10000x128xf32, #tpu.memory_space<vmem_shared>>
        tpu.wait_indirect_dma semaphore(%arg16 : memref<!tpu.dma_semaphore, #tpu.memory_space<semaphore_mem>>) src(%arg11 : memref<80x128xf32, #tpu.memory_space<vmem>>) dst(%dma_wait3A_144 : memref<10000x128xf32, #tpu.memory_space<vmem_shared>>)
        %add3A_145 = arith.constant 2 : i32
        %add3A_146 = arith.addi %mul3A_104, %add3A_145 : i32
        %mul3A_147 = arith.constant 80 : i32
        %mul3A_148 = arith.muli %add3A_146, %mul3A_147 : i32
        %multiple_of3A_149 = tpu.assume_multiple %mul3A_148, 8 : i32
        %dma_start3A_150 = tpu.memref_slice %arg9[%multiple_of3A_149] : memref<10000xi32, #tpu.memory_space<vmem>> -> memref<80xi32, #tpu.memory_space<vmem>>
        %dma_start3A_151 = arith.constant 0 : i32
        %dma_start3A_152 = arith.constant 0 : i32
        %dma_start3A_153 = tpu.memref_slice %arg2[%dma_start3A_151, %dma_start3A_152] : memref<10000x128xf32, #tpu.memory_space<hbm>> -> memref<10000x128xf32, #tpu.memory_space<hbm>>
        tpu.enqueue_indirect_dma source(%dma_start3A_153 : memref<10000x128xf32, #tpu.memory_space<hbm>>) target(%arg11 : memref<80x128xf32, #tpu.memory_space<vmem>>) offsets(%dma_start3A_150 : memref<80xi32, #tpu.memory_space<vmem>>) semaphore(%arg14 : memref<!tpu.dma_semaphore, #tpu.memory_space<semaphore_mem>>)
      } else {
      }
      %add3A_132 = arith.constant 3 : i32
      %add3A_133 = arith.addi %mul3A_104, %add3A_132 : i32
      %lt3A_134 = arith.constant 125 : i32
      %lt3A_135 = arith.cmpi slt, %add3A_133, %lt3A_134 : i32
      %convert_element_type3A_136 = arith.extui %lt3A_135 : i1 to i32
      %cond3A_137 = arith.constant 0 : i32
      %cond3A_138 = arith.cmpi ne, %convert_element_type3A_136, %cond3A_137 : i32
      scf.if %cond3A_138 {
        %add3A_139 = arith.constant 1 : i32
        %add3A_140 = arith.addi %mul3A_104, %add3A_139 : i32
        %dma_wait3A_141 = arith.constant 0 : i32
        %dma_wait3A_142 = tpu.memref_slice %arg10[%add3A_140, %dma_wait3A_141] : memref<125x80xi32, #tpu.memory_space<vmem>> -> memref<1x80xi32, #tpu.memory_space<vmem>>
        %dma_wait3A_143 = tpu.memref_squeeze %dma_wait3A_142 : memref<1x80xi32, #tpu.memory_space<vmem>> -> memref<80xi32, #tpu.memory_space<vmem>>
        %dma_wait3A_144 = arith.constant 0 : i32
        %dma_wait3A_145 = arith.constant 0 : i32
        %dma_wait3A_146 = tpu.memref_slice %arg13[%dma_wait3A_144, %dma_wait3A_145] : memref<10000x128xf32, #tpu.memory_space<vmem_shared>> -> memref<10000x128xf32, #tpu.memory_space<vmem_shared>>
        tpu.wait_indirect_dma semaphore(%arg17 : memref<!tpu.dma_semaphore, #tpu.memory_space<semaphore_mem>>) src(%arg12 : memref<80x128xf32, #tpu.memory_space<vmem>>) dst(%dma_wait3A_146 : memref<10000x128xf32, #tpu.memory_space<vmem_shared>>)
        %add3A_147 = arith.constant 3 : i32
        %add3A_148 = arith.addi %mul3A_104, %add3A_147 : i32
        %mul3A_149 = arith.constant 80 : i32
        %mul3A_150 = arith.muli %add3A_148, %mul3A_149 : i32
        %multiple_of3A_151 = tpu.assume_multiple %mul3A_150, 8 : i32
        %dma_start3A_152 = tpu.memref_slice %arg9[%multiple_of3A_151] : memref<10000xi32, #tpu.memory_space<vmem>> -> memref<80xi32, #tpu.memory_space<vmem>>
        %dma_start3A_153 = arith.constant 0 : i32
        %dma_start3A_154 = arith.constant 0 : i32
        %dma_start3A_155 = tpu.memref_slice %arg2[%dma_start3A_153, %dma_start3A_154] : memref<10000x128xf32, #tpu.memory_space<hbm>> -> memref<10000x128xf32, #tpu.memory_space<hbm>>
        tpu.enqueue_indirect_dma source(%dma_start3A_155 : memref<10000x128xf32, #tpu.memory_space<hbm>>) target(%arg12 : memref<80x128xf32, #tpu.memory_space<vmem>>) offsets(%dma_start3A_152 : memref<80xi32, #tpu.memory_space<vmem>>) semaphore(%arg15 : memref<!tpu.dma_semaphore, #tpu.memory_space<semaphore_mem>>)
      } else {
      }
    }
    %scan3A_76 = arith.constant 63 : i32
    %dma_wait3A_77 = arith.constant 123 : i32
    %dma_wait3A_78 = arith.constant 0 : i32
    %dma_wait3A_79 = tpu.memref_slice %arg10[%dma_wait3A_77, %dma_wait3A_78] : memref<125x80xi32, #tpu.memory_space<vmem>> -> memref<1x80xi32, #tpu.memory_space<vmem>>
    %dma_wait3A_80 = tpu.memref_squeeze %dma_wait3A_79 : memref<1x80xi32, #tpu.memory_space<vmem>> -> memref<80xi32, #tpu.memory_space<vmem>>
    %dma_wait3A_81 = arith.constant 0 : i32
    %dma_wait3A_82 = arith.constant 0 : i32
    %dma_wait3A_83 = tpu.memref_slice %arg13[%dma_wait3A_81, %dma_wait3A_82] : memref<10000x128xf32, #tpu.memory_space<vmem_shared>> -> memref<10000x128xf32, #tpu.memory_space<vmem_shared>>
    tpu.wait_indirect_dma semaphore(%arg17 : memref<!tpu.dma_semaphore, #tpu.memory_space<semaphore_mem>>) src(%arg12 : memref<80x128xf32, #tpu.memory_space<vmem>>) dst(%dma_wait3A_83 : memref<10000x128xf32, #tpu.memory_space<vmem_shared>>)
    %dma_wait3A_84 = arith.constant 124 : i32
    %dma_wait3A_85 = arith.constant 0 : i32
    %dma_wait3A_86 = tpu.memref_slice %arg10[%dma_wait3A_84, %dma_wait3A_85] : memref<125x80xi32, #tpu.memory_space<vmem>> -> memref<1x80xi32, #tpu.memory_space<vmem>>
    %dma_wait3A_87 = tpu.memref_squeeze %dma_wait3A_86 : memref<1x80xi32, #tpu.memory_space<vmem>> -> memref<80xi32, #tpu.memory_space<vmem>>
    %dma_wait3A_88 = arith.constant 0 : i32
    %dma_wait3A_89 = arith.constant 0 : i32
    %dma_wait3A_90 = tpu.memref_slice %arg13[%dma_wait3A_88, %dma_wait3A_89] : memref<10000x128xf32, #tpu.memory_space<vmem_shared>> -> memref<10000x128xf32, #tpu.memory_space<vmem_shared>>
    tpu.wait_indirect_dma semaphore(%arg16 : memref<!tpu.dma_semaphore, #tpu.memory_space<semaphore_mem>>) src(%arg11 : memref<80x128xf32, #tpu.memory_space<vmem>>) dst(%dma_wait3A_90 : memref<10000x128xf32, #tpu.memory_space<vmem_shared>>)
    %barrier3A_91 = arith.constant 0 : index
    tpu.barrier barrier_id(%barrier3A_91)
    %lt3A_92 = arith.constant 15 : i32
    %lt3A_93 = arith.cmpi slt, %arg1, %lt3A_92 : i32
    %convert_element_type3A_94 = arith.extui %lt3A_93 : i1 to i32
    %cond3A_95 = arith.constant 0 : i32
    %cond3A_96 = arith.cmpi ne, %convert_element_type3A_94, %cond3A_95 : i32
    scf.if %cond3A_96 {
      %mul3A_102 = arith.constant 640 : i32
      %mul3A_103 = arith.muli %arg1, %mul3A_102 : i32
      %mul3A_104 = arith.constant 10000 : i32
      %mul3A_105 = arith.muli %arg0, %mul3A_104 : i32
      %mul3A_106 = arith.constant 640 : i32
      %mul3A_107 = arith.muli %arg1, %mul3A_106 : i32
      %add3A_108 = arith.addi %mul3A_105, %mul3A_107 : i32
      "tpu.region"() ({
        %run_scoped3A = tpu.sem_alloc : memref<!tpu.dma_semaphore, #tpu.memory_space<semaphore_mem>>
        %dma_start3A_109 = arith.constant 0 : i32
        %dma_start3A_110 = tpu.memref_slice %arg7[%add3A_108, %dma_start3A_109] : memref<20000x128xf32, #tpu.memory_space<hbm>> -> memref<640x128xf32, #tpu.memory_space<hbm>>
        %dma_start3A_111 = arith.constant 0 : i32
        %dma_start3A_112 = tpu.memref_slice %arg13[%mul3A_103, %dma_start3A_111] : memref<10000x128xf32, #tpu.memory_space<vmem_shared>> -> memref<640x128xf32, #tpu.memory_space<vmem_shared>>
        tpu.enqueue_dma source(%dma_start3A_112 : memref<640x128xf32, #tpu.memory_space<vmem_shared>>) target(%dma_start3A_110 : memref<640x128xf32, #tpu.memory_space<hbm>>) target_semaphore(%run_scoped3A : memref<!tpu.dma_semaphore, #tpu.memory_space<semaphore_mem>>)
        %dma_wait3A_113 = arith.constant 0 : i32
        %dma_wait3A_114 = tpu.memref_slice %arg7[%add3A_108, %dma_wait3A_113] : memref<20000x128xf32, #tpu.memory_space<hbm>> -> memref<640x128xf32, #tpu.memory_space<hbm>>
        %dma_wait3A_115 = arith.constant 0 : i32
        %dma_wait3A_116 = tpu.memref_slice %arg13[%mul3A_103, %dma_wait3A_115] : memref<10000x128xf32, #tpu.memory_space<vmem_shared>> -> memref<640x128xf32, #tpu.memory_space<vmem_shared>>
        tpu.wait_dma2 semaphore(%run_scoped3A : memref<!tpu.dma_semaphore, #tpu.memory_space<semaphore_mem>>) src(%dma_wait3A_116 : memref<640x128xf32, #tpu.memory_space<vmem_shared>>) dst(%dma_wait3A_114 : memref<640x128xf32, #tpu.memory_space<hbm>>)
        tpu.yield
      }) : () -> ()
    } else {
    }
    %eq3A_97 = arith.constant 15 : i32
    %eq3A_98 = arith.cmpi eq, %arg1, %eq3A_97 : i32
    %convert_element_type3A_99 = arith.extui %eq3A_98 : i1 to i32
    %cond3A_100 = arith.constant 0 : i32
    %cond3A_101 = arith.cmpi ne, %convert_element_type3A_99, %cond3A_100 : i32
    scf.if %cond3A_101 {
      %mul3A_102 = arith.constant 10000 : i32
      %mul3A_103 = arith.muli %arg0, %mul3A_102 : i32
      %add3A_104 = arith.constant 9600 : i32
      %add3A_105 = arith.addi %mul3A_103, %add3A_104 : i32
      "tpu.region"() ({
        %run_scoped3A = tpu.sem_alloc : memref<!tpu.dma_semaphore, #tpu.memory_space<semaphore_mem>>
        %dma_start3A_106 = arith.constant 0 : i32
        %dma_start3A_107 = tpu.memref_slice %arg7[%add3A_105, %dma_start3A_106] : memref<20000x128xf32, #tpu.memory_space<hbm>> -> memref<400x128xf32, #tpu.memory_space<hbm>>
        %dma_start3A_108 = arith.constant 9600 : i32
        %dma_start3A_109 = arith.constant 0 : i32
        %dma_start3A_110 = tpu.memref_slice %arg13[%dma_start3A_108, %dma_start3A_109] : memref<10000x128xf32, #tpu.memory_space<vmem_shared>> -> memref<400x128xf32, #tpu.memory_space<vmem_shared>>
        tpu.enqueue_dma source(%dma_start3A_110 : memref<400x128xf32, #tpu.memory_space<vmem_shared>>) target(%dma_start3A_107 : memref<400x128xf32, #tpu.memory_space<hbm>>) target_semaphore(%run_scoped3A : memref<!tpu.dma_semaphore, #tpu.memory_space<semaphore_mem>>)
        %dma_wait3A_111 = arith.constant 0 : i32
        %dma_wait3A_112 = tpu.memref_slice %arg7[%add3A_105, %dma_wait3A_111] : memref<20000x128xf32, #tpu.memory_space<hbm>> -> memref<400x128xf32, #tpu.memory_space<hbm>>
        %dma_wait3A_113 = arith.constant 9600 : i32
        %dma_wait3A_114 = arith.constant 0 : i32
        %dma_wait3A_115 = tpu.memref_slice %arg13[%dma_wait3A_113, %dma_wait3A_114] : memref<10000x128xf32, #tpu.memory_space<vmem_shared>> -> memref<400x128xf32, #tpu.memory_space<vmem_shared>>
        tpu.wait_dma2 semaphore(%run_scoped3A : memref<!tpu.dma_semaphore, #tpu.memory_space<semaphore_mem>>) src(%dma_wait3A_115 : memref<400x128xf32, #tpu.memory_space<vmem_shared>>) dst(%dma_wait3A_112 : memref<400x128xf32, #tpu.memory_space<hbm>>)
        tpu.yield
      }) : () -> ()
    } else {
    }
    return
  }
}

#map = affine_map<(d0, d1) -> (0, 0)>
#map1 = affine_map<(d0, d1) -> (0, 0, 0)>
module attributes {stable_mosaic.version = 14 : i64} {
  func.func @sc_segsum_128(%arg0: i32, %arg1: i32, %arg2: memref<10000x128xf32, #tpu.memory_space<hbm>>, %arg3: memref<32x10000xi32, #tpu.memory_space<hbm>>, %arg4: memref<32x125x80xi32, #tpu.memory_space<hbm>>, %arg5: memref<640x128xf32, #tpu.memory_space<hbm>>, %arg6: memref<20000x128xf32, #tpu.memory_space<hbm>>, %arg7: memref<10000xi32, #tpu.memory_space<vmem>>, %arg8: memref<125x80xi32, #tpu.memory_space<vmem>>, %arg9: memref<80x128xf32, #tpu.memory_space<vmem>>, %arg10: memref<80x128xf32, #tpu.memory_space<vmem>>, %arg11: memref<10000x128xf32, #tpu.memory_space<vmem_shared>>, %arg12: memref<!tpu.dma_semaphore, #tpu.memory_space<semaphore_mem>>, %arg13: memref<!tpu.dma_semaphore, #tpu.memory_space<semaphore_mem>>, %arg14: memref<!tpu.dma_semaphore, #tpu.memory_space<semaphore_mem>>, %arg15: memref<!tpu.dma_semaphore, #tpu.memory_space<semaphore_mem>>) attributes {dimension_semantics = [#tpu.dimension_semantics<core_parallel>, #tpu.dimension_semantics<subcore_parallel>], iteration_bounds = array<i64: 2, 16>, scalar_prefetch = 0 : i64, scratch_operands = 9 : i64, tpu.core_type = #tpu.core_type<sc_vector_subcore>, window_params = [{transform_indices = #map}, {transform_indices = #map}, {transform_indices = #map1}, {transform_indices = #map}, {transform_indices = #map}]} {
    %mul3A = arith.constant 16 : i32
    %mul3A_0 = arith.muli %arg0, %mul3A : i32
    %add3A = arith.addi %mul3A_0, %arg1 : i32
    %lt3A = arith.constant 15 : i32
    %lt3A_1 = arith.cmpi slt, %arg1, %lt3A : i32
    %convert_element_type3A = arith.extui %lt3A_1 : i1 to i32
    %cond3A = arith.constant 0 : i32
    %cond3A_2 = arith.cmpi ne, %convert_element_type3A, %cond3A : i32
    scf.if %cond3A_2 {
      %mul3A_46 = arith.constant 640 : i32
      %mul3A_47 = arith.muli %arg1, %mul3A_46 : i32
      "tpu.region"() ({
        %run_scoped3A = tpu.sem_alloc : memref<!tpu.dma_semaphore, #tpu.memory_space<semaphore_mem>>
        %dma_start3A_48 = arith.constant 0 : i32
        %dma_start3A_49 = tpu.memref_slice %arg11[%mul3A_47, %dma_start3A_48] : memref<10000x128xf32, #tpu.memory_space<vmem_shared>> -> memref<640x128xf32, #tpu.memory_space<vmem_shared>>
        tpu.enqueue_dma source(%arg5 : memref<640x128xf32, #tpu.memory_space<hbm>>) target(%dma_start3A_49 : memref<640x128xf32, #tpu.memory_space<vmem_shared>>) target_semaphore(%run_scoped3A : memref<!tpu.dma_semaphore, #tpu.memory_space<semaphore_mem>>)
        %dma_wait3A_50 = arith.constant 0 : i32
        %dma_wait3A_51 = tpu.memref_slice %arg11[%mul3A_47, %dma_wait3A_50] : memref<10000x128xf32, #tpu.memory_space<vmem_shared>> -> memref<640x128xf32, #tpu.memory_space<vmem_shared>>
        tpu.wait_dma2 semaphore(%run_scoped3A : memref<!tpu.dma_semaphore, #tpu.memory_space<semaphore_mem>>) src(%arg5 : memref<640x128xf32, #tpu.memory_space<hbm>>) dst(%dma_wait3A_51 : memref<640x128xf32, #tpu.memory_space<vmem_shared>>)
        tpu.yield
      }) : () -> ()
    } else {
    }
    %eq3A = arith.constant 15 : i32
    %eq3A_3 = arith.cmpi eq, %arg1, %eq3A : i32
    %convert_element_type3A_4 = arith.extui %eq3A_3 : i1 to i32
    %cond3A_5 = arith.constant 0 : i32
    %cond3A_6 = arith.cmpi ne, %convert_element_type3A_4, %cond3A_5 : i32
    scf.if %cond3A_6 {
      "tpu.region"() ({
        %run_scoped3A = tpu.sem_alloc : memref<!tpu.dma_semaphore, #tpu.memory_space<semaphore_mem>>
        %dma_start3A_46 = arith.constant 9600 : i32
        %dma_start3A_47 = arith.constant 0 : i32
        %dma_start3A_48 = tpu.memref_slice %arg11[%dma_start3A_46, %dma_start3A_47] : memref<10000x128xf32, #tpu.memory_space<vmem_shared>> -> memref<400x128xf32, #tpu.memory_space<vmem_shared>>
        %dma_start3A_49 = arith.constant 0 : i32
        %dma_start3A_50 = arith.constant 0 : i32
        %dma_start3A_51 = tpu.memref_slice %arg5[%dma_start3A_49, %dma_start3A_50] : memref<640x128xf32, #tpu.memory_space<hbm>> -> memref<400x128xf32, #tpu.memory_space<hbm>>
        tpu.enqueue_dma source(%dma_start3A_51 : memref<400x128xf32, #tpu.memory_space<hbm>>) target(%dma_start3A_48 : memref<400x128xf32, #tpu.memory_space<vmem_shared>>) target_semaphore(%run_scoped3A : memref<!tpu.dma_semaphore, #tpu.memory_space<semaphore_mem>>)
        %dma_wait3A_52 = arith.constant 9600 : i32
        %dma_wait3A_53 = arith.constant 0 : i32
        %dma_wait3A_54 = tpu.memref_slice %arg11[%dma_wait3A_52, %dma_wait3A_53] : memref<10000x128xf32, #tpu.memory_space<vmem_shared>> -> memref<400x128xf32, #tpu.memory_space<vmem_shared>>
        %dma_wait3A_55 = arith.constant 0 : i32
        %dma_wait3A_56 = arith.constant 0 : i32
        %dma_wait3A_57 = tpu.memref_slice %arg5[%dma_wait3A_55, %dma_wait3A_56] : memref<640x128xf32, #tpu.memory_space<hbm>> -> memref<400x128xf32, #tpu.memory_space<hbm>>
        tpu.wait_dma2 semaphore(%run_scoped3A : memref<!tpu.dma_semaphore, #tpu.memory_space<semaphore_mem>>) src(%dma_wait3A_57 : memref<400x128xf32, #tpu.memory_space<hbm>>) dst(%dma_wait3A_54 : memref<400x128xf32, #tpu.memory_space<vmem_shared>>)
        tpu.yield
      }) : () -> ()
    } else {
    }
    "tpu.region"() ({
      %run_scoped3A = tpu.sem_alloc : memref<!tpu.dma_semaphore, #tpu.memory_space<semaphore_mem>>
      %dma_start3A_46 = arith.constant 0 : i32
      %dma_start3A_47 = tpu.memref_slice %arg3[%add3A, %dma_start3A_46] : memref<32x10000xi32, #tpu.memory_space<hbm>> -> memref<1x10000xi32, #tpu.memory_space<hbm>>
      %dma_start3A_48 = tpu.memref_squeeze %dma_start3A_47 : memref<1x10000xi32, #tpu.memory_space<hbm>> -> memref<10000xi32, #tpu.memory_space<hbm>>
      %dma_start3A_49 = arith.constant 0 : i32
      %dma_start3A_50 = tpu.memref_slice %arg3[%add3A, %dma_start3A_49] : memref<32x10000xi32, #tpu.memory_space<hbm>> -> memref<1x10000xi32, #tpu.memory_space<hbm>>
      %dma_start3A_51 = tpu.memref_squeeze %dma_start3A_50 : memref<1x10000xi32, #tpu.memory_space<hbm>> -> memref<10000xi32, #tpu.memory_space<hbm>>
      tpu.enqueue_dma source(%dma_start3A_51 : memref<10000xi32, #tpu.memory_space<hbm>>) target(%arg7 : memref<10000xi32, #tpu.memory_space<vmem>>) target_semaphore(%run_scoped3A : memref<!tpu.dma_semaphore, #tpu.memory_space<semaphore_mem>>)
      %dma_wait3A_52 = arith.constant 0 : i32
      %dma_wait3A_53 = tpu.memref_slice %arg3[%add3A, %dma_wait3A_52] : memref<32x10000xi32, #tpu.memory_space<hbm>> -> memref<1x10000xi32, #tpu.memory_space<hbm>>
      %dma_wait3A_54 = tpu.memref_squeeze %dma_wait3A_53 : memref<1x10000xi32, #tpu.memory_space<hbm>> -> memref<10000xi32, #tpu.memory_space<hbm>>
      %dma_wait3A_55 = arith.constant 0 : i32
      %dma_wait3A_56 = tpu.memref_slice %arg3[%add3A, %dma_wait3A_55] : memref<32x10000xi32, #tpu.memory_space<hbm>> -> memref<1x10000xi32, #tpu.memory_space<hbm>>
      %dma_wait3A_57 = tpu.memref_squeeze %dma_wait3A_56 : memref<1x10000xi32, #tpu.memory_space<hbm>> -> memref<10000xi32, #tpu.memory_space<hbm>>
      tpu.wait_dma2 semaphore(%run_scoped3A : memref<!tpu.dma_semaphore, #tpu.memory_space<semaphore_mem>>) src(%dma_wait3A_57 : memref<10000xi32, #tpu.memory_space<hbm>>) dst(%arg7 : memref<10000xi32, #tpu.memory_space<vmem>>)
      tpu.yield
    }) : () -> ()
    "tpu.region"() ({
      %run_scoped3A = tpu.sem_alloc : memref<!tpu.dma_semaphore, #tpu.memory_space<semaphore_mem>>
      %dma_start3A_46 = arith.constant 0 : i32
      %dma_start3A_47 = arith.constant 0 : i32
      %dma_start3A_48 = tpu.memref_slice %arg4[%add3A, %dma_start3A_46, %dma_start3A_47] : memref<32x125x80xi32, #tpu.memory_space<hbm>> -> memref<1x125x80xi32, #tpu.memory_space<hbm>>
      %dma_start3A_49 = tpu.memref_squeeze %dma_start3A_48 : memref<1x125x80xi32, #tpu.memory_space<hbm>> -> memref<125x80xi32, #tpu.memory_space<hbm>>
      %dma_start3A_50 = arith.constant 0 : i32
      %dma_start3A_51 = arith.constant 0 : i32
      %dma_start3A_52 = tpu.memref_slice %arg4[%add3A, %dma_start3A_50, %dma_start3A_51] : memref<32x125x80xi32, #tpu.memory_space<hbm>> -> memref<1x125x80xi32, #tpu.memory_space<hbm>>
      %dma_start3A_53 = tpu.memref_squeeze %dma_start3A_52 : memref<1x125x80xi32, #tpu.memory_space<hbm>> -> memref<125x80xi32, #tpu.memory_space<hbm>>
      tpu.enqueue_dma source(%dma_start3A_53 : memref<125x80xi32, #tpu.memory_space<hbm>>) target(%arg8 : memref<125x80xi32, #tpu.memory_space<vmem>>) target_semaphore(%run_scoped3A : memref<!tpu.dma_semaphore, #tpu.memory_space<semaphore_mem>>)
      %dma_wait3A_54 = arith.constant 0 : i32
      %dma_wait3A_55 = arith.constant 0 : i32
      %dma_wait3A_56 = tpu.memref_slice %arg4[%add3A, %dma_wait3A_54, %dma_wait3A_55] : memref<32x125x80xi32, #tpu.memory_space<hbm>> -> memref<1x125x80xi32, #tpu.memory_space<hbm>>
      %dma_wait3A_57 = tpu.memref_squeeze %dma_wait3A_56 : memref<1x125x80xi32, #tpu.memory_space<hbm>> -> memref<125x80xi32, #tpu.memory_space<hbm>>
      %dma_wait3A_58 = arith.constant 0 : i32
      %dma_wait3A_59 = arith.constant 0 : i32
      %dma_wait3A_60 = tpu.memref_slice %arg4[%add3A, %dma_wait3A_58, %dma_wait3A_59] : memref<32x125x80xi32, #tpu.memory_space<hbm>> -> memref<1x125x80xi32, #tpu.memory_space<hbm>>
      %dma_wait3A_61 = tpu.memref_squeeze %dma_wait3A_60 : memref<1x125x80xi32, #tpu.memory_space<hbm>> -> memref<125x80xi32, #tpu.memory_space<hbm>>
      tpu.wait_dma2 semaphore(%run_scoped3A : memref<!tpu.dma_semaphore, #tpu.memory_space<semaphore_mem>>) src(%dma_wait3A_61 : memref<125x80xi32, #tpu.memory_space<hbm>>) dst(%arg8 : memref<125x80xi32, #tpu.memory_space<vmem>>)
      tpu.yield
    }) : () -> ()
    %barrier3A = arith.constant 0 : index
    tpu.barrier barrier_id(%barrier3A)
    %multiple_of3A = arith.constant 0 : i32
    %multiple_of3A_7 = tpu.assume_multiple %multiple_of3A, 8 : i32
    %dma_start3A = tpu.memref_slice %arg7[%multiple_of3A_7] : memref<10000xi32, #tpu.memory_space<vmem>> -> memref<80xi32, #tpu.memory_space<vmem>>
    %dma_start3A_8 = arith.constant 0 : i32
    %dma_start3A_9 = arith.constant 0 : i32
    %dma_start3A_10 = tpu.memref_slice %arg2[%dma_start3A_8, %dma_start3A_9] : memref<10000x128xf32, #tpu.memory_space<hbm>> -> memref<10000x128xf32, #tpu.memory_space<hbm>>
    tpu.enqueue_indirect_dma source(%dma_start3A_10 : memref<10000x128xf32, #tpu.memory_space<hbm>>) target(%arg9 : memref<80x128xf32, #tpu.memory_space<vmem>>) offsets(%dma_start3A : memref<80xi32, #tpu.memory_space<vmem>>) semaphore(%arg12 : memref<!tpu.dma_semaphore, #tpu.memory_space<semaphore_mem>>)
    %multiple_of3A_11 = arith.constant 80 : i32
    %multiple_of3A_12 = tpu.assume_multiple %multiple_of3A_11, 8 : i32
    %dma_start3A_13 = tpu.memref_slice %arg7[%multiple_of3A_12] : memref<10000xi32, #tpu.memory_space<vmem>> -> memref<80xi32, #tpu.memory_space<vmem>>
    %dma_start3A_14 = arith.constant 0 : i32
    %dma_start3A_15 = arith.constant 0 : i32
    %dma_start3A_16 = tpu.memref_slice %arg2[%dma_start3A_14, %dma_start3A_15] : memref<10000x128xf32, #tpu.memory_space<hbm>> -> memref<10000x128xf32, #tpu.memory_space<hbm>>
    tpu.enqueue_indirect_dma source(%dma_start3A_16 : memref<10000x128xf32, #tpu.memory_space<hbm>>) target(%arg10 : memref<80x128xf32, #tpu.memory_space<vmem>>) offsets(%dma_start3A_13 : memref<80xi32, #tpu.memory_space<vmem>>) semaphore(%arg13 : memref<!tpu.dma_semaphore, #tpu.memory_space<semaphore_mem>>)
    %scan3A = arith.constant 0 : i32
    %scan3A_17 = arith.constant 0 : i32
    %scan3A_18 = arith.constant 63 : i32
    %scan3A_19 = arith.addi %scan3A_17, %scan3A_18 : i32
    %scan3A_20 = arith.constant 1 : i32
    scf.for %scan3A_46 = %scan3A_17 to %scan3A_19 step %scan3A_20  : i32 {
      %mul3A_47 = arith.constant 2 : i32
      %mul3A_48 = arith.muli %mul3A_47, %scan3A_46 : i32
      %mul3A_49 = arith.constant 80 : i32
      %mul3A_50 = arith.muli %mul3A_48, %mul3A_49 : i32
      %multiple_of3A_51 = tpu.assume_multiple %mul3A_50, 8 : i32
      %dma_wait3A_52 = tpu.memref_slice %arg7[%multiple_of3A_51] : memref<10000xi32, #tpu.memory_space<vmem>> -> memref<80xi32, #tpu.memory_space<vmem>>
      %dma_wait3A_53 = arith.constant 0 : i32
      %dma_wait3A_54 = arith.constant 0 : i32
      %dma_wait3A_55 = tpu.memref_slice %arg2[%dma_wait3A_53, %dma_wait3A_54] : memref<10000x128xf32, #tpu.memory_space<hbm>> -> memref<10000x128xf32, #tpu.memory_space<hbm>>
      tpu.wait_indirect_dma semaphore(%arg12 : memref<!tpu.dma_semaphore, #tpu.memory_space<semaphore_mem>>) src(%dma_wait3A_55 : memref<10000x128xf32, #tpu.memory_space<hbm>>) dst(%arg9 : memref<80x128xf32, #tpu.memory_space<vmem>>)
      %dma_start3A_56 = arith.constant 0 : i32
      %dma_start3A_57 = tpu.memref_slice %arg8[%mul3A_48, %dma_start3A_56] : memref<125x80xi32, #tpu.memory_space<vmem>> -> memref<1x80xi32, #tpu.memory_space<vmem>>
      %dma_start3A_58 = tpu.memref_squeeze %dma_start3A_57 : memref<1x80xi32, #tpu.memory_space<vmem>> -> memref<80xi32, #tpu.memory_space<vmem>>
      %dma_start3A_59 = arith.constant 0 : i32
      %dma_start3A_60 = arith.constant 0 : i32
      %dma_start3A_61 = tpu.memref_slice %arg11[%dma_start3A_59, %dma_start3A_60] : memref<10000x128xf32, #tpu.memory_space<vmem_shared>> -> memref<10000x128xf32, #tpu.memory_space<vmem_shared>>
      tpu.enqueue_indirect_dma source(%arg9 : memref<80x128xf32, #tpu.memory_space<vmem>>) target(%dma_start3A_61 : memref<10000x128xf32, #tpu.memory_space<vmem_shared>>) offsets(%dma_start3A_58 : memref<80xi32, #tpu.memory_space<vmem>>) semaphore(%arg14 : memref<!tpu.dma_semaphore, #tpu.memory_space<semaphore_mem>>) {add = true}
      %add3A_62 = arith.constant 1 : i32
      %add3A_63 = arith.addi %mul3A_48, %add3A_62 : i32
      %lt3A_64 = arith.constant 125 : i32
      %lt3A_65 = arith.cmpi slt, %add3A_63, %lt3A_64 : i32
      %convert_element_type3A_66 = arith.extui %lt3A_65 : i1 to i32
      %cond3A_67 = arith.constant 0 : i32
      %cond3A_68 = arith.cmpi ne, %convert_element_type3A_66, %cond3A_67 : i32
      scf.if %cond3A_68 {
        %add3A_83 = arith.constant 1 : i32
        %add3A_84 = arith.addi %mul3A_48, %add3A_83 : i32
        %mul3A_85 = arith.constant 80 : i32
        %mul3A_86 = arith.muli %add3A_84, %mul3A_85 : i32
        %multiple_of3A_87 = tpu.assume_multiple %mul3A_86, 8 : i32
        %dma_wait3A_88 = tpu.memref_slice %arg7[%multiple_of3A_87] : memref<10000xi32, #tpu.memory_space<vmem>> -> memref<80xi32, #tpu.memory_space<vmem>>
        %dma_wait3A_89 = arith.constant 0 : i32
        %dma_wait3A_90 = arith.constant 0 : i32
        %dma_wait3A_91 = tpu.memref_slice %arg2[%dma_wait3A_89, %dma_wait3A_90] : memref<10000x128xf32, #tpu.memory_space<hbm>> -> memref<10000x128xf32, #tpu.memory_space<hbm>>
        tpu.wait_indirect_dma semaphore(%arg13 : memref<!tpu.dma_semaphore, #tpu.memory_space<semaphore_mem>>) src(%dma_wait3A_91 : memref<10000x128xf32, #tpu.memory_space<hbm>>) dst(%arg10 : memref<80x128xf32, #tpu.memory_space<vmem>>)
        %add3A_92 = arith.constant 1 : i32
        %add3A_93 = arith.addi %mul3A_48, %add3A_92 : i32
        %dma_start3A_94 = arith.constant 0 : i32
        %dma_start3A_95 = tpu.memref_slice %arg8[%add3A_93, %dma_start3A_94] : memref<125x80xi32, #tpu.memory_space<vmem>> -> memref<1x80xi32, #tpu.memory_space<vmem>>
        %dma_start3A_96 = tpu.memref_squeeze %dma_start3A_95 : memref<1x80xi32, #tpu.memory_space<vmem>> -> memref<80xi32, #tpu.memory_space<vmem>>
        %dma_start3A_97 = arith.constant 0 : i32
        %dma_start3A_98 = arith.constant 0 : i32
        %dma_start3A_99 = tpu.memref_slice %arg11[%dma_start3A_97, %dma_start3A_98] : memref<10000x128xf32, #tpu.memory_space<vmem_shared>> -> memref<10000x128xf32, #tpu.memory_space<vmem_shared>>
        tpu.enqueue_indirect_dma source(%arg10 : memref<80x128xf32, #tpu.memory_space<vmem>>) target(%dma_start3A_99 : memref<10000x128xf32, #tpu.memory_space<vmem_shared>>) offsets(%dma_start3A_96 : memref<80xi32, #tpu.memory_space<vmem>>) semaphore(%arg15 : memref<!tpu.dma_semaphore, #tpu.memory_space<semaphore_mem>>) {add = true}
      } else {
      }
      %add3A_69 = arith.constant 2 : i32
      %add3A_70 = arith.addi %mul3A_48, %add3A_69 : i32
      %lt3A_71 = arith.constant 125 : i32
      %lt3A_72 = arith.cmpi slt, %add3A_70, %lt3A_71 : i32
      %convert_element_type3A_73 = arith.extui %lt3A_72 : i1 to i32
      %cond3A_74 = arith.constant 0 : i32
      %cond3A_75 = arith.cmpi ne, %convert_element_type3A_73, %cond3A_74 : i32
      scf.if %cond3A_75 {
        %dma_wait3A_83 = arith.constant 0 : i32
        %dma_wait3A_84 = tpu.memref_slice %arg8[%mul3A_48, %dma_wait3A_83] : memref<125x80xi32, #tpu.memory_space<vmem>> -> memref<1x80xi32, #tpu.memory_space<vmem>>
        %dma_wait3A_85 = tpu.memref_squeeze %dma_wait3A_84 : memref<1x80xi32, #tpu.memory_space<vmem>> -> memref<80xi32, #tpu.memory_space<vmem>>
        %dma_wait3A_86 = arith.constant 0 : i32
        %dma_wait3A_87 = arith.constant 0 : i32
        %dma_wait3A_88 = tpu.memref_slice %arg11[%dma_wait3A_86, %dma_wait3A_87] : memref<10000x128xf32, #tpu.memory_space<vmem_shared>> -> memref<10000x128xf32, #tpu.memory_space<vmem_shared>>
        tpu.wait_indirect_dma semaphore(%arg14 : memref<!tpu.dma_semaphore, #tpu.memory_space<semaphore_mem>>) src(%arg9 : memref<80x128xf32, #tpu.memory_space<vmem>>) dst(%dma_wait3A_88 : memref<10000x128xf32, #tpu.memory_space<vmem_shared>>)
        %add3A_89 = arith.constant 2 : i32
        %add3A_90 = arith.addi %mul3A_48, %add3A_89 : i32
        %mul3A_91 = arith.constant 80 : i32
        %mul3A_92 = arith.muli %add3A_90, %mul3A_91 : i32
        %multiple_of3A_93 = tpu.assume_multiple %mul3A_92, 8 : i32
        %dma_start3A_94 = tpu.memref_slice %arg7[%multiple_of3A_93] : memref<10000xi32, #tpu.memory_space<vmem>> -> memref<80xi32, #tpu.memory_space<vmem>>
        %dma_start3A_95 = arith.constant 0 : i32
        %dma_start3A_96 = arith.constant 0 : i32
        %dma_start3A_97 = tpu.memref_slice %arg2[%dma_start3A_95, %dma_start3A_96] : memref<10000x128xf32, #tpu.memory_space<hbm>> -> memref<10000x128xf32, #tpu.memory_space<hbm>>
        tpu.enqueue_indirect_dma source(%dma_start3A_97 : memref<10000x128xf32, #tpu.memory_space<hbm>>) target(%arg9 : memref<80x128xf32, #tpu.memory_space<vmem>>) offsets(%dma_start3A_94 : memref<80xi32, #tpu.memory_space<vmem>>) semaphore(%arg12 : memref<!tpu.dma_semaphore, #tpu.memory_space<semaphore_mem>>)
      } else {
      }
      %add3A_76 = arith.constant 3 : i32
      %add3A_77 = arith.addi %mul3A_48, %add3A_76 : i32
      %lt3A_78 = arith.constant 125 : i32
      %lt3A_79 = arith.cmpi slt, %add3A_77, %lt3A_78 : i32
      %convert_element_type3A_80 = arith.extui %lt3A_79 : i1 to i32
      %cond3A_81 = arith.constant 0 : i32
      %cond3A_82 = arith.cmpi ne, %convert_element_type3A_80, %cond3A_81 : i32
      scf.if %cond3A_82 {
        %add3A_83 = arith.constant 1 : i32
        %add3A_84 = arith.addi %mul3A_48, %add3A_83 : i32
        %dma_wait3A_85 = arith.constant 0 : i32
        %dma_wait3A_86 = tpu.memref_slice %arg8[%add3A_84, %dma_wait3A_85] : memref<125x80xi32, #tpu.memory_space<vmem>> -> memref<1x80xi32, #tpu.memory_space<vmem>>
        %dma_wait3A_87 = tpu.memref_squeeze %dma_wait3A_86 : memref<1x80xi32, #tpu.memory_space<vmem>> -> memref<80xi32, #tpu.memory_space<vmem>>
        %dma_wait3A_88 = arith.constant 0 : i32
        %dma_wait3A_89 = arith.constant 0 : i32
        %dma_wait3A_90 = tpu.memref_slice %arg11[%dma_wait3A_88, %dma_wait3A_89] : memref<10000x128xf32, #tpu.memory_space<vmem_shared>> -> memref<10000x128xf32, #tpu.memory_space<vmem_shared>>
        tpu.wait_indirect_dma semaphore(%arg15 : memref<!tpu.dma_semaphore, #tpu.memory_space<semaphore_mem>>) src(%arg10 : memref<80x128xf32, #tpu.memory_space<vmem>>) dst(%dma_wait3A_90 : memref<10000x128xf32, #tpu.memory_space<vmem_shared>>)
        %add3A_91 = arith.constant 3 : i32
        %add3A_92 = arith.addi %mul3A_48, %add3A_91 : i32
        %mul3A_93 = arith.constant 80 : i32
        %mul3A_94 = arith.muli %add3A_92, %mul3A_93 : i32
        %multiple_of3A_95 = tpu.assume_multiple %mul3A_94, 8 : i32
        %dma_start3A_96 = tpu.memref_slice %arg7[%multiple_of3A_95] : memref<10000xi32, #tpu.memory_space<vmem>> -> memref<80xi32, #tpu.memory_space<vmem>>
        %dma_start3A_97 = arith.constant 0 : i32
        %dma_start3A_98 = arith.constant 0 : i32
        %dma_start3A_99 = tpu.memref_slice %arg2[%dma_start3A_97, %dma_start3A_98] : memref<10000x128xf32, #tpu.memory_space<hbm>> -> memref<10000x128xf32, #tpu.memory_space<hbm>>
        tpu.enqueue_indirect_dma source(%dma_start3A_99 : memref<10000x128xf32, #tpu.memory_space<hbm>>) target(%arg10 : memref<80x128xf32, #tpu.memory_space<vmem>>) offsets(%dma_start3A_96 : memref<80xi32, #tpu.memory_space<vmem>>) semaphore(%arg13 : memref<!tpu.dma_semaphore, #tpu.memory_space<semaphore_mem>>)
      } else {
      }
    }
    %scan3A_21 = arith.constant 63 : i32
    %dma_wait3A = arith.constant 123 : i32
    %dma_wait3A_22 = arith.constant 0 : i32
    %dma_wait3A_23 = tpu.memref_slice %arg8[%dma_wait3A, %dma_wait3A_22] : memref<125x80xi32, #tpu.memory_space<vmem>> -> memref<1x80xi32, #tpu.memory_space<vmem>>
    %dma_wait3A_24 = tpu.memref_squeeze %dma_wait3A_23 : memref<1x80xi32, #tpu.memory_space<vmem>> -> memref<80xi32, #tpu.memory_space<vmem>>
    %dma_wait3A_25 = arith.constant 0 : i32
    %dma_wait3A_26 = arith.constant 0 : i32
    %dma_wait3A_27 = tpu.memref_slice %arg11[%dma_wait3A_25, %dma_wait3A_26] : memref<10000x128xf32, #tpu.memory_space<vmem_shared>> -> memref<10000x128xf32, #tpu.memory_space<vmem_shared>>
    tpu.wait_indirect_dma semaphore(%arg15 : memref<!tpu.dma_semaphore, #tpu.memory_space<semaphore_mem>>) src(%arg10 : memref<80x128xf32, #tpu.memory_space<vmem>>) dst(%dma_wait3A_27 : memref<10000x128xf32, #tpu.memory_space<vmem_shared>>)
    %dma_wait3A_28 = arith.constant 124 : i32
    %dma_wait3A_29 = arith.constant 0 : i32
    %dma_wait3A_30 = tpu.memref_slice %arg8[%dma_wait3A_28, %dma_wait3A_29] : memref<125x80xi32, #tpu.memory_space<vmem>> -> memref<1x80xi32, #tpu.memory_space<vmem>>
    %dma_wait3A_31 = tpu.memref_squeeze %dma_wait3A_30 : memref<1x80xi32, #tpu.memory_space<vmem>> -> memref<80xi32, #tpu.memory_space<vmem>>
    %dma_wait3A_32 = arith.constant 0 : i32
    %dma_wait3A_33 = arith.constant 0 : i32
    %dma_wait3A_34 = tpu.memref_slice %arg11[%dma_wait3A_32, %dma_wait3A_33] : memref<10000x128xf32, #tpu.memory_space<vmem_shared>> -> memref<10000x128xf32, #tpu.memory_space<vmem_shared>>
    tpu.wait_indirect_dma semaphore(%arg14 : memref<!tpu.dma_semaphore, #tpu.memory_space<semaphore_mem>>) src(%arg9 : memref<80x128xf32, #tpu.memory_space<vmem>>) dst(%dma_wait3A_34 : memref<10000x128xf32, #tpu.memory_space<vmem_shared>>)
    %barrier3A_35 = arith.constant 0 : index
    tpu.barrier barrier_id(%barrier3A_35)
    %lt3A_36 = arith.constant 15 : i32
    %lt3A_37 = arith.cmpi slt, %arg1, %lt3A_36 : i32
    %convert_element_type3A_38 = arith.extui %lt3A_37 : i1 to i32
    %cond3A_39 = arith.constant 0 : i32
    %cond3A_40 = arith.cmpi ne, %convert_element_type3A_38, %cond3A_39 : i32
    scf.if %cond3A_40 {
      %mul3A_46 = arith.constant 640 : i32
      %mul3A_47 = arith.muli %arg1, %mul3A_46 : i32
      %mul3A_48 = arith.constant 10000 : i32
      %mul3A_49 = arith.muli %arg0, %mul3A_48 : i32
      %mul3A_50 = arith.constant 640 : i32
      %mul3A_51 = arith.muli %arg1, %mul3A_50 : i32
      %add3A_52 = arith.addi %mul3A_49, %mul3A_51 : i32
      "tpu.region"() ({
        %run_scoped3A = tpu.sem_alloc : memref<!tpu.dma_semaphore, #tpu.memory_space<semaphore_mem>>
        %dma_start3A_53 = arith.constant 0 : i32
        %dma_start3A_54 = tpu.memref_slice %arg6[%add3A_52, %dma_start3A_53] : memref<20000x128xf32, #tpu.memory_space<hbm>> -> memref<640x128xf32, #tpu.memory_space<hbm>>
        %dma_start3A_55 = arith.constant 0 : i32
        %dma_start3A_56 = tpu.memref_slice %arg11[%mul3A_47, %dma_start3A_55] : memref<10000x128xf32, #tpu.memory_space<vmem_shared>> -> memref<640x128xf32, #tpu.memory_space<vmem_shared>>
        tpu.enqueue_dma source(%dma_start3A_56 : memref<640x128xf32, #tpu.memory_space<vmem_shared>>) target(%dma_start3A_54 : memref<640x128xf32, #tpu.memory_space<hbm>>) target_semaphore(%run_scoped3A : memref<!tpu.dma_semaphore, #tpu.memory_space<semaphore_mem>>)
        %dma_wait3A_57 = arith.constant 0 : i32
        %dma_wait3A_58 = tpu.memref_slice %arg6[%add3A_52, %dma_wait3A_57] : memref<20000x128xf32, #tpu.memory_space<hbm>> -> memref<640x128xf32, #tpu.memory_space<hbm>>
        %dma_wait3A_59 = arith.constant 0 : i32
        %dma_wait3A_60 = tpu.memref_slice %arg11[%mul3A_47, %dma_wait3A_59] : memref<10000x128xf32, #tpu.memory_space<vmem_shared>> -> memref<640x128xf32, #tpu.memory_space<vmem_shared>>
        tpu.wait_dma2 semaphore(%run_scoped3A : memref<!tpu.dma_semaphore, #tpu.memory_space<semaphore_mem>>) src(%dma_wait3A_60 : memref<640x128xf32, #tpu.memory_space<vmem_shared>>) dst(%dma_wait3A_58 : memref<640x128xf32, #tpu.memory_space<hbm>>)
        tpu.yield
      }) : () -> ()
    } else {
    }
    %eq3A_41 = arith.constant 15 : i32
    %eq3A_42 = arith.cmpi eq, %arg1, %eq3A_41 : i32
    %convert_element_type3A_43 = arith.extui %eq3A_42 : i1 to i32
    %cond3A_44 = arith.constant 0 : i32
    %cond3A_45 = arith.cmpi ne, %convert_element_type3A_43, %cond3A_44 : i32
    scf.if %cond3A_45 {
      %mul3A_46 = arith.constant 10000 : i32
      %mul3A_47 = arith.muli %arg0, %mul3A_46 : i32
      %add3A_48 = arith.constant 9600 : i32
      %add3A_49 = arith.addi %mul3A_47, %add3A_48 : i32
      "tpu.region"() ({
        %run_scoped3A = tpu.sem_alloc : memref<!tpu.dma_semaphore, #tpu.memory_space<semaphore_mem>>
        %dma_start3A_50 = arith.constant 0 : i32
        %dma_start3A_51 = tpu.memref_slice %arg6[%add3A_49, %dma_start3A_50] : memref<20000x128xf32, #tpu.memory_space<hbm>> -> memref<400x128xf32, #tpu.memory_space<hbm>>
        %dma_start3A_52 = arith.constant 9600 : i32
        %dma_start3A_53 = arith.constant 0 : i32
        %dma_start3A_54 = tpu.memref_slice %arg11[%dma_start3A_52, %dma_start3A_53] : memref<10000x128xf32, #tpu.memory_space<vmem_shared>> -> memref<400x128xf32, #tpu.memory_space<vmem_shared>>
        tpu.enqueue_dma source(%dma_start3A_54 : memref<400x128xf32, #tpu.memory_space<vmem_shared>>) target(%dma_start3A_51 : memref<400x128xf32, #tpu.memory_space<hbm>>) target_semaphore(%run_scoped3A : memref<!tpu.dma_semaphore, #tpu.memory_space<semaphore_mem>>)
        %dma_wait3A_55 = arith.constant 0 : i32
        %dma_wait3A_56 = tpu.memref_slice %arg6[%add3A_49, %dma_wait3A_55] : memref<20000x128xf32, #tpu.memory_space<hbm>> -> memref<400x128xf32, #tpu.memory_space<hbm>>
        %dma_wait3A_57 = arith.constant 9600 : i32
        %dma_wait3A_58 = arith.constant 0 : i32
        %dma_wait3A_59 = tpu.memref_slice %arg11[%dma_wait3A_57, %dma_wait3A_58] : memref<10000x128xf32, #tpu.memory_space<vmem_shared>> -> memref<400x128xf32, #tpu.memory_space<vmem_shared>>
        tpu.wait_dma2 semaphore(%run_scoped3A : memref<!tpu.dma_semaphore, #tpu.memory_space<semaphore_mem>>) src(%dma_wait3A_59 : memref<400x128xf32, #tpu.memory_space<vmem_shared>>) dst(%dma_wait3A_56 : memref<400x128xf32, #tpu.memory_space<hbm>>)
        tpu.yield
      }) : () -> ()
    } else {
    }
    return
  }
}

#map = affine_map<(d0, d1) -> (0, 0)>
#map1 = affine_map<(d0, d1) -> (0, 0, 0)>
module attributes {stable_mosaic.version = 14 : i64} {
  func.func @sc_segsum_128(%arg0: i32, %arg1: i32, %arg2: memref<10000x128xf32, #tpu.memory_space<hbm>>, %arg3: memref<32x10000xi32, #tpu.memory_space<hbm>>, %arg4: memref<32x125x80xi32, #tpu.memory_space<hbm>>, %arg5: memref<640x128xf32, #tpu.memory_space<hbm>>, %arg6: memref<20000x128xf32, #tpu.memory_space<hbm>>, %arg7: memref<10000xi32, #tpu.memory_space<vmem>>, %arg8: memref<125x80xi32, #tpu.memory_space<vmem>>, %arg9: memref<80x128xf32, #tpu.memory_space<vmem>>, %arg10: memref<80x128xf32, #tpu.memory_space<vmem>>, %arg11: memref<10000x128xf32, #tpu.memory_space<vmem_shared>>, %arg12: memref<!tpu.dma_semaphore, #tpu.memory_space<semaphore_mem>>, %arg13: memref<!tpu.dma_semaphore, #tpu.memory_space<semaphore_mem>>, %arg14: memref<!tpu.dma_semaphore, #tpu.memory_space<semaphore_mem>>, %arg15: memref<!tpu.dma_semaphore, #tpu.memory_space<semaphore_mem>>) attributes {dimension_semantics = [#tpu.dimension_semantics<core_parallel>, #tpu.dimension_semantics<subcore_parallel>], iteration_bounds = array<i64: 2, 16>, scalar_prefetch = 0 : i64, scratch_operands = 9 : i64, tpu.core_type = #tpu.core_type<sc_vector_subcore>, window_params = [{transform_indices = #map}, {transform_indices = #map}, {transform_indices = #map1}, {transform_indices = #map}, {transform_indices = #map}]} {
    %mul3A = arith.constant 16 : i32
    %mul3A_0 = arith.muli %arg0, %mul3A : i32
    %add3A = arith.addi %mul3A_0, %arg1 : i32
    %lt3A = arith.constant 15 : i32
    %lt3A_1 = arith.cmpi slt, %arg1, %lt3A : i32
    %convert_element_type3A = arith.extui %lt3A_1 : i1 to i32
    %cond3A = arith.constant 0 : i32
    %cond3A_2 = arith.cmpi ne, %convert_element_type3A, %cond3A : i32
    scf.if %cond3A_2 {
      %mul3A_46 = arith.constant 640 : i32
      %mul3A_47 = arith.muli %arg1, %mul3A_46 : i32
      "tpu.region"() ({
        %run_scoped3A = tpu.sem_alloc : memref<!tpu.dma_semaphore, #tpu.memory_space<semaphore_mem>>
        %dma_start3A_48 = arith.constant 0 : i32
        %dma_start3A_49 = tpu.memref_slice %arg11[%mul3A_47, %dma_start3A_48] : memref<10000x128xf32, #tpu.memory_space<vmem_shared>> -> memref<640x128xf32, #tpu.memory_space<vmem_shared>>
        tpu.enqueue_dma source(%arg5 : memref<640x128xf32, #tpu.memory_space<hbm>>) target(%dma_start3A_49 : memref<640x128xf32, #tpu.memory_space<vmem_shared>>) target_semaphore(%run_scoped3A : memref<!tpu.dma_semaphore, #tpu.memory_space<semaphore_mem>>)
        %dma_wait3A_50 = arith.constant 0 : i32
        %dma_wait3A_51 = tpu.memref_slice %arg11[%mul3A_47, %dma_wait3A_50] : memref<10000x128xf32, #tpu.memory_space<vmem_shared>> -> memref<640x128xf32, #tpu.memory_space<vmem_shared>>
        tpu.wait_dma2 semaphore(%run_scoped3A : memref<!tpu.dma_semaphore, #tpu.memory_space<semaphore_mem>>) src(%arg5 : memref<640x128xf32, #tpu.memory_space<hbm>>) dst(%dma_wait3A_51 : memref<640x128xf32, #tpu.memory_space<vmem_shared>>)
        tpu.yield
      }) : () -> ()
    } else {
    }
    %eq3A = arith.constant 15 : i32
    %eq3A_3 = arith.cmpi eq, %arg1, %eq3A : i32
    %convert_element_type3A_4 = arith.extui %eq3A_3 : i1 to i32
    %cond3A_5 = arith.constant 0 : i32
    %cond3A_6 = arith.cmpi ne, %convert_element_type3A_4, %cond3A_5 : i32
    scf.if %cond3A_6 {
      "tpu.region"() ({
        %run_scoped3A = tpu.sem_alloc : memref<!tpu.dma_semaphore, #tpu.memory_space<semaphore_mem>>
        %dma_start3A_46 = arith.constant 9600 : i32
        %dma_start3A_47 = arith.constant 0 : i32
        %dma_start3A_48 = tpu.memref_slice %arg11[%dma_start3A_46, %dma_start3A_47] : memref<10000x128xf32, #tpu.memory_space<vmem_shared>> -> memref<400x128xf32, #tpu.memory_space<vmem_shared>>
        %dma_start3A_49 = arith.constant 0 : i32
        %dma_start3A_50 = arith.constant 0 : i32
        %dma_start3A_51 = tpu.memref_slice %arg5[%dma_start3A_49, %dma_start3A_50] : memref<640x128xf32, #tpu.memory_space<hbm>> -> memref<400x128xf32, #tpu.memory_space<hbm>>
        tpu.enqueue_dma source(%dma_start3A_51 : memref<400x128xf32, #tpu.memory_space<hbm>>) target(%dma_start3A_48 : memref<400x128xf32, #tpu.memory_space<vmem_shared>>) target_semaphore(%run_scoped3A : memref<!tpu.dma_semaphore, #tpu.memory_space<semaphore_mem>>)
        %dma_wait3A_52 = arith.constant 9600 : i32
        %dma_wait3A_53 = arith.constant 0 : i32
        %dma_wait3A_54 = tpu.memref_slice %arg11[%dma_wait3A_52, %dma_wait3A_53] : memref<10000x128xf32, #tpu.memory_space<vmem_shared>> -> memref<400x128xf32, #tpu.memory_space<vmem_shared>>
        %dma_wait3A_55 = arith.constant 0 : i32
        %dma_wait3A_56 = arith.constant 0 : i32
        %dma_wait3A_57 = tpu.memref_slice %arg5[%dma_wait3A_55, %dma_wait3A_56] : memref<640x128xf32, #tpu.memory_space<hbm>> -> memref<400x128xf32, #tpu.memory_space<hbm>>
        tpu.wait_dma2 semaphore(%run_scoped3A : memref<!tpu.dma_semaphore, #tpu.memory_space<semaphore_mem>>) src(%dma_wait3A_57 : memref<400x128xf32, #tpu.memory_space<hbm>>) dst(%dma_wait3A_54 : memref<400x128xf32, #tpu.memory_space<vmem_shared>>)
        tpu.yield
      }) : () -> ()
    } else {
    }
    "tpu.region"() ({
      %run_scoped3A = tpu.sem_alloc : memref<!tpu.dma_semaphore, #tpu.memory_space<semaphore_mem>>
      %dma_start3A_46 = arith.constant 0 : i32
      %dma_start3A_47 = tpu.memref_slice %arg3[%add3A, %dma_start3A_46] : memref<32x10000xi32, #tpu.memory_space<hbm>> -> memref<1x10000xi32, #tpu.memory_space<hbm>>
      %dma_start3A_48 = tpu.memref_squeeze %dma_start3A_47 : memref<1x10000xi32, #tpu.memory_space<hbm>> -> memref<10000xi32, #tpu.memory_space<hbm>>
      %dma_start3A_49 = arith.constant 0 : i32
      %dma_start3A_50 = tpu.memref_slice %arg3[%add3A, %dma_start3A_49] : memref<32x10000xi32, #tpu.memory_space<hbm>> -> memref<1x10000xi32, #tpu.memory_space<hbm>>
      %dma_start3A_51 = tpu.memref_squeeze %dma_start3A_50 : memref<1x10000xi32, #tpu.memory_space<hbm>> -> memref<10000xi32, #tpu.memory_space<hbm>>
      tpu.enqueue_dma source(%dma_start3A_51 : memref<10000xi32, #tpu.memory_space<hbm>>) target(%arg7 : memref<10000xi32, #tpu.memory_space<vmem>>) target_semaphore(%run_scoped3A : memref<!tpu.dma_semaphore, #tpu.memory_space<semaphore_mem>>)
      %dma_wait3A_52 = arith.constant 0 : i32
      %dma_wait3A_53 = tpu.memref_slice %arg3[%add3A, %dma_wait3A_52] : memref<32x10000xi32, #tpu.memory_space<hbm>> -> memref<1x10000xi32, #tpu.memory_space<hbm>>
      %dma_wait3A_54 = tpu.memref_squeeze %dma_wait3A_53 : memref<1x10000xi32, #tpu.memory_space<hbm>> -> memref<10000xi32, #tpu.memory_space<hbm>>
      %dma_wait3A_55 = arith.constant 0 : i32
      %dma_wait3A_56 = tpu.memref_slice %arg3[%add3A, %dma_wait3A_55] : memref<32x10000xi32, #tpu.memory_space<hbm>> -> memref<1x10000xi32, #tpu.memory_space<hbm>>
      %dma_wait3A_57 = tpu.memref_squeeze %dma_wait3A_56 : memref<1x10000xi32, #tpu.memory_space<hbm>> -> memref<10000xi32, #tpu.memory_space<hbm>>
      tpu.wait_dma2 semaphore(%run_scoped3A : memref<!tpu.dma_semaphore, #tpu.memory_space<semaphore_mem>>) src(%dma_wait3A_57 : memref<10000xi32, #tpu.memory_space<hbm>>) dst(%arg7 : memref<10000xi32, #tpu.memory_space<vmem>>)
      tpu.yield
    }) : () -> ()
    "tpu.region"() ({
      %run_scoped3A = tpu.sem_alloc : memref<!tpu.dma_semaphore, #tpu.memory_space<semaphore_mem>>
      %dma_start3A_46 = arith.constant 0 : i32
      %dma_start3A_47 = arith.constant 0 : i32
      %dma_start3A_48 = tpu.memref_slice %arg4[%add3A, %dma_start3A_46, %dma_start3A_47] : memref<32x125x80xi32, #tpu.memory_space<hbm>> -> memref<1x125x80xi32, #tpu.memory_space<hbm>>
      %dma_start3A_49 = tpu.memref_squeeze %dma_start3A_48 : memref<1x125x80xi32, #tpu.memory_space<hbm>> -> memref<125x80xi32, #tpu.memory_space<hbm>>
      %dma_start3A_50 = arith.constant 0 : i32
      %dma_start3A_51 = arith.constant 0 : i32
      %dma_start3A_52 = tpu.memref_slice %arg4[%add3A, %dma_start3A_50, %dma_start3A_51] : memref<32x125x80xi32, #tpu.memory_space<hbm>> -> memref<1x125x80xi32, #tpu.memory_space<hbm>>
      %dma_start3A_53 = tpu.memref_squeeze %dma_start3A_52 : memref<1x125x80xi32, #tpu.memory_space<hbm>> -> memref<125x80xi32, #tpu.memory_space<hbm>>
      tpu.enqueue_dma source(%dma_start3A_53 : memref<125x80xi32, #tpu.memory_space<hbm>>) target(%arg8 : memref<125x80xi32, #tpu.memory_space<vmem>>) target_semaphore(%run_scoped3A : memref<!tpu.dma_semaphore, #tpu.memory_space<semaphore_mem>>)
      %dma_wait3A_54 = arith.constant 0 : i32
      %dma_wait3A_55 = arith.constant 0 : i32
      %dma_wait3A_56 = tpu.memref_slice %arg4[%add3A, %dma_wait3A_54, %dma_wait3A_55] : memref<32x125x80xi32, #tpu.memory_space<hbm>> -> memref<1x125x80xi32, #tpu.memory_space<hbm>>
      %dma_wait3A_57 = tpu.memref_squeeze %dma_wait3A_56 : memref<1x125x80xi32, #tpu.memory_space<hbm>> -> memref<125x80xi32, #tpu.memory_space<hbm>>
      %dma_wait3A_58 = arith.constant 0 : i32
      %dma_wait3A_59 = arith.constant 0 : i32
      %dma_wait3A_60 = tpu.memref_slice %arg4[%add3A, %dma_wait3A_58, %dma_wait3A_59] : memref<32x125x80xi32, #tpu.memory_space<hbm>> -> memref<1x125x80xi32, #tpu.memory_space<hbm>>
      %dma_wait3A_61 = tpu.memref_squeeze %dma_wait3A_60 : memref<1x125x80xi32, #tpu.memory_space<hbm>> -> memref<125x80xi32, #tpu.memory_space<hbm>>
      tpu.wait_dma2 semaphore(%run_scoped3A : memref<!tpu.dma_semaphore, #tpu.memory_space<semaphore_mem>>) src(%dma_wait3A_61 : memref<125x80xi32, #tpu.memory_space<hbm>>) dst(%arg8 : memref<125x80xi32, #tpu.memory_space<vmem>>)
      tpu.yield
    }) : () -> ()
    %barrier3A = arith.constant 0 : index
    tpu.barrier barrier_id(%barrier3A)
    %multiple_of3A = arith.constant 0 : i32
    %multiple_of3A_7 = tpu.assume_multiple %multiple_of3A, 8 : i32
    %dma_start3A = tpu.memref_slice %arg7[%multiple_of3A_7] : memref<10000xi32, #tpu.memory_space<vmem>> -> memref<80xi32, #tpu.memory_space<vmem>>
    %dma_start3A_8 = arith.constant 0 : i32
    %dma_start3A_9 = arith.constant 0 : i32
    %dma_start3A_10 = tpu.memref_slice %arg2[%dma_start3A_8, %dma_start3A_9] : memref<10000x128xf32, #tpu.memory_space<hbm>> -> memref<10000x128xf32, #tpu.memory_space<hbm>>
    tpu.enqueue_indirect_dma source(%dma_start3A_10 : memref<10000x128xf32, #tpu.memory_space<hbm>>) target(%arg9 : memref<80x128xf32, #tpu.memory_space<vmem>>) offsets(%dma_start3A : memref<80xi32, #tpu.memory_space<vmem>>) semaphore(%arg12 : memref<!tpu.dma_semaphore, #tpu.memory_space<semaphore_mem>>)
    %multiple_of3A_11 = arith.constant 80 : i32
    %multiple_of3A_12 = tpu.assume_multiple %multiple_of3A_11, 8 : i32
    %dma_start3A_13 = tpu.memref_slice %arg7[%multiple_of3A_12] : memref<10000xi32, #tpu.memory_space<vmem>> -> memref<80xi32, #tpu.memory_space<vmem>>
    %dma_start3A_14 = arith.constant 0 : i32
    %dma_start3A_15 = arith.constant 0 : i32
    %dma_start3A_16 = tpu.memref_slice %arg2[%dma_start3A_14, %dma_start3A_15] : memref<10000x128xf32, #tpu.memory_space<hbm>> -> memref<10000x128xf32, #tpu.memory_space<hbm>>
    tpu.enqueue_indirect_dma source(%dma_start3A_16 : memref<10000x128xf32, #tpu.memory_space<hbm>>) target(%arg10 : memref<80x128xf32, #tpu.memory_space<vmem>>) offsets(%dma_start3A_13 : memref<80xi32, #tpu.memory_space<vmem>>) semaphore(%arg13 : memref<!tpu.dma_semaphore, #tpu.memory_space<semaphore_mem>>)
    %scan3A = arith.constant 0 : i32
    %scan3A_17 = arith.constant 0 : i32
    %scan3A_18 = arith.constant 63 : i32
    %scan3A_19 = arith.addi %scan3A_17, %scan3A_18 : i32
    %scan3A_20 = arith.constant 1 : i32
    scf.for %scan3A_46 = %scan3A_17 to %scan3A_19 step %scan3A_20  : i32 {
      %mul3A_47 = arith.constant 2 : i32
      %mul3A_48 = arith.muli %mul3A_47, %scan3A_46 : i32
      %mul3A_49 = arith.constant 80 : i32
      %mul3A_50 = arith.muli %mul3A_48, %mul3A_49 : i32
      %multiple_of3A_51 = tpu.assume_multiple %mul3A_50, 8 : i32
      %dma_wait3A_52 = tpu.memref_slice %arg7[%multiple_of3A_51] : memref<10000xi32, #tpu.memory_space<vmem>> -> memref<80xi32, #tpu.memory_space<vmem>>
      %dma_wait3A_53 = arith.constant 0 : i32
      %dma_wait3A_54 = arith.constant 0 : i32
      %dma_wait3A_55 = tpu.memref_slice %arg2[%dma_wait3A_53, %dma_wait3A_54] : memref<10000x128xf32, #tpu.memory_space<hbm>> -> memref<10000x128xf32, #tpu.memory_space<hbm>>
      tpu.wait_indirect_dma semaphore(%arg12 : memref<!tpu.dma_semaphore, #tpu.memory_space<semaphore_mem>>) src(%dma_wait3A_55 : memref<10000x128xf32, #tpu.memory_space<hbm>>) dst(%arg9 : memref<80x128xf32, #tpu.memory_space<vmem>>)
      %dma_start3A_56 = arith.constant 0 : i32
      %dma_start3A_57 = tpu.memref_slice %arg8[%mul3A_48, %dma_start3A_56] : memref<125x80xi32, #tpu.memory_space<vmem>> -> memref<1x80xi32, #tpu.memory_space<vmem>>
      %dma_start3A_58 = tpu.memref_squeeze %dma_start3A_57 : memref<1x80xi32, #tpu.memory_space<vmem>> -> memref<80xi32, #tpu.memory_space<vmem>>
      %dma_start3A_59 = arith.constant 0 : i32
      %dma_start3A_60 = arith.constant 0 : i32
      %dma_start3A_61 = tpu.memref_slice %arg11[%dma_start3A_59, %dma_start3A_60] : memref<10000x128xf32, #tpu.memory_space<vmem_shared>> -> memref<10000x128xf32, #tpu.memory_space<vmem_shared>>
      tpu.enqueue_indirect_dma source(%arg9 : memref<80x128xf32, #tpu.memory_space<vmem>>) target(%dma_start3A_61 : memref<10000x128xf32, #tpu.memory_space<vmem_shared>>) offsets(%dma_start3A_58 : memref<80xi32, #tpu.memory_space<vmem>>) semaphore(%arg14 : memref<!tpu.dma_semaphore, #tpu.memory_space<semaphore_mem>>) {add = true}
      %add3A_62 = arith.constant 1 : i32
      %add3A_63 = arith.addi %mul3A_48, %add3A_62 : i32
      %lt3A_64 = arith.constant 125 : i32
      %lt3A_65 = arith.cmpi slt, %add3A_63, %lt3A_64 : i32
      %convert_element_type3A_66 = arith.extui %lt3A_65 : i1 to i32
      %cond3A_67 = arith.constant 0 : i32
      %cond3A_68 = arith.cmpi ne, %convert_element_type3A_66, %cond3A_67 : i32
      scf.if %cond3A_68 {
        %add3A_83 = arith.constant 1 : i32
        %add3A_84 = arith.addi %mul3A_48, %add3A_83 : i32
        %mul3A_85 = arith.constant 80 : i32
        %mul3A_86 = arith.muli %add3A_84, %mul3A_85 : i32
        %multiple_of3A_87 = tpu.assume_multiple %mul3A_86, 8 : i32
        %dma_wait3A_88 = tpu.memref_slice %arg7[%multiple_of3A_87] : memref<10000xi32, #tpu.memory_space<vmem>> -> memref<80xi32, #tpu.memory_space<vmem>>
        %dma_wait3A_89 = arith.constant 0 : i32
        %dma_wait3A_90 = arith.constant 0 : i32
        %dma_wait3A_91 = tpu.memref_slice %arg2[%dma_wait3A_89, %dma_wait3A_90] : memref<10000x128xf32, #tpu.memory_space<hbm>> -> memref<10000x128xf32, #tpu.memory_space<hbm>>
        tpu.wait_indirect_dma semaphore(%arg13 : memref<!tpu.dma_semaphore, #tpu.memory_space<semaphore_mem>>) src(%dma_wait3A_91 : memref<10000x128xf32, #tpu.memory_space<hbm>>) dst(%arg10 : memref<80x128xf32, #tpu.memory_space<vmem>>)
        %add3A_92 = arith.constant 1 : i32
        %add3A_93 = arith.addi %mul3A_48, %add3A_92 : i32
        %dma_start3A_94 = arith.constant 0 : i32
        %dma_start3A_95 = tpu.memref_slice %arg8[%add3A_93, %dma_start3A_94] : memref<125x80xi32, #tpu.memory_space<vmem>> -> memref<1x80xi32, #tpu.memory_space<vmem>>
        %dma_start3A_96 = tpu.memref_squeeze %dma_start3A_95 : memref<1x80xi32, #tpu.memory_space<vmem>> -> memref<80xi32, #tpu.memory_space<vmem>>
        %dma_start3A_97 = arith.constant 0 : i32
        %dma_start3A_98 = arith.constant 0 : i32
        %dma_start3A_99 = tpu.memref_slice %arg11[%dma_start3A_97, %dma_start3A_98] : memref<10000x128xf32, #tpu.memory_space<vmem_shared>> -> memref<10000x128xf32, #tpu.memory_space<vmem_shared>>
        tpu.enqueue_indirect_dma source(%arg10 : memref<80x128xf32, #tpu.memory_space<vmem>>) target(%dma_start3A_99 : memref<10000x128xf32, #tpu.memory_space<vmem_shared>>) offsets(%dma_start3A_96 : memref<80xi32, #tpu.memory_space<vmem>>) semaphore(%arg15 : memref<!tpu.dma_semaphore, #tpu.memory_space<semaphore_mem>>) {add = true}
      } else {
      }
      %add3A_69 = arith.constant 2 : i32
      %add3A_70 = arith.addi %mul3A_48, %add3A_69 : i32
      %lt3A_71 = arith.constant 125 : i32
      %lt3A_72 = arith.cmpi slt, %add3A_70, %lt3A_71 : i32
      %convert_element_type3A_73 = arith.extui %lt3A_72 : i1 to i32
      %cond3A_74 = arith.constant 0 : i32
      %cond3A_75 = arith.cmpi ne, %convert_element_type3A_73, %cond3A_74 : i32
      scf.if %cond3A_75 {
        %dma_wait3A_83 = arith.constant 0 : i32
        %dma_wait3A_84 = tpu.memref_slice %arg8[%mul3A_48, %dma_wait3A_83] : memref<125x80xi32, #tpu.memory_space<vmem>> -> memref<1x80xi32, #tpu.memory_space<vmem>>
        %dma_wait3A_85 = tpu.memref_squeeze %dma_wait3A_84 : memref<1x80xi32, #tpu.memory_space<vmem>> -> memref<80xi32, #tpu.memory_space<vmem>>
        %dma_wait3A_86 = arith.constant 0 : i32
        %dma_wait3A_87 = arith.constant 0 : i32
        %dma_wait3A_88 = tpu.memref_slice %arg11[%dma_wait3A_86, %dma_wait3A_87] : memref<10000x128xf32, #tpu.memory_space<vmem_shared>> -> memref<10000x128xf32, #tpu.memory_space<vmem_shared>>
        tpu.wait_indirect_dma semaphore(%arg14 : memref<!tpu.dma_semaphore, #tpu.memory_space<semaphore_mem>>) src(%arg9 : memref<80x128xf32, #tpu.memory_space<vmem>>) dst(%dma_wait3A_88 : memref<10000x128xf32, #tpu.memory_space<vmem_shared>>)
        %add3A_89 = arith.constant 2 : i32
        %add3A_90 = arith.addi %mul3A_48, %add3A_89 : i32
        %mul3A_91 = arith.constant 80 : i32
        %mul3A_92 = arith.muli %add3A_90, %mul3A_91 : i32
        %multiple_of3A_93 = tpu.assume_multiple %mul3A_92, 8 : i32
        %dma_start3A_94 = tpu.memref_slice %arg7[%multiple_of3A_93] : memref<10000xi32, #tpu.memory_space<vmem>> -> memref<80xi32, #tpu.memory_space<vmem>>
        %dma_start3A_95 = arith.constant 0 : i32
        %dma_start3A_96 = arith.constant 0 : i32
        %dma_start3A_97 = tpu.memref_slice %arg2[%dma_start3A_95, %dma_start3A_96] : memref<10000x128xf32, #tpu.memory_space<hbm>> -> memref<10000x128xf32, #tpu.memory_space<hbm>>
        tpu.enqueue_indirect_dma source(%dma_start3A_97 : memref<10000x128xf32, #tpu.memory_space<hbm>>) target(%arg9 : memref<80x128xf32, #tpu.memory_space<vmem>>) offsets(%dma_start3A_94 : memref<80xi32, #tpu.memory_space<vmem>>) semaphore(%arg12 : memref<!tpu.dma_semaphore, #tpu.memory_space<semaphore_mem>>)
      } else {
      }
      %add3A_76 = arith.constant 3 : i32
      %add3A_77 = arith.addi %mul3A_48, %add3A_76 : i32
      %lt3A_78 = arith.constant 125 : i32
      %lt3A_79 = arith.cmpi slt, %add3A_77, %lt3A_78 : i32
      %convert_element_type3A_80 = arith.extui %lt3A_79 : i1 to i32
      %cond3A_81 = arith.constant 0 : i32
      %cond3A_82 = arith.cmpi ne, %convert_element_type3A_80, %cond3A_81 : i32
      scf.if %cond3A_82 {
        %add3A_83 = arith.constant 1 : i32
        %add3A_84 = arith.addi %mul3A_48, %add3A_83 : i32
        %dma_wait3A_85 = arith.constant 0 : i32
        %dma_wait3A_86 = tpu.memref_slice %arg8[%add3A_84, %dma_wait3A_85] : memref<125x80xi32, #tpu.memory_space<vmem>> -> memref<1x80xi32, #tpu.memory_space<vmem>>
        %dma_wait3A_87 = tpu.memref_squeeze %dma_wait3A_86 : memref<1x80xi32, #tpu.memory_space<vmem>> -> memref<80xi32, #tpu.memory_space<vmem>>
        %dma_wait3A_88 = arith.constant 0 : i32
        %dma_wait3A_89 = arith.constant 0 : i32
        %dma_wait3A_90 = tpu.memref_slice %arg11[%dma_wait3A_88, %dma_wait3A_89] : memref<10000x128xf32, #tpu.memory_space<vmem_shared>> -> memref<10000x128xf32, #tpu.memory_space<vmem_shared>>
        tpu.wait_indirect_dma semaphore(%arg15 : memref<!tpu.dma_semaphore, #tpu.memory_space<semaphore_mem>>) src(%arg10 : memref<80x128xf32, #tpu.memory_space<vmem>>) dst(%dma_wait3A_90 : memref<10000x128xf32, #tpu.memory_space<vmem_shared>>)
        %add3A_91 = arith.constant 3 : i32
        %add3A_92 = arith.addi %mul3A_48, %add3A_91 : i32
        %mul3A_93 = arith.constant 80 : i32
        %mul3A_94 = arith.muli %add3A_92, %mul3A_93 : i32
        %multiple_of3A_95 = tpu.assume_multiple %mul3A_94, 8 : i32
        %dma_start3A_96 = tpu.memref_slice %arg7[%multiple_of3A_95] : memref<10000xi32, #tpu.memory_space<vmem>> -> memref<80xi32, #tpu.memory_space<vmem>>
        %dma_start3A_97 = arith.constant 0 : i32
        %dma_start3A_98 = arith.constant 0 : i32
        %dma_start3A_99 = tpu.memref_slice %arg2[%dma_start3A_97, %dma_start3A_98] : memref<10000x128xf32, #tpu.memory_space<hbm>> -> memref<10000x128xf32, #tpu.memory_space<hbm>>
        tpu.enqueue_indirect_dma source(%dma_start3A_99 : memref<10000x128xf32, #tpu.memory_space<hbm>>) target(%arg10 : memref<80x128xf32, #tpu.memory_space<vmem>>) offsets(%dma_start3A_96 : memref<80xi32, #tpu.memory_space<vmem>>) semaphore(%arg13 : memref<!tpu.dma_semaphore, #tpu.memory_space<semaphore_mem>>)
      } else {
      }
    }
    %scan3A_21 = arith.constant 63 : i32
    %dma_wait3A = arith.constant 123 : i32
    %dma_wait3A_22 = arith.constant 0 : i32
    %dma_wait3A_23 = tpu.memref_slice %arg8[%dma_wait3A, %dma_wait3A_22] : memref<125x80xi32, #tpu.memory_space<vmem>> -> memref<1x80xi32, #tpu.memory_space<vmem>>
    %dma_wait3A_24 = tpu.memref_squeeze %dma_wait3A_23 : memref<1x80xi32, #tpu.memory_space<vmem>> -> memref<80xi32, #tpu.memory_space<vmem>>
    %dma_wait3A_25 = arith.constant 0 : i32
    %dma_wait3A_26 = arith.constant 0 : i32
    %dma_wait3A_27 = tpu.memref_slice %arg11[%dma_wait3A_25, %dma_wait3A_26] : memref<10000x128xf32, #tpu.memory_space<vmem_shared>> -> memref<10000x128xf32, #tpu.memory_space<vmem_shared>>
    tpu.wait_indirect_dma semaphore(%arg15 : memref<!tpu.dma_semaphore, #tpu.memory_space<semaphore_mem>>) src(%arg10 : memref<80x128xf32, #tpu.memory_space<vmem>>) dst(%dma_wait3A_27 : memref<10000x128xf32, #tpu.memory_space<vmem_shared>>)
    %dma_wait3A_28 = arith.constant 124 : i32
    %dma_wait3A_29 = arith.constant 0 : i32
    %dma_wait3A_30 = tpu.memref_slice %arg8[%dma_wait3A_28, %dma_wait3A_29] : memref<125x80xi32, #tpu.memory_space<vmem>> -> memref<1x80xi32, #tpu.memory_space<vmem>>
    %dma_wait3A_31 = tpu.memref_squeeze %dma_wait3A_30 : memref<1x80xi32, #tpu.memory_space<vmem>> -> memref<80xi32, #tpu.memory_space<vmem>>
    %dma_wait3A_32 = arith.constant 0 : i32
    %dma_wait3A_33 = arith.constant 0 : i32
    %dma_wait3A_34 = tpu.memref_slice %arg11[%dma_wait3A_32, %dma_wait3A_33] : memref<10000x128xf32, #tpu.memory_space<vmem_shared>> -> memref<10000x128xf32, #tpu.memory_space<vmem_shared>>
    tpu.wait_indirect_dma semaphore(%arg14 : memref<!tpu.dma_semaphore, #tpu.memory_space<semaphore_mem>>) src(%arg9 : memref<80x128xf32, #tpu.memory_space<vmem>>) dst(%dma_wait3A_34 : memref<10000x128xf32, #tpu.memory_space<vmem_shared>>)
    %barrier3A_35 = arith.constant 0 : index
    tpu.barrier barrier_id(%barrier3A_35)
    %lt3A_36 = arith.constant 15 : i32
    %lt3A_37 = arith.cmpi slt, %arg1, %lt3A_36 : i32
    %convert_element_type3A_38 = arith.extui %lt3A_37 : i1 to i32
    %cond3A_39 = arith.constant 0 : i32
    %cond3A_40 = arith.cmpi ne, %convert_element_type3A_38, %cond3A_39 : i32
    scf.if %cond3A_40 {
      %mul3A_46 = arith.constant 640 : i32
      %mul3A_47 = arith.muli %arg1, %mul3A_46 : i32
      %mul3A_48 = arith.constant 10000 : i32
      %mul3A_49 = arith.muli %arg0, %mul3A_48 : i32
      %mul3A_50 = arith.constant 640 : i32
      %mul3A_51 = arith.muli %arg1, %mul3A_50 : i32
      %add3A_52 = arith.addi %mul3A_49, %mul3A_51 : i32
      "tpu.region"() ({
        %run_scoped3A = tpu.sem_alloc : memref<!tpu.dma_semaphore, #tpu.memory_space<semaphore_mem>>
        %dma_start3A_53 = arith.constant 0 : i32
        %dma_start3A_54 = tpu.memref_slice %arg6[%add3A_52, %dma_start3A_53] : memref<20000x128xf32, #tpu.memory_space<hbm>> -> memref<640x128xf32, #tpu.memory_space<hbm>>
        %dma_start3A_55 = arith.constant 0 : i32
        %dma_start3A_56 = tpu.memref_slice %arg11[%mul3A_47, %dma_start3A_55] : memref<10000x128xf32, #tpu.memory_space<vmem_shared>> -> memref<640x128xf32, #tpu.memory_space<vmem_shared>>
        tpu.enqueue_dma source(%dma_start3A_56 : memref<640x128xf32, #tpu.memory_space<vmem_shared>>) target(%dma_start3A_54 : memref<640x128xf32, #tpu.memory_space<hbm>>) target_semaphore(%run_scoped3A : memref<!tpu.dma_semaphore, #tpu.memory_space<semaphore_mem>>)
        %dma_wait3A_57 = arith.constant 0 : i32
        %dma_wait3A_58 = tpu.memref_slice %arg6[%add3A_52, %dma_wait3A_57] : memref<20000x128xf32, #tpu.memory_space<hbm>> -> memref<640x128xf32, #tpu.memory_space<hbm>>
        %dma_wait3A_59 = arith.constant 0 : i32
        %dma_wait3A_60 = tpu.memref_slice %arg11[%mul3A_47, %dma_wait3A_59] : memref<10000x128xf32, #tpu.memory_space<vmem_shared>> -> memref<640x128xf32, #tpu.memory_space<vmem_shared>>
        tpu.wait_dma2 semaphore(%run_scoped3A : memref<!tpu.dma_semaphore, #tpu.memory_space<semaphore_mem>>) src(%dma_wait3A_60 : memref<640x128xf32, #tpu.memory_space<vmem_shared>>) dst(%dma_wait3A_58 : memref<640x128xf32, #tpu.memory_space<hbm>>)
        tpu.yield
      }) : () -> ()
    } else {
    }
    %eq3A_41 = arith.constant 15 : i32
    %eq3A_42 = arith.cmpi eq, %arg1, %eq3A_41 : i32
    %convert_element_type3A_43 = arith.extui %eq3A_42 : i1 to i32
    %cond3A_44 = arith.constant 0 : i32
    %cond3A_45 = arith.cmpi ne, %convert_element_type3A_43, %cond3A_44 : i32
    scf.if %cond3A_45 {
      %mul3A_46 = arith.constant 10000 : i32
      %mul3A_47 = arith.muli %arg0, %mul3A_46 : i32
      %add3A_48 = arith.constant 9600 : i32
      %add3A_49 = arith.addi %mul3A_47, %add3A_48 : i32
      "tpu.region"() ({
        %run_scoped3A = tpu.sem_alloc : memref<!tpu.dma_semaphore, #tpu.memory_space<semaphore_mem>>
        %dma_start3A_50 = arith.constant 0 : i32
        %dma_start3A_51 = tpu.memref_slice %arg6[%add3A_49, %dma_start3A_50] : memref<20000x128xf32, #tpu.memory_space<hbm>> -> memref<400x128xf32, #tpu.memory_space<hbm>>
        %dma_start3A_52 = arith.constant 9600 : i32
        %dma_start3A_53 = arith.constant 0 : i32
        %dma_start3A_54 = tpu.memref_slice %arg11[%dma_start3A_52, %dma_start3A_53] : memref<10000x128xf32, #tpu.memory_space<vmem_shared>> -> memref<400x128xf32, #tpu.memory_space<vmem_shared>>
        tpu.enqueue_dma source(%dma_start3A_54 : memref<400x128xf32, #tpu.memory_space<vmem_shared>>) target(%dma_start3A_51 : memref<400x128xf32, #tpu.memory_space<hbm>>) target_semaphore(%run_scoped3A : memref<!tpu.dma_semaphore, #tpu.memory_space<semaphore_mem>>)
        %dma_wait3A_55 = arith.constant 0 : i32
        %dma_wait3A_56 = tpu.memref_slice %arg6[%add3A_49, %dma_wait3A_55] : memref<20000x128xf32, #tpu.memory_space<hbm>> -> memref<400x128xf32, #tpu.memory_space<hbm>>
        %dma_wait3A_57 = arith.constant 9600 : i32
        %dma_wait3A_58 = arith.constant 0 : i32
        %dma_wait3A_59 = tpu.memref_slice %arg11[%dma_wait3A_57, %dma_wait3A_58] : memref<10000x128xf32, #tpu.memory_space<vmem_shared>> -> memref<400x128xf32, #tpu.memory_space<vmem_shared>>
        tpu.wait_dma2 semaphore(%run_scoped3A : memref<!tpu.dma_semaphore, #tpu.memory_space<semaphore_mem>>) src(%dma_wait3A_59 : memref<400x128xf32, #tpu.memory_space<vmem_shared>>) dst(%dma_wait3A_56 : memref<400x128xf32, #tpu.memory_space<hbm>>)
        tpu.yield
      }) : () -> ()
    } else {
    }
    return
  }
}

module attributes {stable_mosaic.version = 14 : i64} {
  func.func @_b1_body(%arg0: i32, %arg1: memref<2000x128xf32, #tpu.memory_space<vmem>>, %arg2: memref<2000x128xf32, #tpu.memory_space<vmem>>, %arg3: memref<2000x128xf32, #tpu.memory_space<vmem>>, %arg4: memref<2000x128xf32, #tpu.memory_space<vmem>>, %arg5: memref<2000x128xf32, #tpu.memory_space<vmem>>, %arg6: memref<128x128xf32, #tpu.memory_space<vmem>>, %arg7: memref<128x128xf32, #tpu.memory_space<vmem>>, %arg8: memref<1x128xf32, #tpu.memory_space<vmem>>, %arg9: memref<1x128xf32, #tpu.memory_space<vmem>>, %arg10: memref<1x128xf32, #tpu.memory_space<vmem>>, %arg11: memref<128x128xf32, #tpu.memory_space<vmem>>, %arg12: memref<2000x128xf32, #tpu.memory_space<vmem>>, %arg13: memref<2000x128xf32, #tpu.memory_space<vmem>>, %arg14: memref<2000x1xf32, #tpu.memory_space<vmem>>) attributes {dimension_semantics = [#tpu.dimension_semantics<arbitrary>], iteration_bounds = array<i64: 5>, scalar_prefetch = 0 : i64, scratch_operands = 0 : i64, tpu.core_type = #tpu.core_type<tc>, window_params = [{transform_indices = @transform_0, window_bounds = array<i64: 2000, 128>}, {transform_indices = @transform_1, window_bounds = array<i64: 2000, 128>}, {transform_indices = @transform_2, window_bounds = array<i64: 2000, 128>}, {transform_indices = @transform_3, window_bounds = array<i64: 2000, 128>}, {transform_indices = @transform_4, window_bounds = array<i64: 2000, 128>}, {pipeline_mode = #tpu.pipeline_mode<synchronous>, transform_indices = @transform_5, window_bounds = array<i64: 128, 128>}, {pipeline_mode = #tpu.pipeline_mode<synchronous>, transform_indices = @transform_6, window_bounds = array<i64: 128, 128>}, {pipeline_mode = #tpu.pipeline_mode<synchronous>, transform_indices = @transform_7, window_bounds = array<i64: 1, 128>}, {pipeline_mode = #tpu.pipeline_mode<synchronous>, transform_indices = @transform_8, window_bounds = array<i64: 1, 128>}, {pipeline_mode = #tpu.pipeline_mode<synchronous>, transform_indices = @transform_9, window_bounds = array<i64: 1, 128>}, {pipeline_mode = #tpu.pipeline_mode<synchronous>, transform_indices = @transform_10, window_bounds = array<i64: 128, 128>}, {transform_indices = @transform_11, window_bounds = array<i64: 2000, 128>}, {transform_indices = @transform_12, window_bounds = array<i64: 2000, 128>}, {transform_indices = @transform_13, window_bounds = array<i64: 2000, 1>}]} {
    %get3A = arith.constant 0 : index
    %get3A_0 = arith.constant 0 : index
    %get3A_1 = vector.load %arg3[%get3A, %get3A_0] : memref<2000x128xf32, #tpu.memory_space<vmem>>, vector<2000x1xf32>
    %get3A_2 = arith.constant 0 : index
    %get3A_3 = arith.constant 0 : index
    %get3A_4 = vector.load %arg4[%get3A_2, %get3A_3] : memref<2000x128xf32, #tpu.memory_space<vmem>>, vector<2000x1xf32>
    %add3A = arith.addf %get3A_1, %get3A_4 : vector<2000x1xf32>
    %max3A = arith.constant 1.000000e+00 : f32
    %max3A_5 = vector.broadcast %max3A : f32 to vector<2000x1xf32>
    %max3A_6 = arith.maximumf %add3A, %max3A_5 : vector<2000x1xf32>
    %div3A = arith.constant 1.000000e+00 : f32
    %div3A_7 = vector.broadcast %div3A : f32 to vector<2000x1xf32>
    %div3A_8 = arith.divf %div3A_7, %max3A_6 : vector<2000x1xf32>
    %swap3A = arith.constant 0 : index
    %swap3A_9 = arith.constant 0 : index
    %swap3A_10 = vector.load %arg14[%swap3A, %swap3A_9] : memref<2000x1xf32, #tpu.memory_space<vmem>>, vector<2000x1xf32>
    tpu.vector_store %arg14[%swap3A, %swap3A_9], %div3A_8 {strides = array<i32>} : memref<2000x1xf32, #tpu.memory_space<vmem>>, vector<2000x1xf32>,
    %get3A_11 = arith.constant 0 : index
    %get3A_12 = arith.constant 0 : index
    %get3A_13 = vector.load %arg1[%get3A_11, %get3A_12] : memref<2000x128xf32, #tpu.memory_space<vmem>>, vector<2000x128xf32>
    %get3A_14 = arith.constant 0 : index
    %get3A_15 = arith.constant 0 : index
    %get3A_16 = vector.load %arg2[%get3A_14, %get3A_15] : memref<2000x128xf32, #tpu.memory_space<vmem>>, vector<2000x128xf32>
    %add3A_17 = arith.addf %get3A_13, %get3A_16 : vector<2000x128xf32>
    %mul3A = vector.broadcast %div3A_8 : vector<2000x1xf32> to vector<2000x128xf32>
    %mul3A_18 = arith.mulf %add3A_17, %mul3A : vector<2000x128xf32>
    %get3A_19 = arith.constant 0 : index
    %get3A_20 = arith.constant 0 : index
    %get3A_21 = vector.load %arg6[%get3A_19, %get3A_20] : memref<128x128xf32, #tpu.memory_space<vmem>>, vector<128x128xf32>
    %dot_general3A = arith.constant dense<0.000000e+00> : vector<2000x128xf32>
    %dot_general3A_22 = tpu.matmul %mul3A_18, %get3A_21, %dot_general3A {dimension_numbers = #tpu.dot_dimension_numbers<[1], [0], [0], [1], [0, 0, 1, 1], [], []>, transpose_lhs_hint = false} : vector<2000x128xf32>, vector<128x128xf32>, vector<2000x128xf32> -> vector<2000x128xf32>
    %get3A_23 = arith.constant 0 : index
    %get3A_24 = arith.constant 0 : index
    %get3A_25 = vector.load %arg8[%get3A_23, %get3A_24] : memref<1x128xf32, #tpu.memory_space<vmem>>, vector<1x128xf32>
    %add3A_26 = vector.broadcast %get3A_25 : vector<1x128xf32> to vector<2000x128xf32>
    %add3A_27 = arith.addf %dot_general3A_22, %add3A_26 : vector<2000x128xf32>
    %get3A_28 = arith.constant 0 : index
    %get3A_29 = arith.constant 0 : index
    %get3A_30 = vector.load %arg5[%get3A_28, %get3A_29] : memref<2000x128xf32, #tpu.memory_space<vmem>>, vector<2000x128xf32>
    %get3A_31 = arith.constant 0 : index
    %get3A_32 = arith.constant 0 : index
    %get3A_33 = vector.load %arg7[%get3A_31, %get3A_32] : memref<128x128xf32, #tpu.memory_space<vmem>>, vector<128x128xf32>
    %dot_general3A_34 = arith.constant dense<0.000000e+00> : vector<2000x128xf32>
    %dot_general3A_35 = tpu.matmul %get3A_30, %get3A_33, %dot_general3A_34 {dimension_numbers = #tpu.dot_dimension_numbers<[1], [0], [0], [1], [0, 0, 1, 1], [], []>, transpose_lhs_hint = false} : vector<2000x128xf32>, vector<128x128xf32>, vector<2000x128xf32> -> vector<2000x128xf32>
    %add3A_36 = arith.addf %add3A_27, %dot_general3A_35 : vector<2000x128xf32>
    %get3A_37 = arith.constant 0 : index
    %get3A_38 = arith.constant 0 : index
    %get3A_39 = vector.load %arg9[%get3A_37, %get3A_38] : memref<1x128xf32, #tpu.memory_space<vmem>>, vector<1x128xf32>
    %get3A_40 = arith.constant 0 : index
    %get3A_41 = arith.constant 0 : index
    %get3A_42 = vector.load %arg10[%get3A_40, %get3A_41] : memref<1x128xf32, #tpu.memory_space<vmem>>, vector<1x128xf32>
    %reduce_sum3A = arith.constant dense<0.000000e+00> : vector<2000xf32>
    %reduce_sum3A_43 = vector.multi_reduction <add>, %add3A_36, %reduce_sum3A [1] : vector<2000x128xf32> to vector<2000xf32>
    %broadcast_in_dim3A = vector.shape_cast %reduce_sum3A_43 : vector<2000xf32> to vector<2000x1xf32>
    %div3A_44 = arith.constant 1.280000e+02 : f32
    %div3A_45 = vector.broadcast %div3A_44 : f32 to vector<2000x1xf32>
    %div3A_46 = arith.divf %broadcast_in_dim3A, %div3A_45 : vector<2000x1xf32>
    %sub3A = vector.broadcast %div3A_46 : vector<2000x1xf32> to vector<2000x128xf32>
    %sub3A_47 = arith.subf %add3A_36, %sub3A : vector<2000x128xf32>
    %integer_pow3A = arith.mulf %sub3A_47, %sub3A_47 : vector<2000x128xf32>
    %reduce_sum3A_48 = arith.constant dense<0.000000e+00> : vector<2000xf32>
    %reduce_sum3A_49 = vector.multi_reduction <add>, %integer_pow3A, %reduce_sum3A_48 [1] : vector<2000x128xf32> to vector<2000xf32>
    %broadcast_in_dim3A_50 = vector.shape_cast %reduce_sum3A_49 : vector<2000xf32> to vector<2000x1xf32>
    %div3A_51 = arith.constant 1.280000e+02 : f32
    %div3A_52 = vector.broadcast %div3A_51 : f32 to vector<2000x1xf32>
    %div3A_53 = arith.divf %broadcast_in_dim3A_50, %div3A_52 : vector<2000x1xf32>
    %sub3A_54 = vector.broadcast %div3A_46 : vector<2000x1xf32> to vector<2000x128xf32>
    %sub3A_55 = arith.subf %add3A_36, %sub3A_54 : vector<2000x128xf32>
    %add3A_56 = arith.constant 9.99999974E-6 : f32
    %add3A_57 = vector.broadcast %add3A_56 : f32 to vector<2000x1xf32>
    %add3A_58 = arith.addf %div3A_53, %add3A_57 : vector<2000x1xf32>
    %rsqrt3A = math.rsqrt %add3A_58 : vector<2000x1xf32>
    %mul3A_59 = vector.broadcast %rsqrt3A : vector<2000x1xf32> to vector<2000x128xf32>
    %mul3A_60 = arith.mulf %sub3A_55, %mul3A_59 : vector<2000x128xf32>
    %mul3A_61 = vector.broadcast %get3A_39 : vector<1x128xf32> to vector<2000x128xf32>
    %mul3A_62 = arith.mulf %mul3A_60, %mul3A_61 : vector<2000x128xf32>
    %add3A_63 = vector.broadcast %get3A_42 : vector<1x128xf32> to vector<2000x128xf32>
    %add3A_64 = arith.addf %mul3A_62, %add3A_63 : vector<2000x128xf32>
    %mul3A_65 = arith.constant 5.000000e-01 : f32
    %mul3A_66 = vector.broadcast %mul3A_65 : f32 to vector<2000x128xf32>
    %mul3A_67 = arith.mulf %mul3A_66, %add3A_64 : vector<2000x128xf32>
    %mul3A_68 = arith.constant 0.707106769 : f32
    %mul3A_69 = vector.broadcast %mul3A_68 : f32 to vector<2000x128xf32>
    %mul3A_70 = arith.mulf %add3A_64, %mul3A_69 : vector<2000x128xf32>
    %erf3A = math.erf %mul3A_70 : vector<2000x128xf32>
    %add3A_71 = arith.constant 1.000000e+00 : f32
    %add3A_72 = vector.broadcast %add3A_71 : f32 to vector<2000x128xf32>
    %add3A_73 = arith.addf %add3A_72, %erf3A : vector<2000x128xf32>
    %mul3A_74 = arith.mulf %mul3A_67, %add3A_73 : vector<2000x128xf32>
    %get3A_75 = arith.constant 0 : index
    %get3A_76 = arith.constant 0 : index
    %get3A_77 = vector.load %arg5[%get3A_75, %get3A_76] : memref<2000x128xf32, #tpu.memory_space<vmem>>, vector<2000x128xf32>
    %add3A_78 = arith.addf %mul3A_74, %get3A_77 : vector<2000x128xf32>
    %swap3A_79 = arith.constant 0 : index
    %swap3A_80 = arith.constant 0 : index
    %swap3A_81 = vector.load %arg12[%swap3A_79, %swap3A_80] : memref<2000x128xf32, #tpu.memory_space<vmem>>, vector<2000x128xf32>
    tpu.vector_store %arg12[%swap3A_79, %swap3A_80], %add3A_78 {strides = array<i32>} : memref<2000x128xf32, #tpu.memory_space<vmem>>, vector<2000x128xf32>,
    %get3A_82 = arith.constant 0 : index
    %get3A_83 = arith.constant 0 : index
    %get3A_84 = vector.load %arg11[%get3A_82, %get3A_83] : memref<128x128xf32, #tpu.memory_space<vmem>>, vector<128x128xf32>
    %dot_general3A_85 = arith.constant dense<0.000000e+00> : vector<2000x128xf32>
    %dot_general3A_86 = tpu.matmul %add3A_78, %get3A_84, %dot_general3A_85 {dimension_numbers = #tpu.dot_dimension_numbers<[1], [0], [0], [1], [0, 0, 1, 1], [], []>, transpose_lhs_hint = false} : vector<2000x128xf32>, vector<128x128xf32>, vector<2000x128xf32> -> vector<2000x128xf32>
    %swap3A_87 = arith.constant 0 : index
    %swap3A_88 = arith.constant 0 : index
    %swap3A_89 = vector.load %arg13[%swap3A_87, %swap3A_88] : memref<2000x128xf32, #tpu.memory_space<vmem>>, vector<2000x128xf32>
    tpu.vector_store %arg13[%swap3A_87, %swap3A_88], %dot_general3A_86 {strides = array<i32>} : memref<2000x128xf32, #tpu.memory_space<vmem>>, vector<2000x128xf32>,
    return
  }
  func.func @transform_0(%arg0: i32) -> (i32, i32) {
    %c0_i32 = arith.constant 0 : i32
    %c0_i32_0 = arith.constant 0 : i32
    return %arg0, %c0_i32 : i32, i32
  }
  func.func @transform_1(%arg0: i32) -> (i32, i32) {
    %add3A = arith.constant 5 : i32
    %add3A_0 = arith.addi %arg0, %add3A : i32
    %c0_i32 = arith.constant 0 : i32
    %c0_i32_1 = arith.constant 0 : i32
    return %add3A_0, %c0_i32 : i32, i32
  }
  func.func @transform_2(%arg0: i32) -> (i32, i32) {
    %c0_i32 = arith.constant 0 : i32
    %c0_i32_0 = arith.constant 0 : i32
    return %arg0, %c0_i32 : i32, i32
  }
  func.func @transform_3(%arg0: i32) -> (i32, i32) {
    %add3A = arith.constant 5 : i32
    %add3A_0 = arith.addi %arg0, %add3A : i32
    %c0_i32 = arith.constant 0 : i32
    %c0_i32_1 = arith.constant 0 : i32
    return %add3A_0, %c0_i32 : i32, i32
  }
  func.func @transform_4(%arg0: i32) -> (i32, i32) {
    %c0_i32 = arith.constant 0 : i32
    %c0_i32_0 = arith.constant 0 : i32
    return %arg0, %c0_i32 : i32, i32
  }
  func.func @transform_5(%arg0: i32) -> (i32, i32) {
    %c0_i32 = arith.constant 0 : i32
    %c0_i32_0 = arith.constant 0 : i32
    %c0_i32_1 = arith.constant 0 : i32
    return %c0_i32, %c0_i32_0 : i32, i32
  }
  func.func @transform_6(%arg0: i32) -> (i32, i32) {
    %c0_i32 = arith.constant 0 : i32
    %c0_i32_0 = arith.constant 0 : i32
    %c0_i32_1 = arith.constant 0 : i32
    return %c0_i32, %c0_i32_0 : i32, i32
  }
  func.func @transform_7(%arg0: i32) -> (i32, i32) {
    %c0_i32 = arith.constant 0 : i32
    %c0_i32_0 = arith.constant 0 : i32
    %c0_i32_1 = arith.constant 0 : i32
    return %c0_i32, %c0_i32_0 : i32, i32
  }
  func.func @transform_8(%arg0: i32) -> (i32, i32) {
    %c0_i32 = arith.constant 0 : i32
    %c0_i32_0 = arith.constant 0 : i32
    %c0_i32_1 = arith.constant 0 : i32
    return %c0_i32, %c0_i32_0 : i32, i32
  }
  func.func @transform_9(%arg0: i32) -> (i32, i32) {
    %c0_i32 = arith.constant 0 : i32
    %c0_i32_0 = arith.constant 0 : i32
    %c0_i32_1 = arith.constant 0 : i32
    return %c0_i32, %c0_i32_0 : i32, i32
  }
  func.func @transform_10(%arg0: i32) -> (i32, i32) {
    %c0_i32 = arith.constant 0 : i32
    %c0_i32_0 = arith.constant 0 : i32
    %c0_i32_1 = arith.constant 0 : i32
    return %c0_i32, %c0_i32_0 : i32, i32
  }
  func.func @transform_11(%arg0: i32) -> (i32, i32) {
    %c0_i32 = arith.constant 0 : i32
    %c0_i32_0 = arith.constant 0 : i32
    return %arg0, %c0_i32 : i32, i32
  }
  func.func @transform_12(%arg0: i32) -> (i32, i32) {
    %c0_i32 = arith.constant 0 : i32
    %c0_i32_0 = arith.constant 0 : i32
    return %arg0, %c0_i32 : i32, i32
  }
  func.func @transform_13(%arg0: i32) -> (i32, i32) {
    %c0_i32 = arith.constant 0 : i32
    %c0_i32_0 = arith.constant 0 : i32
    return %arg0, %c0_i32 : i32, i32
  }
}

module attributes {stable_mosaic.version = 14 : i64} {
  func.func @_b12_body(%arg0: i32, %arg1: memref<2000x128xf32, #tpu.memory_space<vmem>>, %arg2: memref<2000x128xf32, #tpu.memory_space<vmem>>, %arg3: memref<2000x1xf32, #tpu.memory_space<vmem>>, %arg4: memref<2000x128xf32, #tpu.memory_space<vmem>>, %arg5: memref<128x128xf32, #tpu.memory_space<vmem>>, %arg6: memref<1x128xf32, #tpu.memory_space<vmem>>, %arg7: memref<1x128xf32, #tpu.memory_space<vmem>>, %arg8: memref<1x128xf32, #tpu.memory_space<vmem>>, %arg9: memref<128x128xf32, #tpu.memory_space<vmem>>, %arg10: memref<2000x128xf32, #tpu.memory_space<vmem>>, %arg11: memref<2000x128xf32, #tpu.memory_space<vmem>>) attributes {dimension_semantics = [#tpu.dimension_semantics<arbitrary>], iteration_bounds = array<i64: 5>, scalar_prefetch = 0 : i64, scratch_operands = 0 : i64, tpu.core_type = #tpu.core_type<tc>, window_params = [{transform_indices = @transform_0, window_bounds = array<i64: 2000, 128>}, {transform_indices = @transform_1, window_bounds = array<i64: 2000, 128>}, {transform_indices = @transform_2, window_bounds = array<i64: 2000, 1>}, {transform_indices = @transform_3, window_bounds = array<i64: 2000, 128>}, {pipeline_mode = #tpu.pipeline_mode<synchronous>, transform_indices = @transform_4, window_bounds = array<i64: 128, 128>}, {pipeline_mode = #tpu.pipeline_mode<synchronous>, transform_indices = @transform_5, window_bounds = array<i64: 1, 128>}, {pipeline_mode = #tpu.pipeline_mode<synchronous>, transform_indices = @transform_6, window_bounds = array<i64: 1, 128>}, {pipeline_mode = #tpu.pipeline_mode<synchronous>, transform_indices = @transform_7, window_bounds = array<i64: 1, 128>}, {pipeline_mode = #tpu.pipeline_mode<synchronous>, transform_indices = @transform_8, window_bounds = array<i64: 128, 128>}, {transform_indices = @transform_9, window_bounds = array<i64: 2000, 128>}, {transform_indices = @transform_10, window_bounds = array<i64: 2000, 128>}]} {
    %get3A = arith.constant 0 : index
    %get3A_0 = arith.constant 0 : index
    %get3A_1 = vector.load %arg3[%get3A, %get3A_0] : memref<2000x1xf32, #tpu.memory_space<vmem>>, vector<2000x1xf32>
    %get3A_2 = arith.constant 0 : index
    %get3A_3 = arith.constant 0 : index
    %get3A_4 = vector.load %arg1[%get3A_2, %get3A_3] : memref<2000x128xf32, #tpu.memory_space<vmem>>, vector<2000x128xf32>
    %get3A_5 = arith.constant 0 : index
    %get3A_6 = arith.constant 0 : index
    %get3A_7 = vector.load %arg2[%get3A_5, %get3A_6] : memref<2000x128xf32, #tpu.memory_space<vmem>>, vector<2000x128xf32>
    %add3A = arith.addf %get3A_4, %get3A_7 : vector<2000x128xf32>
    %mul3A = vector.broadcast %get3A_1 : vector<2000x1xf32> to vector<2000x128xf32>
    %mul3A_8 = arith.mulf %add3A, %mul3A : vector<2000x128xf32>
    %get3A_9 = arith.constant 0 : index
    %get3A_10 = arith.constant 0 : index
    %get3A_11 = vector.load %arg6[%get3A_9, %get3A_10] : memref<1x128xf32, #tpu.memory_space<vmem>>, vector<1x128xf32>
    %add3A_12 = vector.broadcast %get3A_11 : vector<1x128xf32> to vector<2000x128xf32>
    %add3A_13 = arith.addf %mul3A_8, %add3A_12 : vector<2000x128xf32>
    %get3A_14 = arith.constant 0 : index
    %get3A_15 = arith.constant 0 : index
    %get3A_16 = vector.load %arg4[%get3A_14, %get3A_15] : memref<2000x128xf32, #tpu.memory_space<vmem>>, vector<2000x128xf32>
    %get3A_17 = arith.constant 0 : index
    %get3A_18 = arith.constant 0 : index
    %get3A_19 = vector.load %arg5[%get3A_17, %get3A_18] : memref<128x128xf32, #tpu.memory_space<vmem>>, vector<128x128xf32>
    %dot_general3A = arith.constant dense<0.000000e+00> : vector<2000x128xf32>
    %dot_general3A_20 = tpu.matmul %get3A_16, %get3A_19, %dot_general3A {dimension_numbers = #tpu.dot_dimension_numbers<[1], [0], [0], [1], [0, 0, 1, 1], [], []>, transpose_lhs_hint = false} : vector<2000x128xf32>, vector<128x128xf32>, vector<2000x128xf32> -> vector<2000x128xf32>
    %add3A_21 = arith.addf %add3A_13, %dot_general3A_20 : vector<2000x128xf32>
    %get3A_22 = arith.constant 0 : index
    %get3A_23 = arith.constant 0 : index
    %get3A_24 = vector.load %arg7[%get3A_22, %get3A_23] : memref<1x128xf32, #tpu.memory_space<vmem>>, vector<1x128xf32>
    %get3A_25 = arith.constant 0 : index
    %get3A_26 = arith.constant 0 : index
    %get3A_27 = vector.load %arg8[%get3A_25, %get3A_26] : memref<1x128xf32, #tpu.memory_space<vmem>>, vector<1x128xf32>
    %reduce_sum3A = arith.constant dense<0.000000e+00> : vector<2000xf32>
    %reduce_sum3A_28 = vector.multi_reduction <add>, %add3A_21, %reduce_sum3A [1] : vector<2000x128xf32> to vector<2000xf32>
    %broadcast_in_dim3A = vector.shape_cast %reduce_sum3A_28 : vector<2000xf32> to vector<2000x1xf32>
    %div3A = arith.constant 1.280000e+02 : f32
    %div3A_29 = vector.broadcast %div3A : f32 to vector<2000x1xf32>
    %div3A_30 = arith.divf %broadcast_in_dim3A, %div3A_29 : vector<2000x1xf32>
    %sub3A = vector.broadcast %div3A_30 : vector<2000x1xf32> to vector<2000x128xf32>
    %sub3A_31 = arith.subf %add3A_21, %sub3A : vector<2000x128xf32>
    %integer_pow3A = arith.mulf %sub3A_31, %sub3A_31 : vector<2000x128xf32>
    %reduce_sum3A_32 = arith.constant dense<0.000000e+00> : vector<2000xf32>
    %reduce_sum3A_33 = vector.multi_reduction <add>, %integer_pow3A, %reduce_sum3A_32 [1] : vector<2000x128xf32> to vector<2000xf32>
    %broadcast_in_dim3A_34 = vector.shape_cast %reduce_sum3A_33 : vector<2000xf32> to vector<2000x1xf32>
    %div3A_35 = arith.constant 1.280000e+02 : f32
    %div3A_36 = vector.broadcast %div3A_35 : f32 to vector<2000x1xf32>
    %div3A_37 = arith.divf %broadcast_in_dim3A_34, %div3A_36 : vector<2000x1xf32>
    %sub3A_38 = vector.broadcast %div3A_30 : vector<2000x1xf32> to vector<2000x128xf32>
    %sub3A_39 = arith.subf %add3A_21, %sub3A_38 : vector<2000x128xf32>
    %add3A_40 = arith.constant 9.99999974E-6 : f32
    %add3A_41 = vector.broadcast %add3A_40 : f32 to vector<2000x1xf32>
    %add3A_42 = arith.addf %div3A_37, %add3A_41 : vector<2000x1xf32>
    %rsqrt3A = math.rsqrt %add3A_42 : vector<2000x1xf32>
    %mul3A_43 = vector.broadcast %rsqrt3A : vector<2000x1xf32> to vector<2000x128xf32>
    %mul3A_44 = arith.mulf %sub3A_39, %mul3A_43 : vector<2000x128xf32>
    %mul3A_45 = vector.broadcast %get3A_24 : vector<1x128xf32> to vector<2000x128xf32>
    %mul3A_46 = arith.mulf %mul3A_44, %mul3A_45 : vector<2000x128xf32>
    %add3A_47 = vector.broadcast %get3A_27 : vector<1x128xf32> to vector<2000x128xf32>
    %add3A_48 = arith.addf %mul3A_46, %add3A_47 : vector<2000x128xf32>
    %mul3A_49 = arith.constant 5.000000e-01 : f32
    %mul3A_50 = vector.broadcast %mul3A_49 : f32 to vector<2000x128xf32>
    %mul3A_51 = arith.mulf %mul3A_50, %add3A_48 : vector<2000x128xf32>
    %mul3A_52 = arith.constant 0.707106769 : f32
    %mul3A_53 = vector.broadcast %mul3A_52 : f32 to vector<2000x128xf32>
    %mul3A_54 = arith.mulf %add3A_48, %mul3A_53 : vector<2000x128xf32>
    %erf3A = math.erf %mul3A_54 : vector<2000x128xf32>
    %add3A_55 = arith.constant 1.000000e+00 : f32
    %add3A_56 = vector.broadcast %add3A_55 : f32 to vector<2000x128xf32>
    %add3A_57 = arith.addf %add3A_56, %erf3A : vector<2000x128xf32>
    %mul3A_58 = arith.mulf %mul3A_51, %add3A_57 : vector<2000x128xf32>
    %get3A_59 = arith.constant 0 : index
    %get3A_60 = arith.constant 0 : index
    %get3A_61 = vector.load %arg4[%get3A_59, %get3A_60] : memref<2000x128xf32, #tpu.memory_space<vmem>>, vector<2000x128xf32>
    %add3A_62 = arith.addf %mul3A_58, %get3A_61 : vector<2000x128xf32>
    %swap3A = arith.constant 0 : index
    %swap3A_63 = arith.constant 0 : index
    %swap3A_64 = vector.load %arg10[%swap3A, %swap3A_63] : memref<2000x128xf32, #tpu.memory_space<vmem>>, vector<2000x128xf32>
    tpu.vector_store %arg10[%swap3A, %swap3A_63], %add3A_62 {strides = array<i32>} : memref<2000x128xf32, #tpu.memory_space<vmem>>, vector<2000x128xf32>,
    %get3A_65 = arith.constant 0 : index
    %get3A_66 = arith.constant 0 : index
    %get3A_67 = vector.load %arg9[%get3A_65, %get3A_66] : memref<128x128xf32, #tpu.memory_space<vmem>>, vector<128x128xf32>
    %dot_general3A_68 = arith.constant dense<0.000000e+00> : vector<2000x128xf32>
    %dot_general3A_69 = tpu.matmul %add3A_62, %get3A_67, %dot_general3A_68 {dimension_numbers = #tpu.dot_dimension_numbers<[1], [0], [0], [1], [0, 0, 1, 1], [], []>, transpose_lhs_hint = false} : vector<2000x128xf32>, vector<128x128xf32>, vector<2000x128xf32> -> vector<2000x128xf32>
    %swap3A_70 = arith.constant 0 : index
    %swap3A_71 = arith.constant 0 : index
    %swap3A_72 = vector.load %arg11[%swap3A_70, %swap3A_71] : memref<2000x128xf32, #tpu.memory_space<vmem>>, vector<2000x128xf32>
    tpu.vector_store %arg11[%swap3A_70, %swap3A_71], %dot_general3A_69 {strides = array<i32>} : memref<2000x128xf32, #tpu.memory_space<vmem>>, vector<2000x128xf32>,
    return
  }
  func.func @transform_0(%arg0: i32) -> (i32, i32) {
    %c0_i32 = arith.constant 0 : i32
    %c0_i32_0 = arith.constant 0 : i32
    return %arg0, %c0_i32 : i32, i32
  }
  func.func @transform_1(%arg0: i32) -> (i32, i32) {
    %add3A = arith.constant 5 : i32
    %add3A_0 = arith.addi %arg0, %add3A : i32
    %c0_i32 = arith.constant 0 : i32
    %c0_i32_1 = arith.constant 0 : i32
    return %add3A_0, %c0_i32 : i32, i32
  }
  func.func @transform_2(%arg0: i32) -> (i32, i32) {
    %c0_i32 = arith.constant 0 : i32
    %c0_i32_0 = arith.constant 0 : i32
    return %arg0, %c0_i32 : i32, i32
  }
  func.func @transform_3(%arg0: i32) -> (i32, i32) {
    %c0_i32 = arith.constant 0 : i32
    %c0_i32_0 = arith.constant 0 : i32
    return %arg0, %c0_i32 : i32, i32
  }
  func.func @transform_4(%arg0: i32) -> (i32, i32) {
    %c0_i32 = arith.constant 0 : i32
    %c0_i32_0 = arith.constant 0 : i32
    %c0_i32_1 = arith.constant 0 : i32
    return %c0_i32, %c0_i32_0 : i32, i32
  }
  func.func @transform_5(%arg0: i32) -> (i32, i32) {
    %c0_i32 = arith.constant 0 : i32
    %c0_i32_0 = arith.constant 0 : i32
    %c0_i32_1 = arith.constant 0 : i32
    return %c0_i32, %c0_i32_0 : i32, i32
  }
  func.func @transform_6(%arg0: i32) -> (i32, i32) {
    %c0_i32 = arith.constant 0 : i32
    %c0_i32_0 = arith.constant 0 : i32
    %c0_i32_1 = arith.constant 0 : i32
    return %c0_i32, %c0_i32_0 : i32, i32
  }
  func.func @transform_7(%arg0: i32) -> (i32, i32) {
    %c0_i32 = arith.constant 0 : i32
    %c0_i32_0 = arith.constant 0 : i32
    %c0_i32_1 = arith.constant 0 : i32
    return %c0_i32, %c0_i32_0 : i32, i32
  }
  func.func @transform_8(%arg0: i32) -> (i32, i32) {
    %c0_i32 = arith.constant 0 : i32
    %c0_i32_0 = arith.constant 0 : i32
    %c0_i32_1 = arith.constant 0 : i32
    return %c0_i32, %c0_i32_0 : i32, i32
  }
  func.func @transform_9(%arg0: i32) -> (i32, i32) {
    %c0_i32 = arith.constant 0 : i32
    %c0_i32_0 = arith.constant 0 : i32
    return %arg0, %c0_i32 : i32, i32
  }
  func.func @transform_10(%arg0: i32) -> (i32, i32) {
    %c0_i32 = arith.constant 0 : i32
    %c0_i32_0 = arith.constant 0 : i32
    return %arg0, %c0_i32 : i32, i32
  }
}

module attributes {stable_mosaic.version = 14 : i64} {
  func.func @_b3_body(%arg0: i32, %arg1: memref<2000x128xf32, #tpu.memory_space<vmem>>, %arg2: memref<2000x128xf32, #tpu.memory_space<vmem>>, %arg3: memref<2000x1xf32, #tpu.memory_space<vmem>>, %arg4: memref<2000x128xf32, #tpu.memory_space<vmem>>, %arg5: memref<128x64xf32, #tpu.memory_space<vmem>>, %arg6: memref<1x64xf32, #tpu.memory_space<vmem>>, %arg7: memref<1x64xf32, #tpu.memory_space<vmem>>, %arg8: memref<1x64xf32, #tpu.memory_space<vmem>>, %arg9: memref<64x32xf32, #tpu.memory_space<vmem>>, %arg10: memref<1x32xf32, #tpu.memory_space<vmem>>, %arg11: memref<2000x32xf32, #tpu.memory_space<vmem>>) attributes {dimension_semantics = [#tpu.dimension_semantics<arbitrary>], iteration_bounds = array<i64: 5>, scalar_prefetch = 0 : i64, scratch_operands = 0 : i64, tpu.core_type = #tpu.core_type<tc>, window_params = [{transform_indices = @transform_0, window_bounds = array<i64: 2000, 128>}, {transform_indices = @transform_1, window_bounds = array<i64: 2000, 128>}, {transform_indices = @transform_2, window_bounds = array<i64: 2000, 1>}, {transform_indices = @transform_3, window_bounds = array<i64: 2000, 128>}, {pipeline_mode = #tpu.pipeline_mode<synchronous>, transform_indices = @transform_4, window_bounds = array<i64: 128, 64>}, {pipeline_mode = #tpu.pipeline_mode<synchronous>, transform_indices = @transform_5, window_bounds = array<i64: 1, 64>}, {pipeline_mode = #tpu.pipeline_mode<synchronous>, transform_indices = @transform_6, window_bounds = array<i64: 1, 64>}, {pipeline_mode = #tpu.pipeline_mode<synchronous>, transform_indices = @transform_7, window_bounds = array<i64: 1, 64>}, {pipeline_mode = #tpu.pipeline_mode<synchronous>, transform_indices = @transform_8, window_bounds = array<i64: 64, 32>}, {pipeline_mode = #tpu.pipeline_mode<synchronous>, transform_indices = @transform_9, window_bounds = array<i64: 1, 32>}, {transform_indices = @transform_10, window_bounds = array<i64: 2000, 32>}]} {
    %get3A = arith.constant 0 : index
    %get3A_0 = arith.constant 0 : index
    %get3A_1 = vector.load %arg3[%get3A, %get3A_0] : memref<2000x1xf32, #tpu.memory_space<vmem>>, vector<2000x1xf32>
    %get3A_2 = arith.constant 0 : index
    %get3A_3 = arith.constant 0 : index
    %get3A_4 = vector.load %arg1[%get3A_2, %get3A_3] : memref<2000x128xf32, #tpu.memory_space<vmem>>, vector<2000x64xf32>
    %get3A_5 = arith.constant 0 : index
    %get3A_6 = arith.constant 0 : index
    %get3A_7 = vector.load %arg2[%get3A_5, %get3A_6] : memref<2000x128xf32, #tpu.memory_space<vmem>>, vector<2000x64xf32>
    %add3A = arith.addf %get3A_4, %get3A_7 : vector<2000x64xf32>
    %mul3A = vector.broadcast %get3A_1 : vector<2000x1xf32> to vector<2000x64xf32>
    %mul3A_8 = arith.mulf %add3A, %mul3A : vector<2000x64xf32>
    %get3A_9 = arith.constant 0 : index
    %get3A_10 = arith.constant 0 : index
    %get3A_11 = vector.load %arg6[%get3A_9, %get3A_10] : memref<1x64xf32, #tpu.memory_space<vmem>>, vector<1x64xf32>
    %add3A_12 = vector.broadcast %get3A_11 : vector<1x64xf32> to vector<2000x64xf32>
    %add3A_13 = arith.addf %mul3A_8, %add3A_12 : vector<2000x64xf32>
    %get3A_14 = arith.constant 0 : index
    %get3A_15 = arith.constant 0 : index
    %get3A_16 = vector.load %arg4[%get3A_14, %get3A_15] : memref<2000x128xf32, #tpu.memory_space<vmem>>, vector<2000x128xf32>
    %get3A_17 = arith.constant 0 : index
    %get3A_18 = arith.constant 0 : index
    %get3A_19 = vector.load %arg5[%get3A_17, %get3A_18] : memref<128x64xf32, #tpu.memory_space<vmem>>, vector<128x64xf32>
    %dot_general3A = arith.constant dense<0.000000e+00> : vector<2000x64xf32>
    %dot_general3A_20 = tpu.matmul %get3A_16, %get3A_19, %dot_general3A {dimension_numbers = #tpu.dot_dimension_numbers<[1], [0], [0], [1], [0, 0, 1, 1], [], []>, transpose_lhs_hint = false} : vector<2000x128xf32>, vector<128x64xf32>, vector<2000x64xf32> -> vector<2000x64xf32>
    %add3A_21 = arith.addf %add3A_13, %dot_general3A_20 : vector<2000x64xf32>
    %mul3A_22 = arith.constant 5.000000e-01 : f32
    %mul3A_23 = vector.broadcast %mul3A_22 : f32 to vector<2000x64xf32>
    %mul3A_24 = arith.mulf %mul3A_23, %add3A_21 : vector<2000x64xf32>
    %mul3A_25 = arith.constant 0.707106769 : f32
    %mul3A_26 = vector.broadcast %mul3A_25 : f32 to vector<2000x64xf32>
    %mul3A_27 = arith.mulf %add3A_21, %mul3A_26 : vector<2000x64xf32>
    %erf3A = math.erf %mul3A_27 : vector<2000x64xf32>
    %add3A_28 = arith.constant 1.000000e+00 : f32
    %add3A_29 = vector.broadcast %add3A_28 : f32 to vector<2000x64xf32>
    %add3A_30 = arith.addf %add3A_29, %erf3A : vector<2000x64xf32>
    %mul3A_31 = arith.mulf %mul3A_24, %add3A_30 : vector<2000x64xf32>
    %get3A_32 = arith.constant 0 : index
    %get3A_33 = arith.constant 0 : index
    %get3A_34 = vector.load %arg7[%get3A_32, %get3A_33] : memref<1x64xf32, #tpu.memory_space<vmem>>, vector<1x64xf32>
    %get3A_35 = arith.constant 0 : index
    %get3A_36 = arith.constant 0 : index
    %get3A_37 = vector.load %arg8[%get3A_35, %get3A_36] : memref<1x64xf32, #tpu.memory_space<vmem>>, vector<1x64xf32>
    %reduce_sum3A = arith.constant dense<0.000000e+00> : vector<2000xf32>
    %reduce_sum3A_38 = vector.multi_reduction <add>, %mul3A_31, %reduce_sum3A [1] : vector<2000x64xf32> to vector<2000xf32>
    %broadcast_in_dim3A = vector.shape_cast %reduce_sum3A_38 : vector<2000xf32> to vector<2000x1xf32>
    %div3A = arith.constant 6.400000e+01 : f32
    %div3A_39 = vector.broadcast %div3A : f32 to vector<2000x1xf32>
    %div3A_40 = arith.divf %broadcast_in_dim3A, %div3A_39 : vector<2000x1xf32>
    %sub3A = vector.broadcast %div3A_40 : vector<2000x1xf32> to vector<2000x64xf32>
    %sub3A_41 = arith.subf %mul3A_31, %sub3A : vector<2000x64xf32>
    %integer_pow3A = arith.mulf %sub3A_41, %sub3A_41 : vector<2000x64xf32>
    %reduce_sum3A_42 = arith.constant dense<0.000000e+00> : vector<2000xf32>
    %reduce_sum3A_43 = vector.multi_reduction <add>, %integer_pow3A, %reduce_sum3A_42 [1] : vector<2000x64xf32> to vector<2000xf32>
    %broadcast_in_dim3A_44 = vector.shape_cast %reduce_sum3A_43 : vector<2000xf32> to vector<2000x1xf32>
    %div3A_45 = arith.constant 6.400000e+01 : f32
    %div3A_46 = vector.broadcast %div3A_45 : f32 to vector<2000x1xf32>
    %div3A_47 = arith.divf %broadcast_in_dim3A_44, %div3A_46 : vector<2000x1xf32>
    %sub3A_48 = vector.broadcast %div3A_40 : vector<2000x1xf32> to vector<2000x64xf32>
    %sub3A_49 = arith.subf %mul3A_31, %sub3A_48 : vector<2000x64xf32>
    %add3A_50 = arith.constant 9.99999974E-6 : f32
    %add3A_51 = vector.broadcast %add3A_50 : f32 to vector<2000x1xf32>
    %add3A_52 = arith.addf %div3A_47, %add3A_51 : vector<2000x1xf32>
    %rsqrt3A = math.rsqrt %add3A_52 : vector<2000x1xf32>
    %mul3A_53 = vector.broadcast %rsqrt3A : vector<2000x1xf32> to vector<2000x64xf32>
    %mul3A_54 = arith.mulf %sub3A_49, %mul3A_53 : vector<2000x64xf32>
    %mul3A_55 = vector.broadcast %get3A_34 : vector<1x64xf32> to vector<2000x64xf32>
    %mul3A_56 = arith.mulf %mul3A_54, %mul3A_55 : vector<2000x64xf32>
    %add3A_57 = vector.broadcast %get3A_37 : vector<1x64xf32> to vector<2000x64xf32>
    %add3A_58 = arith.addf %mul3A_56, %add3A_57 : vector<2000x64xf32>
    %get3A_59 = arith.constant 0 : index
    %get3A_60 = arith.constant 0 : index
    %get3A_61 = vector.load %arg9[%get3A_59, %get3A_60] : memref<64x32xf32, #tpu.memory_space<vmem>>, vector<64x32xf32>
    %dot_general3A_62 = arith.constant dense<0.000000e+00> : vector<2000x32xf32>
    %dot_general3A_63 = tpu.matmul %add3A_58, %get3A_61, %dot_general3A_62 {dimension_numbers = #tpu.dot_dimension_numbers<[1], [0], [0], [1], [0, 0, 1, 1], [], []>, transpose_lhs_hint = false} : vector<2000x64xf32>, vector<64x32xf32>, vector<2000x32xf32> -> vector<2000x32xf32>
    %get3A_64 = arith.constant 0 : index
    %get3A_65 = arith.constant 0 : index
    %get3A_66 = vector.load %arg10[%get3A_64, %get3A_65] : memref<1x32xf32, #tpu.memory_space<vmem>>, vector<1x32xf32>
    %add3A_67 = vector.broadcast %get3A_66 : vector<1x32xf32> to vector<2000x32xf32>
    %add3A_68 = arith.addf %dot_general3A_63, %add3A_67 : vector<2000x32xf32>
    %swap3A = arith.constant 0 : index
    %swap3A_69 = arith.constant 0 : index
    %swap3A_70 = vector.load %arg11[%swap3A, %swap3A_69] : memref<2000x32xf32, #tpu.memory_space<vmem>>, vector<2000x32xf32>
    tpu.vector_store %arg11[%swap3A, %swap3A_69], %add3A_68 {strides = array<i32>} : memref<2000x32xf32, #tpu.memory_space<vmem>>, vector<2000x32xf32>,
    return
  }
  func.func @transform_0(%arg0: i32) -> (i32, i32) {
    %c0_i32 = arith.constant 0 : i32
    %c0_i32_0 = arith.constant 0 : i32
    return %arg0, %c0_i32 : i32, i32
  }
  func.func @transform_1(%arg0: i32) -> (i32, i32) {
    %add3A = arith.constant 5 : i32
    %add3A_0 = arith.addi %arg0, %add3A : i32
    %c0_i32 = arith.constant 0 : i32
    %c0_i32_1 = arith.constant 0 : i32
    return %add3A_0, %c0_i32 : i32, i32
  }
  func.func @transform_2(%arg0: i32) -> (i32, i32) {
    %c0_i32 = arith.constant 0 : i32
    %c0_i32_0 = arith.constant 0 : i32
    return %arg0, %c0_i32 : i32, i32
  }
  func.func @transform_3(%arg0: i32) -> (i32, i32) {
    %c0_i32 = arith.constant 0 : i32
    %c0_i32_0 = arith.constant 0 : i32
    return %arg0, %c0_i32 : i32, i32
  }
  func.func @transform_4(%arg0: i32) -> (i32, i32) {
    %c0_i32 = arith.constant 0 : i32
    %c0_i32_0 = arith.constant 0 : i32
    %c0_i32_1 = arith.constant 0 : i32
    return %c0_i32, %c0_i32_0 : i32, i32
  }
  func.func @transform_5(%arg0: i32) -> (i32, i32) {
    %c0_i32 = arith.constant 0 : i32
    %c0_i32_0 = arith.constant 0 : i32
    %c0_i32_1 = arith.constant 0 : i32
    return %c0_i32, %c0_i32_0 : i32, i32
  }
  func.func @transform_6(%arg0: i32) -> (i32, i32) {
    %c0_i32 = arith.constant 0 : i32
    %c0_i32_0 = arith.constant 0 : i32
    %c0_i32_1 = arith.constant 0 : i32
    return %c0_i32, %c0_i32_0 : i32, i32
  }
  func.func @transform_7(%arg0: i32) -> (i32, i32) {
    %c0_i32 = arith.constant 0 : i32
    %c0_i32_0 = arith.constant 0 : i32
    %c0_i32_1 = arith.constant 0 : i32
    return %c0_i32, %c0_i32_0 : i32, i32
  }
  func.func @transform_8(%arg0: i32) -> (i32, i32) {
    %c0_i32 = arith.constant 0 : i32
    %c0_i32_0 = arith.constant 0 : i32
    %c0_i32_1 = arith.constant 0 : i32
    return %c0_i32, %c0_i32_0 : i32, i32
  }
  func.func @transform_9(%arg0: i32) -> (i32, i32) {
    %c0_i32 = arith.constant 0 : i32
    %c0_i32_0 = arith.constant 0 : i32
    %c0_i32_1 = arith.constant 0 : i32
    return %c0_i32, %c0_i32_0 : i32, i32
  }
  func.func @transform_10(%arg0: i32) -> (i32, i32) {
    %c0_i32 = arith.constant 0 : i32
    %c0_i32_0 = arith.constant 0 : i32
    return %arg0, %c0_i32 : i32, i32
  }
}

</mosaic_0001>

<sc_bundles>
// kernel: sc_seg1_deg.3.cloned.1.call-start
scs
__scs_entry_jumppad:
0x0: {  	(pc) =	sbr.rel $0x88, $3  }
0x1: {  	(tag) =	ssettag $0x0;
	lr =	simm.s32 $0x1  }
0x2: {  	[smem:$0x3F8E] =	sst lr;
	_ =	strace $0xD0000000  }
0x3: {  	_ = 	snop  }
0x4: {  	_ = 	snop  }
0x5: {  	_ = 	snop  }
0x6: {  	_ = 	snop  }
0x7: {  	_ = 	snop  }
__scs_overlays_trampoline_lowered:
0x8: {  	[smem:$0x3F9D] =	sst s0  }
0x9: {  	[smem:$0x3F9E] =	sst s1  }
0xa: {  	[smem:$0x3F9F] =	sst s2  }
0xb: {  	[smem:$0x3FA0] =	sst s3  }
0xc: {  	[smem:$0x3FA1] =	sst s4  }
0xd: {  	[smem:$0x3FA2] =	sst s5  }
0xe: {  	[smem:$0x3FA3] =	sst s6  }
0xf: {  	[smem:$0x3FA4] =	sst s7  }
0x10: {  	[smem:$0x3FA5] =	sst s8  }
0x11: {  	[smem:$0x3FA6] =	sst s9;
	s0 =	simm.s32 @!p0 $0x0  }
0x12: {  	s1 =	sld [smem:$0x3F8C];
	s0 =	simm.s32 @p0 $0x1  }
0x13: {  	[smem:$0x3FA7] =	sst s0;
	s0 =	simm.s32 @!p1 $0x0  }
0x14: {  	s2 =	sld [smem:$0x3F8B];
	s0 =	simm.s32 @p1 $0x1  }
0x15: {  	[smem:$0x3FA8] =	sst s0;
	s0 =	simm.s32 @!p2 $0x0  }
0x16: {  	s3 =	sld [smem:$0x3FDB];
	s0 =	simm.s32 @p2 $0x1  }
0x17: {  	s4 =	simm.s32 $0x1BF5;
	[smem:$0x3FAA] =	sst s0  }
0x18: {  	s0 =	sld [smem:$0x3F8D];
	_ =	swait.ge [sflag:s4], $0x0  }
0x19: {  	s7 =	sld [smem:$0x3F8E]  }
0x1a: {  	s8 =	sadd.s32 $0xFFFFE003, lr  }
0x1b: {  	s9 =	sadd.s32 $0xFFFFFEF7, lr;
	s5 =	simm.s32 $0xFFFFFFFF;
	p2 =	slt.u32 s8, $0xFFFFF086  }
0x1c: {  	p1 =	slt.u32 s9, $0xF7A;
	s5 =	simm.s32 @!p2 $0x0  }
0x1d: {  	s5 =	simm.s32 @p1 $0x1;
	p0 =	seq.s32 s7, s2  }
0x1e: {  	s7 =	smul.u32 @!p0 $0xF7A, s2;
	p2 =	seq.s32 @!p0 s5, $0x0  }
0x1f: {  	s9 =	smul.u32 $0xF7A, s1;
	s8 =	simm.s32 @!p0 $0x1BF5;
	p2 =	por !p2, p0  }
0x20: {  	[sflag:s8] =	ssyncset.s32 @!p0 $0xFFFFF086;
	s6 =	sadd.s32 @!p0 s3, s7;
	s7 =	simm.s32 @!p0 $0x108  }
0x21: {  	s3 =	sadd.s32 s3, s9;
	s6 =	sadd.s32 @!p0 $0x88, s6;
	s7 =	simm.s32 @p2 $0x1082  }
0x22: {  	[simem:s7], [sflag:s8] =	dma.local @!p0 [hbm:s6], $0xF7A  }
0x23: {  	s9 =	sor.u32 $0xD0000000, s2;
	s6 =	simm.s32 $0x108;
	_ =	swait.ge @!p0 [sflag:s8], $0x0  }
0x24: {  	s3 =	sadd.s32 $0x88, s3;
	s6 =	simm.s32 @!p1 $0x1082;
	[sflag:s4] =	ssyncset.s32 $0xFFFFF086  }
0x25: {  	[simem:s6], [sflag:s4] =	dma.local [hbm:s3], $0xF7A  }
0x26: {  	[smem:$0x3F8E] =	sst s1;
	(tag) =	ssettag s2;
	_ =	strace s9  }
0x27: {  	s1 =	sld [smem:$0x3F9E]  }
0x28: {  	s2 =	sld [smem:$0x3F9F]  }
0x29: {  	s4 =	sld [smem:$0x3FA1]  }
0x2a: {  	p0 =	seq.s32 s5, $0x0;
	s5 =	sld [smem:$0x3FA2]  }
0x2b: {  	s6 =	sld [smem:$0x3FA3]  }
0x2c: {  	s7 =	sld [smem:$0x3FA4]  }
0x2d: {  	s3 =	simm.s32 $0x108;
	s8 =	sld [smem:$0x3FA5]  }
0x2e: {  	s3 =	simm.s32 @!p0 $0x1082;
	s9 =	sld [smem:$0x3FA6]  }
0x2f: {  	lr =	sadd.s32 s0, s3;
	s0 =	sld [smem:$0x3F9D]  }
0x30: {  	s3 =	sld [smem:$0x3FA0]  }
0x31: {  	[smem:$0x3FA9] =	sst s10  }
0x32: {  	s10 =	sld [smem:$0x3FA7];
	_ =	sdelay $0x3  }
0x33: {  	p0 =	seq.s32 s10, $0x1;
	s10 =	sld [smem:$0x3FA9];
	_ =	sdelay $0x3  }
0x34: {  	[smem:$0x3FA9] =	sst s10  }
0x35: {  	s10 =	sld [smem:$0x3FA8];
	_ =	sdelay $0x3  }
0x36: {  	p1 =	seq.s32 s10, $0x1;
	s10 =	sld [smem:$0x3FA9];
	_ =	sdelay $0x3  }
0x37: {  	[smem:$0x3FA9] =	sst s10  }
0x38: {  	s10 =	sld [smem:$0x3FAA]  }
0x39: {  	_ = 	snop;
	(pc) =	sbr.ind lr, $3  }
0x3a: {  	_ = 	snop  }
0x3b: {  	_ = 	snop  }
0x3c: {  	p2 =	seq.s32 s10, $0x1;
	s10 =	sld [smem:$0x3FA9]  }
0x3d: {  	_ =	shalt  }
0x3e: {  	_ =	shalt  }
0x3f: {  	_ =	shalt  }
0x40: {  	_ =	shalt  }
0x41: {  	_ =	shalt  }
0x42: {  	_ =	shalt  }
0x43: {  	_ =	shalt  }
0x44: {  	_ =	shalt  }
0x45: {  	_ =	shalt  }
0x46: {  	_ =	shalt  }
0x47: {  	_ =	shalt  }
0x48: {  	_ =	shalt  }
0x49: {  	_ =	shalt  }
0x4a: {  	_ =	shalt  }
0x4b: {  	_ =	shalt  }
0x4c: {  	_ =	shalt  }
0x4d: {  	_ =	shalt  }
0x4e: {  	_ =	shalt  }
0x4f: {  	_ =	shalt  }
0x50: {  	_ =	shalt  }
0x51: {  	_ =	shalt  }
0x52: {  	_ =	shalt  }
0x53: {  	_ =	shalt  }
0x54: {  	_ =	shalt  }
0x55: {  	_ =	shalt  }
0x56: {  	_ =	shalt  }
0x57: {  	_ =	shalt  }
0x58: {  	_ =	shalt  }
0x59: {  	_ =	shalt  }
0x5a: {  	_ =	shalt  }
0x5b: {  	_ =	shalt  }
0x5c: {  	_ =	shalt  }
0x5d: {  	_ =	shalt  }
0x5e: {  	_ =	shalt  }
0x5f: {  	_ =	shalt  }
0x60: {  	_ =	shalt  }
0x61: {  	_ =	shalt  }
0x62: {  	_ =	shalt  }
0x63: {  	_ =	shalt  }
0x64: {  	_ =	shalt  }
0x65: {  	_ =	shalt  }
0x66: {  	_ =	shalt  }
0x67: {  	_ =	shalt  }
0x68: {  	_ =	shalt  }
0x69: {  	_ =	shalt  }
0x6a: {  	_ =	shalt  }
0x6b: {  	_ =	shalt  }
0x6c: {  	_ =	shalt  }
0x6d: {  	_ =	shalt  }
0x6e: {  	_ =	shalt  }
0x6f: {  	_ =	shalt  }
0x70: {  	_ =	shalt  }
0x71: {  	_ =	shalt  }
0x72: {  	_ =	shalt  }
0x73: {  	_ =	shalt  }
0x74: {  	_ =	shalt  }
0x75: {  	_ =	shalt  }
0x76: {  	_ =	shalt  }
0x77: {  	_ =	shalt  }
0x78: {  	_ =	shalt  }
0x79: {  	_ =	shalt  }
0x7a: {  	_ =	shalt  }
0x7b: {  	_ =	shalt  }
0x7c: {  	_ =	shalt  }
0x7d: {  	_ =	shalt  }
0x7e: {  	_ =	shalt  }
0x7f: {  	_ =	shalt  }
0x80: {  	_ =	shalt  }
0x81: {  	_ =	shalt  }
0x82: {  	_ =	shalt  }
0x83: {  	_ =	shalt  }
0x84: {  	_ =	shalt  }
0x85: {  	_ =	shalt  }
0x86: {  	_ =	shalt  }
0x87: {  	_ =	shalt  }
.Lfunc_end0:
.L_simem_size_0:
called_computation_lowered:
.L_overlay_start_0:
0x88: {  	s2 =	sld [smem:$0x3FD9]  }
0x89: {  	s3 =	sld [smem:$0x3FFE];
	_ =	sdelay $0x1  }
0x8a: {  	s1 =	srdreg.scid  }
0x8b: {  	s0 =	sand.u32 $0x1, s1  }
0x8c: {  	s17 =	sshll.u32 s0, $0xA;
	s2 =	sadd.s32 s3, s2  }
0x8d: {  	s2 =	sadd.s32 s2, s17  }
0x8e: {  	[smem:$0x3FB5] =	sst s2  }
0x8f: {  	_ = 	snop  }
0x90: {  	s2 =	sld [smem:$0x3FC9]  }
0x91: {  	s18 =	sld [smem:$0x3FD0];
	(tm) =	ssettm $0x1  }
0x92: {  	s4 =	sld [smem:$0x3FFB];
	_ =	sdelay $0x3  }
0x93: {  	_ =	strace s4  }
0x94: {  	s4 =	sld [smem:$0x3FFC];
	_ =	sdelay $0x3  }
0x95: {  	_ =	strace s4  }
0x96: {  	s4 =	sld [smem:$0x3FFD];
	_ =	sdelay $0x3  }
0x97: {  	_ =	strace s4  }
0x98: {  	_ =	strace $0x8FFFFFFF  }
0x99: {  	s19 =	sld [smem:$0x3FDB];
	_ =	sdelay $0x1  }
0x9a: {  	s5 =	simm.s32 $_scs_section_size  }
0x9b: {  	s6 =	simm.s32 $_size__tile_overlayer_lowered;
	s7 =	simm.s32 $_tile_overlayer_lowered  }
0x9c: {  	s22 =	simm.s32 $0x1BFF;
	s21 =	sshll.u32 s7, $0x1;
	s4 =	sadd.s32 s5, s19  }
0x9d: {  	s8 =	simm.s32 $0x0;
	s20 =	sshll.u32 s6, $0x1;
	s6 =	sadd.s32 s21, s4  }
0x9e: {  	[timem:s8], [sflag:s22] =	dma.local [hbm:s6], s20  }
0x9f: {  	_ =	swait.ge [sflag:s22], s20  }
0xa0: {  	s5 =	ssub.s32 $0x0, s20;
	[sflag:s22] =	ssyncset.done $0x0  }
0xa1: {  	[sflag:s22] =	ssyncadd.s32 s5;
	_ =	sdelay $0x1  }
0xa2: {  	s23 =	simm.s32 $0x1B8B  }
0xa3: {  	_ =	swait.ge [sflag:s23], $0x1  }
0xa4: {  	[sflag:s23] =	ssyncset.done $0x0  }
0xa5: {  	s25 =	simm.s32 $0x1B8E;
	s24 =	sld [smem:$0x3FFE];
	[sflag:s23] =	ssyncadd.s32 $0xFFFFFFFF  }
0xa6: {  	s26 =	simm.s32 $execute0_lowered;
	[smem:$0x3FD2] =	sst s25  }
0xa7: {  	s6 =	sshll.u32 s26, $0x1;
	_ =	strace $0x80000046;
	[dreg:$0x1] =	wrdreg $0xFFFFFFFF  }
0xa8: {  	s28 =	simm.s32 $_size_execute0_lowered;
	s4 =	sadd.s32 s4, s6;
	[dreg:$0x0] =	wrdreg $0x0  }
0xa9: {  	s6 =	sshll.u32 s28, $0x1;
	[dreg:$0x2] =	wrdreg s4  }
0xaa: {  	[dreg:$0x3] =	wrdreg s6  }
0xab: {  	[dreg:$0x4] =	wrdreg $0xC0  }
0xac: {  	_ =	task [dreg:s8], $0x5FFFF  }
0xad: {  	[dreg:$0x1] =	wrdreg $0xFFFFFFFF  }
0xae: {  	[dreg:$0x0] =	wrdreg $0x60  }
0xaf: {  	[dreg:$0x2] =	wrdreg s2  }
0xb0: {  	[dreg:$0x3] =	wrdreg s18  }
0xb1: {  	[dreg:$0x4] =	wrdreg s24  }
0xb2: {  	[dreg:$0x5] =	wrdreg $0xB7800  }
0xb3: {  	[dreg:$0x6] =	wrdreg $0x9  }
0xb4: {  	_ =	task.clear_ibuf [dreg:s8], $0x7FFFF;
	_ =	strace $0x90000046  }
0xb5: {  	s29 =	simm.s32 $0x9;
	_ =	strace $0x80000048  }
0xb6: {  	_ =	swait.ge [sflag:s29], $0x1  }
0xb7: {  	[sflag:s29] =	ssyncadd.s32 $0xFFFFFFFF  }
0xb8: {  	_ =	strace $0x90000048  }
0xb9: {  	_ =	sfence  }
0xba: {  	s30 =	sld [smem:$0x0];
	_ =	sdelay $0x2  }
0xbb: {  	s31 =	sshll.u32 s1, $0xD;
	s1 =	sshrl.u32 s1, $0x2  }
0xbc: {  	s3 =	sand.u32 $0x4000, s31;
	s1 =	sadd.s32 s1, s30  }
0xbd: {  	s0 =	sor.u32 s3, s0;
	s1 =	sshll.u32 s1, $0x11  }
0xbe: {  	s0 =	sor.u32 s1, s0  }
0xbf: {  	s0 =	sadd.s32 $0x8F2B, s0  }
0xc0: {  	[sflag:s0] =	ssyncadd.remote.s32 $0x1  }
0xc1: {  	_ =	sfence.sel $0xFFFF  }
0xc2: {  	[dreg:$0x0] =	wrdreg $0xFFFFFFFF;
	(pc) =	sbr.abs _section_cstart, $3  }
0xc3: {  	[dreg:$0x1] =	wrdreg $0xFFFFFFFF  }
0xc4: {  	_ =	task.clear_ibuf [dreg:s8], $0x2FFFF;
	_ =	strace $0x9FFFFFFF  }
0xc5: {  	(tm) =	ssettm $0x7FFFFFFF  }
tec
execute0_lowered:
.L_overlay_start_1:
0x0: {  	(tag) =	ssettag $0x1  }
0x1: {  	s0 =	rddreg [dreg:$0x0]  }
0x2: {  	s1 =	rddreg [dreg:$0x1]  }
0x3: {  	s2 =	srdreg.scid;
	s7 =	rddreg [dreg:$0x2]  }
0x4: {  	s3 =	rddreg [dreg:$0x3];
	s17 =	stileid.u32;
	s4 =	simm.s32 $0x0  }
0x5: {  	s19 =	simm.s32 $0x5;
	s20 =	simm.s32 $0x2780;
	s21 =	simm.s32 $0x6780  }
0x6: {  	s22 =	simm.s32 $0x50;
	s28 =	simm.s32 $0x8F80;
	s29 =	simm.s32 $0x1  }
0x7: {  	s30 =	simm.s32 $0x2;
	s2 =	sand.u32 $0x1, s2;
	[smem:$0x7FF] =	sst s4  }
0x8: {  	s6 =	sadd.s32 $0x16200, s7;
	s12 =	sadd.s32 $0x16800, s7;
	s11 =	smul.u32 $0x50000, s17  }
0x9: {  	s13 =	sadd.s32 $0x64A00, s7;
	s24 =	sshll.u32 s17, $0x7;
	s26 =	smul.u32 $0x2800, s17  }
0xa: {  	s15 =	sadd.s32 $0x12C000, s3;
	p0 =	seq.s32 s17, $0xF;
	s5 =	sshll.u32 s2, $0x4  }
0xb: {  	_ =	strace $0x80000047;
	s10 =	ssub.s32 $0x2, s2;
	s25 =	smul.u32 $0x27100, s2  }
0xc: {  	s2 =	smul.u32 $0x138800, s2;
	s8 =	sor.u32 s17, s5;
	s23 =	sshrl.u32 s10, $0x1  }
0xd: {  	s11 =	sshrl.u32 s11, $0x2;
	s5 =	sshll.u32 s8, $0xB;
	s8 =	sshrl.u32 s8, $0x3  }
0xe: {  	s14 =	ssub.s32 s10, s23;
	s16 =	sadd.s32 s11, s3;
	s2 =	sshrl.u32 s2, $0x3  }
0xf: {  	s31 =	sadd.s32 s26, s25;
	s25 =	simm.s32 $0x4;
	s26 =	simm.s32 $0x6580  }
0x10: {  	s9 =	sadd.s32 s5, s7;
	s5 =	sadd.s32 $0x13A00, s7;
	s8 =	smul.u32 $0x13C00, s8  }
0x11: {  	s7 =	sand.u32 $0x380, s24;
	s2 =	sadd.s32 $0x25800, s2;
	s11 =	sadd.s32 s12, s31  }
0x12: {  	s16 =	sshrl.u32 @!p0 s16, $0x3;
	s24 =	simm.s32 $0x3;
	s10 =	sadd.s32 s13, s2  }
0x13: {  	s12 =	sadd.s32 s12, s2;
	s2 =	simm.s32 $0x0;
	s7 =	sor.u32 s7, s8  }
0x14: {  	s8 =	sadd.s32 $0x3A00, s9;
	s9 =	sadd.s32 s13, s31;
	s7 =	sshrl.u32 s7, $0x3  }
0x15: {  	s13 =	smax.u32 s14, $0x1;
	s7 =	sadd.s32 s1, s7;
	s1 =	sshll.u32 @!p0 s17, $0x6  }
0x16: {  	s14 =	sshrl.u32 @p0 s15, $0x3;
	s15 =	sor.u32 @!p0 $0x1C05, s1;
	s1 =	simm.s32 $0x6500  }
.LBB2_1:
0x17: {  	s17 =	simm.s32 @p0 $0x1FC5  }
0x18: {  	[spmem:s14], [sflag:s17] =	dma.local @p0 [hbm:s5], $0x1900  }
0x19: {  	s17 =	simm.s32 @p0 $0x5  }
0x1a: {  	_ =	swait.ge @p0 [sflag:s17], $0x1900  }
0x1b: {  	[sflag:s17] =	ssyncset.done @p0 $0x0  }
0x1c: {  	[sflag:s17] =	ssyncadd.s32 @p0 $0xFFFFE700;
	s17 =	simm.s32 @!p0 $0x5  }
0x1d: {  	[spmem:s16], [sflag:s15] =	dma.local @!p0 [hbm:s5], $0x2800  }
0x1e: {  	_ =	swait.ge @!p0 [sflag:s17], $0x2800  }
0x1f: {  	[sflag:s17] =	ssyncset.done @!p0 $0x0  }
0x20: {  	s31 =	simm.s32 $0x80;
	s18 =	simm.s32 $0x400;
	[sflag:s17] =	ssyncadd.s32 @!p0 $0xFFFFD800  }
0x21: {  	[tilespmem:s4], [sflag:$0x5] =	stream.strided.gather [hbm4b:s7+s31], $0x2780, s18, s31, $0x38;
	[tilespmem:$0x1F000] =	vst v63  }
0x22: {  	_ =	swait.ge [sflag:s19], $0x2780  }
0x23: {  	[sflag:s19] =	ssyncset.done $0x0  }
0x24: {  	[sflag:s19] =	ssyncadd.s32 $0xFFFFD880  }
0x25: {  	[tilespmem:s20], [sflag:$0x5] =	stream.linear.gather [hbm4b:s8+s4], $0x3E80, $0x38;
	[tilespmem:$0x1F000] =	vst v63  }
0x26: {  	_ =	swait.ge [sflag:s19], $0x3E80  }
0x27: {  	[sflag:s19] =	ssyncset.done $0x0  }
0x28: {  	[sflag:s19] =	ssyncadd.s32 $0xFFFFC180  }
0x29: {  	[tilespmem:s21], [sflag:$0x5] =	stream.linear.gather [hbm4b:s6+s4], $0x2800, $0x38;
	[tilespmem:$0x1F000] =	vst v63  }
0x2a: {  	_ =	swait.ge [sflag:s19], $0x2800  }
0x2b: {  	[sflag:s19] =	ssyncset.done $0x0  }
0x2c: {  	[sflag:s19] =	ssyncadd.s32 $0xFFFFD800  }
0x2d: {  	[bflag:$0x0] =	sbarrier.arrive $0xFFFF  }
0x2e: {  	[spmem:s3] =	stream.indirect.scatter.add.f32 [tilespmem:s21], [sflag:$0x3], $0x80, s20, s22, $0xb8;
	[tilespmem:$0x1F000] =	vst v63  }
0x2f: {  	s23 =	simm.s32 $0x2800  }
0x30: {  	[spmem:s3] =	stream.indirect.scatter.add.f32 [tilespmem:s21], [sflag:$0x4], $0x80, s23, s22, $0xb8;
	[tilespmem:$0x1F000] =	vst v63  }
0x31: {  	_ =	swait.ge [sflag:s24], $0x2800  }
0x32: {  	[sflag:s24] =	ssyncset.done $0x0  }
0x33: {  	s31 =	simm.s32 $0x2880;
	[sflag:s24] =	ssyncadd.s32 $0xFFFFD800  }
0x34: {  	[spmem:s3] =	stream.indirect.scatter.add.f32 [tilespmem:s21], [sflag:$0x3], $0x80, s31, s22, $0xb8;
	[tilespmem:$0x1F000] =	vst v63  }
0x35: {  	_ =	swait.ge [sflag:s25], $0x2800  }
0x36: {  	[sflag:s25] =	ssyncset.done $0x0  }
0x37: {  	s17 =	simm.s32 $0xFFFF1000;
	s18 =	simm.s32 $0x2900;
	[sflag:s25] =	ssyncadd.s32 $0xFFFFD800  }
.LBB2_2:
0x38: {  	[spmem:s3] =	stream.indirect.scatter.add.f32 [tilespmem:s21], [sflag:$0x4], $0x80, s18, s22, $0xb8;
	[tilespmem:$0x1F000] =	vst v63  }
0x39: {  	s18 =	smov.u32 s17  }
0x3a: {  	p1 =	sne.s32 s17, $0xFFFFFC00;
	s17 =	sadd.s32 $0x400, s17;
	_ =	swait.ge [sflag:s24], $0x2800  }
0x3b: {  	s18 =	sshra.s32 s18, $0x2;
	[sflag:s24] =	ssyncset.done $0x0  }
.Ltmp0:
0x3c: {  	s23 =	sadd.s32 $0x6580, s18;
	[sflag:s24] =	ssyncadd.s32 $0xFFFFD800;
	(pc) =	sbr.rel @p1 .LBB2_2-.Ltmp0, $4  }
0x3d: {  	[spmem:s3] =	stream.indirect.scatter.add.f32 [tilespmem:s21], [sflag:$0x3], $0x80, s23, s22, $0xb8;
	[tilespmem:$0x1F000] =	vst v63  }
0x3e: {  	_ =	swait.ge [sflag:s25], $0x2800  }
0x3f: {  	[sflag:s25] =	ssyncset.done $0x0  }
0x40: {  	s18 =	sadd.s32 $0x6600, s18;
	[sflag:s25] =	ssyncadd.s32 $0xFFFFD800  }
0x41: {  	[spmem:s3] =	stream.indirect.scatter.add.f32 [tilespmem:s21], [sflag:$0x4], $0x80, s18, s22, $0xb8;
	[tilespmem:$0x1F000] =	vst v63  }
0x42: {  	_ =	swait.ge [sflag:s24], $0x2800  }
0x43: {  	[sflag:s24] =	ssyncset.done $0x0  }
0x44: {  	[sflag:s24] =	ssyncadd.s32 $0xFFFFD800  }
0x45: {  	[spmem:s3] =	stream.indirect.scatter.add.f32 [tilespmem:s21], [sflag:$0x3], $0x80, s26, s22, $0xb8;
	[tilespmem:$0x1F000] =	vst v63  }
0x46: {  	_ =	swait.ge [sflag:s25], $0x2800  }
0x47: {  	[sflag:s25] =	ssyncset.done $0x0  }
0x48: {  	[sflag:s25] =	ssyncadd.s32 $0xFFFFD800  }
0x49: {  	_ =	swait.ge [sflag:s24], $0x2800  }
0x4a: {  	[sflag:s24] =	ssyncset.done $0x0  }
0x4b: {  	[sflag:s24] =	ssyncadd.s32 $0xFFFFD800  }
0x4c: {  	s17 =	simm.s32 @p0 $0x1FC5;
	s18 =	simm.s32 @p0 $0x5;
	[bflag:$0x0] =	sbarrier.arrive $0xFFFF  }
0x4d: {  	[hbm:s10], [sflag:s17] =	dma.local @p0 [spmem:s14], $0x1900  }
0x4e: {  	_ =	swait.ge @p0 [sflag:s18], $0x1900  }
0x4f: {  	[sflag:s18] =	ssyncset.done @p0 $0x0  }
0x50: {  	[sflag:s18] =	ssyncadd.s32 @p0 $0xFFFFE700  }
0x51: {  	[spmem:s14], [sflag:s17] =	dma.local @p0 [hbm:s5], $0x1900  }
0x52: {  	_ =	swait.ge @p0 [sflag:s18], $0x1900  }
0x53: {  	[sflag:s18] =	ssyncset.done @p0 $0x0  }
0x54: {  	s17 =	simm.s32 @!p0 $0x5;
	[sflag:s18] =	ssyncadd.s32 @p0 $0xFFFFE700  }
0x55: {  	[hbm:s9], [sflag:s15] =	dma.local @!p0 [spmem:s16], $0x2800  }
0x56: {  	_ =	swait.ge @!p0 [sflag:s17], $0x2800  }
0x57: {  	[sflag:s17] =	ssyncset.done @!p0 $0x0  }
0x58: {  	[sflag:s17] =	ssyncadd.s32 @!p0 $0xFFFFD800  }
0x59: {  	[spmem:s16], [sflag:s15] =	dma.local @!p0 [hbm:s5], $0x2800  }
0x5a: {  	_ =	swait.ge @!p0 [sflag:s17], $0x2800  }
0x5b: {  	[sflag:s17] =	ssyncset.done @!p0 $0x0  }
0x5c: {  	[sflag:s17] =	ssyncadd.s32 @!p0 $0xFFFFD800  }
0x5d: {  	s31 =	simm.s32 $0x0;
	[bflag:$0x0] =	sbarrier.arrive $0xFFFF  }
0x5e: {  	[tilespmem:s21], [sflag:$0x1] =	stream.indirect.gather [hbm4b:s0+s22], $0x80, s31, s22, $0xb8;
	[tilespmem:$0x1F000] =	vst v63  }
0x5f: {  	_ = 	snop  }
0x60: {  	[tilespmem:s28], [sflag:$0x2] =	stream.indirect.gather [hbm4b:s0+s22], $0x80, s22, s22, $0xb8;
	[tilespmem:$0x1F000] =	vst v63  }
0x61: {  	_ =	swait.ge [sflag:s29], $0x2800  }
0x62: {  	[sflag:s29] =	ssyncset.done $0x0  }
0x63: {  	s18 =	simm.s32 $0x2780;
	[sflag:s29] =	ssyncadd.s32 $0xFFFFD800  }
0x64: {  	[spmem:s3] =	stream.indirect.scatter.add.f32 [tilespmem:s21], [sflag:$0x3], $0x80, s18, s22, $0xb8;
	[tilespmem:$0x1F000] =	vst v63  }
0x65: {  	_ =	swait.ge [sflag:s30], $0x2800  }
0x66: {  	[sflag:s30] =	ssyncset.done $0x0  }
0x67: {  	s23 =	simm.s32 $0x2800;
	[sflag:s30] =	ssyncadd.s32 $0xFFFFD800  }
0x68: {  	[spmem:s3] =	stream.indirect.scatter.add.f32 [tilespmem:s28], [sflag:$0x4], $0x80, s23, s22, $0xb8;
	[tilespmem:$0x1F000] =	vst v63  }
0x69: {  	_ =	swait.ge [sflag:s24], $0x2800  }
0x6a: {  	[sflag:s24] =	ssyncset.done $0x0  }
0x6b: {  	s31 =	simm.s32 $0xA0;
	[sflag:s24] =	ssyncadd.s32 $0xFFFFD800  }
0x6c: {  	[tilespmem:s21], [sflag:$0x1] =	stream.indirect.gather [hbm4b:s0+s22], $0x80, s31, s22, $0xb8;
	[tilespmem:$0x1F000] =	vst v63  }
0x6d: {  	_ =	swait.ge [sflag:s25], $0x2800  }
0x6e: {  	s17 =	simm.s32 $0x140;
	[sflag:s25] =	ssyncset.done $0x0  }
0x6f: {  	s18 =	simm.s32 $0x400;
	s23 =	simm.s32 $0xF0;
	[sflag:s25] =	ssyncadd.s32 $0xFFFFD800  }
.LBB2_4:
0x70: {  	[tilespmem:s28], [sflag:$0x2] =	stream.indirect.gather [hbm4b:s0+s22], $0x80, s23, s22, $0xb8;
	[tilespmem:$0x1F000] =	vst v63  }
0x71: {  	s23 =	smov.u32 s18  }
0x72: {  	p1 =	sne.s32 s18, $0xF000;
	s18 =	sadd.s32 $0x400, s18;
	_ =	swait.ge [sflag:s29], $0x2800  }
0x73: {  	s23 =	sshra.s32 s23, $0x2;
	[sflag:s29] =	ssyncset.done $0x0  }
0x74: {  	s31 =	sadd.s32 $0x2780, s23;
	[sflag:s29] =	ssyncadd.s32 $0xFFFFD800  }
0x75: {  	[spmem:s3] =	stream.indirect.scatter.add.f32 [tilespmem:s21], [sflag:$0x3], $0x80, s31, s22, $0xb8;
	[tilespmem:$0x1F000] =	vst v63  }
0x76: {  	_ =	swait.ge [sflag:s30], $0x2800  }
0x77: {  	[sflag:s30] =	ssyncset.done $0x0  }
0x78: {  	s23 =	sadd.s32 $0x2800, s23;
	[sflag:s30] =	ssyncadd.s32 $0xFFFFD800  }
0x79: {  	[spmem:s3] =	stream.indirect.scatter.add.f32 [tilespmem:s28], [sflag:$0x4], $0x80, s23, s22, $0xb8;
	[tilespmem:$0x1F000] =	vst v63  }
0x7a: {  	_ =	swait.ge [sflag:s24], $0x2800  }
0x7b: {  	[sflag:s24] =	ssyncset.done $0x0  }
.Ltmp1:
0x7c: {  	[sflag:s24] =	ssyncadd.s32 $0xFFFFD800;
	(pc) =	sbr.rel @p1 .LBB2_4-.Ltmp1, $4  }
0x7d: {  	[tilespmem:s21], [sflag:$0x1] =	stream.indirect.gather [hbm4b:s0+s22], $0x80, s17, s22, $0xb8;
	[tilespmem:$0x1F000] =	vst v63  }
0x7e: {  	_ =	swait.ge [sflag:s25], $0x2800  }
0x7f: {  	[sflag:s25] =	ssyncset.done $0x0  }
0x80: {  	s23 =	sadd.s32 $0x50, s17;
	s17 =	sadd.s32 $0xA0, s17;
	[sflag:s25] =	ssyncadd.s32 $0xFFFFD800  }
0x81: {  	[tilespmem:s28], [sflag:$0x2] =	stream.indirect.gather [hbm4b:s0+s22], $0x80, s23, s22, $0xb8;
	[tilespmem:$0x1F000] =	vst v63  }
0x82: {  	_ =	swait.ge [sflag:s29], $0x2800  }
0x83: {  	[sflag:s29] =	ssyncset.done $0x0  }
0x84: {  	s18 =	simm.s32 $0x6480;
	[sflag:s29] =	ssyncadd.s32 $0xFFFFD800  }
0x85: {  	[spmem:s3] =	stream.indirect.scatter.add.f32 [tilespmem:s21], [sflag:$0x3], $0x80, s18, s22, $0xb8;
	[tilespmem:$0x1F000] =	vst v63  }
0x86: {  	_ =	swait.ge [sflag:s30], $0x2800  }
0x87: {  	[sflag:s30] =	ssyncset.done $0x0  }
0x88: {  	[sflag:s30] =	ssyncadd.s32 $0xFFFFD800  }
0x89: {  	[spmem:s3] =	stream.indirect.scatter.add.f32 [tilespmem:s28], [sflag:$0x4], $0x80, s1, s22, $0xb8;
	[tilespmem:$0x1F000] =	vst v63  }
0x8a: {  	_ =	swait.ge [sflag:s24], $0x2800  }
0x8b: {  	[sflag:s24] =	ssyncset.done $0x0  }
0x8c: {  	[sflag:s24] =	ssyncadd.s32 $0xFFFFD800  }
0x8d: {  	[tilespmem:s21], [sflag:$0x1] =	stream.indirect.gather [hbm4b:s0+s22], $0x80, s17, s22, $0xb8;
	[tilespmem:$0x1F000] =	vst v63  }
0x8e: {  	_ =	swait.ge [sflag:s29], $0x2800  }
0x8f: {  	[sflag:s29] =	ssyncset.done $0x0  }
0x90: {  	[sflag:s29] =	ssyncadd.s32 $0xFFFFD800  }
0x91: {  	[spmem:s3] =	stream.indirect.scatter.add.f32 [tilespmem:s21], [sflag:$0x3], $0x80, s26, s22, $0xb8;
	[tilespmem:$0x1F000] =	vst v63  }
0x92: {  	_ =	swait.ge [sflag:s25], $0x2800  }
0x93: {  	[sflag:s25] =	ssyncset.done $0x0  }
0x94: {  	[sflag:s25] =	ssyncadd.s32 $0xFFFFD800  }
0x95: {  	_ =	swait.ge [sflag:s24], $0x2800  }
0x96: {  	[sflag:s24] =	ssyncset.done $0x0  }
0x97: {  	[sflag:s24] =	ssyncadd.s32 $0xFFFFD800  }
0x98: {  	s17 =	simm.s32 @p0 $0x1FC5;
	[bflag:$0x0] =	sbarrier.arrive $0xFFFF  }
0x99: {  	[hbm:s12], [sflag:s17] =	dma.local @p0 [spmem:s14], $0x1900  }
0x9a: {  	s17 =	simm.s32 @p0 $0x5  }
0x9b: {  	s2 =	sadd.s32 $0x1, s2;
	_ =	swait.ge @p0 [sflag:s17], $0x1900  }
0x9c: {  	p1 =	sne.s32 s2, s13;
	[sflag:s17] =	ssyncset.done @p0 $0x0  }
.Ltmp2:
0x9d: {  	[sflag:s17] =	ssyncadd.s32 @p0 $0xFFFFE700;
	s17 =	simm.s32 @!p0 $0x5;
	(pc) =	sbr.rel @p1 .LBB2_1-.Ltmp2, $4  }
0x9e: {  	[hbm:s11], [sflag:s15] =	dma.local @!p0 [spmem:s16], $0x2800  }
0x9f: {  	_ =	swait.ge @!p0 [sflag:s17], $0x2800  }
0xa0: {  	[sflag:s17] =	ssyncset.done @!p0 $0x0  }
0xa1: {  	[sflag:s17] =	ssyncadd.s32 @!p0 $0xFFFFD800  }
0xa2: {  	_ =	sfence.sel $0x180000  }
0xa3: {  	[bflag:$0x0] =	sbarrier.arrive $0xFFFF  }
0xa4: {  	_ =	strace $0x90000047  }
0xa5: {  	s0 =	stileid.u32;
	[bflag:$0x2] =	sbarrier.arrive $0xFFFF  }
0xa6: {  	p0 =	sne.s32 s0, $0x0;
	s0 =	rddreg [dreg:$0x4]  }
0xa7: {  	s0 =	sadd.s32 @!p0 $0x100000, s0  }
0xa8: {  	[sflag:s0] =	ssyncadd.tile.s32 @!p0 $0x1;
	_ =	shalt  }
.Lfunc_end2:
_tile_overlayer_lowered:
.L_overlay_start_2:
0xa9: {  	(tag) =	ssettag $0x2  }
0xaa: {  	s0 =	rddreg [dreg:$0x0];
	s2 =	stileid.u32  }
0xab: {  	s1 =	rddreg [dreg:$0x1];
	p0 =	sne.s32 s2, $0x0  }
0xac: {  	s3 =	rddreg [dreg:$0x2];
	[bflag:$0x3] =	sbarrier.arrive $0xFFFF;
	s2 =	simm.s32 @!p0 $0x1C05  }
0xad: {  	[timem:s3], [sflag:s2] =	dma.local @!p0 [hbm:s0], s1  }
0xae: {  	s0 =	simm.s32 @!p0 $0x5  }
0xaf: {  	_ =	swait.ge @!p0 [sflag:s0], s1  }
0xb0: {  	s1 =	ssub.s32 @!p0 $0x0, s1;
	[sflag:s0] =	ssyncset.done @!p0 $0x0  }
0xb1: {  	[sflag:s0] =	ssyncadd.s32 @!p0 s1  }
0xb2: {  	[bflag:$0x3] =	sbarrier.arrive $0xFFFF  }
0xb3: {  	_ =	shalt  }

// kernel: sc_segsum_128.4.cloned.1.call-start
scs
__scs_entry_jumppad:
0x0: {  	(pc) =	sbr.rel $0x88, $3  }
0x1: {  	(tag) =	ssettag $0x0;
	lr =	simm.s32 $0x1  }
0x2: {  	[smem:$0x3F8E] =	sst lr;
	_ =	strace $0xD0000000  }
0x3: {  	_ = 	snop  }
0x4: {  	_ = 	snop  }
0x5: {  	_ = 	snop  }
0x6: {  	_ = 	snop  }
0x7: {  	_ = 	snop  }
__scs_overlays_trampoline_lowered:
0x8: {  	[smem:$0x3F9D] =	sst s0  }
0x9: {  	[smem:$0x3F9E] =	sst s1  }
0xa: {  	[smem:$0x3F9F] =	sst s2  }
0xb: {  	[smem:$0x3FA0] =	sst s3  }
0xc: {  	[smem:$0x3FA1] =	sst s4  }
0xd: {  	[smem:$0x3FA2] =	sst s5  }
0xe: {  	[smem:$0x3FA3] =	sst s6  }
0xf: {  	[smem:$0x3FA4] =	sst s7  }
0x10: {  	[smem:$0x3FA5] =	sst s8  }
0x11: {  	[smem:$0x3FA6] =	sst s9;
	s0 =	simm.s32 @!p0 $0x0  }
0x12: {  	s1 =	sld [smem:$0x3F8C];
	s0 =	simm.s32 @p0 $0x1  }
0x13: {  	[smem:$0x3FA7] =	sst s0;
	s0 =	simm.s32 @!p1 $0x0  }
0x14: {  	s2 =	sld [smem:$0x3F8B];
	s0 =	simm.s32 @p1 $0x1  }
0x15: {  	[smem:$0x3FA8] =	sst s0;
	s0 =	simm.s32 @!p2 $0x0  }
0x16: {  	s3 =	sld [smem:$0x3FDB];
	s0 =	simm.s32 @p2 $0x1  }
0x17: {  	s4 =	simm.s32 $0x1BF5;
	[smem:$0x3FAA] =	sst s0  }
0x18: {  	s0 =	sld [smem:$0x3F8D];
	_ =	swait.ge [sflag:s4], $0x0  }
0x19: {  	s7 =	sld [smem:$0x3F8E]  }
0x1a: {  	s8 =	sadd.s32 $0xFFFFE003, lr  }
0x1b: {  	s9 =	sadd.s32 $0xFFFFFEF7, lr;
	s5 =	simm.s32 $0xFFFFFFFF;
	p2 =	slt.u32 s8, $0xFFFFF086  }
0x1c: {  	p1 =	slt.u32 s9, $0xF7A;
	s5 =	simm.s32 @!p2 $0x0  }
0x1d: {  	s5 =	simm.s32 @p1 $0x1;
	p0 =	seq.s32 s7, s2  }
0x1e: {  	s7 =	smul.u32 @!p0 $0xF7A, s2;
	p2 =	seq.s32 @!p0 s5, $0x0  }
0x1f: {  	s9 =	smul.u32 $0xF7A, s1;
	s8 =	simm.s32 @!p0 $0x1BF5;
	p2 =	por !p2, p0  }
0x20: {  	[sflag:s8] =	ssyncset.s32 @!p0 $0xFFFFF086;
	s6 =	sadd.s32 @!p0 s3, s7;
	s7 =	simm.s32 @!p0 $0x108  }
0x21: {  	s3 =	sadd.s32 s3, s9;
	s6 =	sadd.s32 @!p0 $0x88, s6;
	s7 =	simm.s32 @p2 $0x1082  }
0x22: {  	[simem:s7], [sflag:s8] =	dma.local @!p0 [hbm:s6], $0xF7A  }
0x23: {  	s9 =	sor.u32 $0xD0000000, s2;
	s6 =	simm.s32 $0x108;
	_ =	swait.ge @!p0 [sflag:s8], $0x0  }
0x24: {  	s3 =	sadd.s32 $0x88, s3;
	s6 =	simm.s32 @!p1 $0x1082;
	[sflag:s4] =	ssyncset.s32 $0xFFFFF086  }
0x25: {  	[simem:s6], [sflag:s4] =	dma.local [hbm:s3], $0xF7A  }
0x26: {  	[smem:$0x3F8E] =	sst s1;
	(tag) =	ssettag s2;
	_ =	strace s9  }
0x27: {  	s1 =	sld [smem:$0x3F9E]  }
0x28: {  	s2 =	sld [smem:$0x3F9F]  }
0x29: {  	s4 =	sld [smem:$0x3FA1]  }
0x2a: {  	p0 =	seq.s32 s5, $0x0;
	s5 =	sld [smem:$0x3FA2]  }
0x2b: {  	s6 =	sld [smem:$0x3FA3]  }
0x2c: {  	s7 =	sld [smem:$0x3FA4]  }
0x2d: {  	s3 =	simm.s32 $0x108;
	s8 =	sld [smem:$0x3FA5]  }
0x2e: {  	s3 =	simm.s32 @!p0 $0x1082;
	s9 =	sld [smem:$0x3FA6]  }
0x2f: {  	lr =	sadd.s32 s0, s3;
	s0 =	sld [smem:$0x3F9D]  }
0x30: {  	s3 =	sld [smem:$0x3FA0]  }
0x31: {  	[smem:$0x3FA9] =	sst s10  }
0x32: {  	s10 =	sld [smem:$0x3FA7];
	_ =	sdelay $0x3  }
0x33: {  	p0 =	seq.s32 s10, $0x1;
	s10 =	sld [smem:$0x3FA9];
	_ =	sdelay $0x3  }
0x34: {  	[smem:$0x3FA9] =	sst s10  }
0x35: {  	s10 =	sld [smem:$0x3FA8];
	_ =	sdelay $0x3  }
0x36: {  	p1 =	seq.s32 s10, $0x1;
	s10 =	sld [smem:$0x3FA9];
	_ =	sdelay $0x3  }
0x37: {  	[smem:$0x3FA9] =	sst s10  }
0x38: {  	s10 =	sld [smem:$0x3FAA]  }
0x39: {  	_ = 	snop;
	(pc) =	sbr.ind lr, $3  }
0x3a: {  	_ = 	snop  }
0x3b: {  	_ = 	snop  }
0x3c: {  	p2 =	seq.s32 s10, $0x1;
	s10 =	sld [smem:$0x3FA9]  }
0x3d: {  	_ =	shalt  }
0x3e: {  	_ =	shalt  }
0x3f: {  	_ =	shalt  }
0x40: {  	_ =	shalt  }
0x41: {  	_ =	shalt  }
0x42: {  	_ =	shalt  }
0x43: {  	_ =	shalt  }
0x44: {  	_ =	shalt  }
0x45: {  	_ =	shalt  }
0x46: {  	_ =	shalt  }
0x47: {  	_ =	shalt  }
0x48: {  	_ =	shalt  }
0x49: {  	_ =	shalt  }
0x4a: {  	_ =	shalt  }
0x4b: {  	_ =	shalt  }
0x4c: {  	_ =	shalt  }
0x4d: {  	_ =	shalt  }
0x4e: {  	_ =	shalt  }
0x4f: {  	_ =	shalt  }
0x50: {  	_ =	shalt  }
0x51: {  	_ =	shalt  }
0x52: {  	_ =	shalt  }
0x53: {  	_ =	shalt  }
0x54: {  	_ =	shalt  }
0x55: {  	_ =	shalt  }
0x56: {  	_ =	shalt  }
0x57: {  	_ =	shalt  }
0x58: {  	_ =	shalt  }
0x59: {  	_ =	shalt  }
0x5a: {  	_ =	shalt  }
0x5b: {  	_ =	shalt  }
0x5c: {  	_ =	shalt  }
0x5d: {  	_ =	shalt  }
0x5e: {  	_ =	shalt  }
0x5f: {  	_ =	shalt  }
0x60: {  	_ =	shalt  }
0x61: {  	_ =	shalt  }
0x62: {  	_ =	shalt  }
0x63: {  	_ =	shalt  }
0x64: {  	_ =	shalt  }
0x65: {  	_ =	shalt  }
0x66: {  	_ =	shalt  }
0x67: {  	_ =	shalt  }
0x68: {  	_ =	shalt  }
0x69: {  	_ =	shalt  }
0x6a: {  	_ =	shalt  }
0x6b: {  	_ =	shalt  }
0x6c: {  	_ =	shalt  }
0x6d: {  	_ =	shalt  }
0x6e: {  	_ =	shalt  }
0x6f: {  	_ =	shalt  }
0x70: {  	_ =	shalt  }
0x71: {  	_ =	shalt  }
0x72: {  	_ =	shalt  }
0x73: {  	_ =	shalt  }
0x74: {  	_ =	shalt  }
0x75: {  	_ =	shalt  }
0x76: {  	_ =	shalt  }
0x77: {  	_ =	shalt  }
0x78: {  	_ =	shalt  }
0x79: {  	_ =	shalt  }
0x7a: {  	_ =	shalt  }
0x7b: {  	_ =	shalt  }
0x7c: {  	_ =	shalt  }
0x7d: {  	_ =	shalt  }
0x7e: {  	_ =	shalt  }
0x7f: {  	_ =	shalt  }
0x80: {  	_ =	shalt  }
0x81: {  	_ =	shalt  }
0x82: {  	_ =	shalt  }
0x83: {  	_ =	shalt  }
0x84: {  	_ =	shalt  }
0x85: {  	_ =	shalt  }
0x86: {  	_ =	shalt  }
0x87: {  	_ =	shalt  }
.Lfunc_end0:
.L_simem_size_0:
called_computation.1_lowered:
.L_overlay_start_0:
0x88: {  	s2 =	sld [smem:$0x3FD9]  }
0x89: {  	s3 =	sld [smem:$0x3FFE];
	_ =	sdelay $0x1  }
0x8a: {  	s1 =	srdreg.scid  }
0x8b: {  	s0 =	sand.u32 $0x1, s1  }
0x8c: {  	s17 =	sshll.u32 s0, $0xA;
	s2 =	sadd.s32 s3, s2  }
0x8d: {  	s2 =	sadd.s32 s2, s17  }
0x8e: {  	[smem:$0x3FB5] =	sst s2  }
0x8f: {  	_ = 	snop  }
0x90: {  	s2 =	sld [smem:$0x3FD0];
	(tm) =	ssettm $0x1  }
0x91: {  	s18 =	sld [smem:$0x3FFB];
	_ =	sdelay $0x3  }
0x92: {  	_ =	strace s18  }
0x93: {  	s3 =	sld [smem:$0x3FFC];
	_ =	sdelay $0x3  }
0x94: {  	_ =	strace s3  }
0x95: {  	s3 =	sld [smem:$0x3FFD];
	_ =	sdelay $0x3  }
0x96: {  	_ =	strace s3  }
0x97: {  	_ =	strace $0x8FFFFFFF  }
0x98: {  	s19 =	sld [smem:$0x3FDB];
	_ =	sdelay $0x1  }
0x99: {  	s4 =	simm.s32 $_scs_section_size  }
0x9a: {  	s5 =	simm.s32 $_size__tile_overlayer_lowered;
	s6 =	simm.s32 $_tile_overlayer_lowered  }
0x9b: {  	s22 =	simm.s32 $0x1BFF;
	s21 =	sshll.u32 s6, $0x1;
	s3 =	sadd.s32 s4, s19  }
0x9c: {  	s7 =	simm.s32 $0x0;
	s20 =	sshll.u32 s5, $0x1;
	s5 =	sadd.s32 s21, s3  }
0x9d: {  	[timem:s7], [sflag:s22] =	dma.local [hbm:s5], s20  }
0x9e: {  	_ =	swait.ge [sflag:s22], s20  }
0x9f: {  	s4 =	ssub.s32 $0x0, s20;
	[sflag:s22] =	ssyncset.done $0x0  }
0xa0: {  	[sflag:s22] =	ssyncadd.s32 s4;
	_ =	sdelay $0x1  }
0xa1: {  	s23 =	simm.s32 $0x1B8B  }
0xa2: {  	_ =	swait.ge [sflag:s23], $0x1  }
0xa3: {  	[sflag:s23] =	ssyncset.done $0x0  }
0xa4: {  	s25 =	simm.s32 $0x1B8E;
	s24 =	sld [smem:$0x3FFE];
	[sflag:s23] =	ssyncadd.s32 $0xFFFFFFFF  }
0xa5: {  	s26 =	simm.s32 $execute0_lowered;
	[smem:$0x3FD2] =	sst s25  }
0xa6: {  	s5 =	sshll.u32 s26, $0x1;
	_ =	strace $0x80000049;
	[dreg:$0x1] =	wrdreg $0xFFFFFFFF  }
0xa7: {  	s28 =	simm.s32 $_size_execute0_lowered;
	s3 =	sadd.s32 s3, s5;
	[dreg:$0x0] =	wrdreg $0x0  }
0xa8: {  	s5 =	sshll.u32 s28, $0x1;
	[dreg:$0x2] =	wrdreg s3  }
0xa9: {  	[dreg:$0x3] =	wrdreg s5  }
0xaa: {  	[dreg:$0x4] =	wrdreg $0xC0  }
0xab: {  	_ =	task [dreg:s7], $0x5FFFF  }
0xac: {  	[dreg:$0x1] =	wrdreg $0xFFFFFFFF  }
0xad: {  	[dreg:$0x0] =	wrdreg $0x60  }
0xae: {  	[dreg:$0x2] =	wrdreg s24  }
0xaf: {  	[dreg:$0x3] =	wrdreg s2  }
0xb0: {  	[dreg:$0x4] =	wrdreg $0xB7800  }
0xb1: {  	[dreg:$0x5] =	wrdreg $0x9  }
0xb2: {  	_ =	task.clear_ibuf [dreg:s7], $0x6FFFF;
	_ =	strace $0x90000049  }
0xb3: {  	s29 =	simm.s32 $0x9;
	_ =	strace $0x8000004B  }
0xb4: {  	_ =	swait.ge [sflag:s29], $0x1  }
0xb5: {  	[sflag:s29] =	ssyncadd.s32 $0xFFFFFFFF  }
0xb6: {  	_ =	strace $0x9000004B  }
0xb7: {  	_ =	sfence  }
0xb8: {  	s30 =	sld [smem:$0x0];
	_ =	sdelay $0x2  }
0xb9: {  	s31 =	sshll.u32 s1, $0xD;
	s1 =	sshrl.u32 s1, $0x2  }
0xba: {  	s3 =	sand.u32 $0x4000, s31;
	s1 =	sadd.s32 s1, s30  }
0xbb: {  	s0 =	sor.u32 s3, s0;
	s1 =	sshll.u32 s1, $0x11  }
0xbc: {  	s0 =	sor.u32 s1, s0  }
0xbd: {  	s0 =	sadd.s32 $0x8F2B, s0  }
0xbe: {  	[sflag:s0] =	ssyncadd.remote.s32 $0x1  }
0xbf: {  	_ =	sfence.sel $0xFFFF  }
0xc0: {  	[dreg:$0x0] =	wrdreg $0xFFFFFFFF;
	(pc) =	sbr.abs _section_cstart, $3  }
0xc1: {  	[dreg:$0x1] =	wrdreg $0xFFFFFFFF  }
0xc2: {  	_ =	task.clear_ibuf [dreg:s7], $0x2FFFF;
	_ =	strace $0x9FFFFFFF  }
0xc3: {  	(tm) =	ssettm $0x7FFFFFFF  }
tec
execute0_lowered:
.L_overlay_start_1:
0x0: {  	(tag) =	ssettag $0x1  }
0x1: {  	s0 =	rddreg [dreg:$0x0]  }
0x2: {  	s6 =	rddreg [dreg:$0x1]  }
0x3: {  	s1 =	rddreg [dreg:$0x2]  }
0x4: {  	s2 =	srdreg.scid;
	s3 =	simm.s32 $0x0;
	s17 =	simm.s32 $0x2780  }
0x5: {  	s18 =	simm.s32 $0x50;
	s19 =	simm.s32 $0x6780;
	s20 =	simm.s32 $0x8F80  }
0x6: {  	s21 =	simm.s32 $0x1;
	s22 =	simm.s32 $0x2;
	s23 =	simm.s32 $0x3  }
0x7: {  	s24 =	simm.s32 $0x4;
	s7 =	sand.u32 $0x1, s2;
	s2 =	stileid.u32  }
0x8: {  	s28 =	simm.s32 $0x6580;
	s29 =	simm.s32 $0x0;
	s10 =	smul.u32 $0x50000, s2  }
0x9: {  	[smem:$0x7FF] =	sst s3;
	s16 =	sadd.s32 $0x12C000, s1;
	s14 =	smul.u32 $0x27100, s7  }
0xa: {  	s4 =	sshll.u32 s7, $0x4;
	_ =	strace $0x8000004A;
	s25 =	smul.u32 $0x2800, s2  }
0xb: {  	s11 =	ssub.s32 $0x2, s7;
	s12 =	sshll.u32 s2, $0x7;
	s26 =	smul.u32 $0x138800, s7  }
0xc: {  	p0 =	seq.s32 s2, $0xF;
	s8 =	sor.u32 s2, s4;
	s4 =	sadd.s32 $0x16200, s0  }
0xd: {  	s13 =	sshrl.u32 s11, $0x1;
	s12 =	sand.u32 $0x380, s12;
	s5 =	sshll.u32 s8, $0xB  }
0xe: {  	s8 =	sshrl.u32 s8, $0x3;
	s11 =	ssub.s32 s11, s13;
	s10 =	sshrl.u32 s10, $0x2  }
0xf: {  	s30 =	sadd.s32 s25, s14;
	s31 =	sshrl.u32 s26, $0x3;
	s14 =	simm.s32 $0x80  }
0x10: {  	s25 =	simm.s32 $0x6480;
	s26 =	simm.s32 $0x6500;
	s8 =	smul.u32 $0x13C00, s8  }
0x11: {  	s9 =	sadd.s32 s5, s0;
	s5 =	sadd.s32 $0x13A00, s0;
	s0 =	sadd.s32 $0x3D400, s0  }
0x12: {  	s15 =	sadd.s32 s10, s1;
	s10 =	smax.u32 s11, $0x1;
	s8 =	sor.u32 s12, s8  }
0x13: {  	s11 =	sshrl.u32 @p0 s16, $0x3;
	s16 =	simm.s32 $0x5;
	s8 =	sshrl.u32 s8, $0x3  }
0x14: {  	s6 =	sadd.s32 s6, s8;
	s8 =	sadd.s32 s0, s30;
	s0 =	sadd.s32 s0, s31  }
0x15: {  	s7 =	sadd.s32 $0x3A00, s9;
	s9 =	sadd.s32 $0x25800, s0;
	s0 =	sshll.u32 @!p0 s2, $0x6  }
0x16: {  	s13 =	sshrl.u32 @!p0 s15, $0x3;
	s15 =	simm.s32 $0x400;
	s12 =	sor.u32 @!p0 $0x1C05, s0  }
.LBB2_1:
0x17: {  	s0 =	simm.s32 @p0 $0x1FC5  }
0x18: {  	[spmem:s11], [sflag:s0] =	dma.local @p0 [hbm:s5], $0x1900  }
0x19: {  	s0 =	simm.s32 @p0 $0x5  }
0x1a: {  	_ =	swait.ge @p0 [sflag:s0], $0x1900  }
0x1b: {  	[sflag:s0] =	ssyncset.done @p0 $0x0  }
0x1c: {  	[sflag:s0] =	ssyncadd.s32 @p0 $0xFFFFE700;
	s0 =	simm.s32 @!p0 $0x5  }
0x1d: {  	[spmem:s13], [sflag:s12] =	dma.local @!p0 [hbm:s5], $0x2800  }
0x1e: {  	_ =	swait.ge @!p0 [sflag:s0], $0x2800  }
0x1f: {  	[sflag:s0] =	ssyncset.done @!p0 $0x0  }
0x20: {  	[sflag:s0] =	ssyncadd.s32 @!p0 $0xFFFFD800  }
0x21: {  	[tilespmem:s3], [sflag:$0x5] =	stream.strided.gather [hbm4b:s6+s14], $0x2780, s15, s14, $0x38;
	[tilespmem:$0x1F000] =	vst v63  }
0x22: {  	_ =	swait.ge [sflag:s16], $0x2780  }
0x23: {  	[sflag:s16] =	ssyncset.done $0x0  }
0x24: {  	[sflag:s16] =	ssyncadd.s32 $0xFFFFD880  }
0x25: {  	[tilespmem:s17], [sflag:$0x5] =	stream.linear.gather [hbm4b:s7+s3], $0x3E80, $0x38;
	[tilespmem:$0x1F000] =	vst v63  }
0x26: {  	_ =	swait.ge [sflag:s16], $0x3E80  }
0x27: {  	[sflag:s16] =	ssyncset.done $0x0  }
0x28: {  	[sflag:s16] =	ssyncadd.s32 $0xFFFFC180  }
0x29: {  	[bflag:$0x0] =	sbarrier.arrive $0xFFFF  }
0x2a: {  	[tilespmem:s19], [sflag:$0x1] =	stream.indirect.gather [hbm4b:s4+s18], $0x80, s3, s18, $0xb8;
	[tilespmem:$0x1F000] =	vst v63  }
0x2b: {  	_ = 	snop  }
0x2c: {  	[tilespmem:s20], [sflag:$0x2] =	stream.indirect.gather [hbm4b:s4+s18], $0x80, s18, s18, $0xb8;
	[tilespmem:$0x1F000] =	vst v63  }
0x2d: {  	_ =	swait.ge [sflag:s21], $0x2800  }
0x2e: {  	[sflag:s21] =	ssyncset.done $0x0  }
0x2f: {  	s2 =	simm.s32 $0x2780;
	[sflag:s21] =	ssyncadd.s32 $0xFFFFD800  }
0x30: {  	[spmem:s1] =	stream.indirect.scatter.add.f32 [tilespmem:s19], [sflag:$0x3], $0x80, s2, s18, $0xb8;
	[tilespmem:$0x1F000] =	vst v63  }
0x31: {  	_ =	swait.ge [sflag:s22], $0x2800  }
0x32: {  	[sflag:s22] =	ssyncset.done $0x0  }
0x33: {  	s2 =	simm.s32 $0x2800;
	[sflag:s22] =	ssyncadd.s32 $0xFFFFD800  }
0x34: {  	[spmem:s1] =	stream.indirect.scatter.add.f32 [tilespmem:s20], [sflag:$0x4], $0x80, s2, s18, $0xb8;
	[tilespmem:$0x1F000] =	vst v63  }
0x35: {  	_ =	swait.ge [sflag:s23], $0x2800  }
0x36: {  	[sflag:s23] =	ssyncset.done $0x0  }
0x37: {  	s2 =	simm.s32 $0xA0;
	[sflag:s23] =	ssyncadd.s32 $0xFFFFD800  }
0x38: {  	[tilespmem:s19], [sflag:$0x1] =	stream.indirect.gather [hbm4b:s4+s18], $0x80, s2, s18, $0xb8;
	[tilespmem:$0x1F000] =	vst v63  }
0x39: {  	_ =	swait.ge [sflag:s24], $0x2800  }
0x3a: {  	s31 =	simm.s32 $0x400;
	[sflag:s24] =	ssyncset.done $0x0  }
0x3b: {  	s30 =	simm.s32 $0x140;
	s0 =	simm.s32 $0xF0;
	[sflag:s24] =	ssyncadd.s32 $0xFFFFD800  }
.LBB2_2:
0x3c: {  	[tilespmem:s20], [sflag:$0x2] =	stream.indirect.gather [hbm4b:s4+s18], $0x80, s0, s18, $0xb8;
	[tilespmem:$0x1F000] =	vst v63  }
0x3d: {  	s0 =	smov.u32 s31  }
0x3e: {  	p1 =	sne.s32 s31, $0xF000;
	s31 =	sadd.s32 $0x400, s31;
	_ =	swait.ge [sflag:s21], $0x2800  }
0x3f: {  	s0 =	sshra.s32 s0, $0x2;
	[sflag:s21] =	ssyncset.done $0x0  }
0x40: {  	s2 =	sadd.s32 $0x2780, s0;
	[sflag:s21] =	ssyncadd.s32 $0xFFFFD800  }
0x41: {  	[spmem:s1] =	stream.indirect.scatter.add.f32 [tilespmem:s19], [sflag:$0x3], $0x80, s2, s18, $0xb8;
	[tilespmem:$0x1F000] =	vst v63  }
0x42: {  	_ =	swait.ge [sflag:s22], $0x2800  }
0x43: {  	[sflag:s22] =	ssyncset.done $0x0  }
0x44: {  	s0 =	sadd.s32 $0x2800, s0;
	[sflag:s22] =	ssyncadd.s32 $0xFFFFD800  }
0x45: {  	[spmem:s1] =	stream.indirect.scatter.add.f32 [tilespmem:s20], [sflag:$0x4], $0x80, s0, s18, $0xb8;
	[tilespmem:$0x1F000] =	vst v63  }
0x46: {  	_ =	swait.ge [sflag:s23], $0x2800  }
0x47: {  	[sflag:s23] =	ssyncset.done $0x0  }
.Ltmp0:
0x48: {  	[sflag:s23] =	ssyncadd.s32 $0xFFFFD800;
	(pc) =	sbr.rel @p1 .LBB2_2-.Ltmp0, $4  }
0x49: {  	[tilespmem:s19], [sflag:$0x1] =	stream.indirect.gather [hbm4b:s4+s18], $0x80, s30, s18, $0xb8;
	[tilespmem:$0x1F000] =	vst v63  }
0x4a: {  	_ =	swait.ge [sflag:s24], $0x2800  }
0x4b: {  	[sflag:s24] =	ssyncset.done $0x0  }
0x4c: {  	s0 =	sadd.s32 $0x50, s30;
	s30 =	sadd.s32 $0xA0, s30;
	[sflag:s24] =	ssyncadd.s32 $0xFFFFD800  }
0x4d: {  	[tilespmem:s20], [sflag:$0x2] =	stream.indirect.gather [hbm4b:s4+s18], $0x80, s0, s18, $0xb8;
	[tilespmem:$0x1F000] =	vst v63  }
0x4e: {  	_ =	swait.ge [sflag:s21], $0x2800  }
0x4f: {  	[sflag:s21] =	ssyncset.done $0x0  }
0x50: {  	[sflag:s21] =	ssyncadd.s32 $0xFFFFD800  }
0x51: {  	[spmem:s1] =	stream.indirect.scatter.add.f32 [tilespmem:s19], [sflag:$0x3], $0x80, s25, s18, $0xb8;
	[tilespmem:$0x1F000] =	vst v63  }
0x52: {  	_ =	swait.ge [sflag:s22], $0x2800  }
0x53: {  	[sflag:s22] =	ssyncset.done $0x0  }
0x54: {  	[sflag:s22] =	ssyncadd.s32 $0xFFFFD800  }
0x55: {  	[spmem:s1] =	stream.indirect.scatter.add.f32 [tilespmem:s20], [sflag:$0x4], $0x80, s26, s18, $0xb8;
	[tilespmem:$0x1F000] =	vst v63  }
0x56: {  	_ =	swait.ge [sflag:s23], $0x2800  }
0x57: {  	[sflag:s23] =	ssyncset.done $0x0  }
0x58: {  	[sflag:s23] =	ssyncadd.s32 $0xFFFFD800  }
0x59: {  	[tilespmem:s19], [sflag:$0x1] =	stream.indirect.gather [hbm4b:s4+s18], $0x80, s30, s18, $0xb8;
	[tilespmem:$0x1F000] =	vst v63  }
0x5a: {  	_ =	swait.ge [sflag:s21], $0x2800  }
0x5b: {  	[sflag:s21] =	ssyncset.done $0x0  }
0x5c: {  	[sflag:s21] =	ssyncadd.s32 $0xFFFFD800  }
0x5d: {  	[spmem:s1] =	stream.indirect.scatter.add.f32 [tilespmem:s19], [sflag:$0x3], $0x80, s28, s18, $0xb8;
	[tilespmem:$0x1F000] =	vst v63  }
0x5e: {  	_ =	swait.ge [sflag:s24], $0x2800  }
0x5f: {  	[sflag:s24] =	ssyncset.done $0x0  }
0x60: {  	[sflag:s24] =	ssyncadd.s32 $0xFFFFD800  }
0x61: {  	_ =	swait.ge [sflag:s23], $0x2800  }
0x62: {  	[sflag:s23] =	ssyncset.done $0x0  }
0x63: {  	[sflag:s23] =	ssyncadd.s32 $0xFFFFD800  }
0x64: {  	s0 =	simm.s32 @p0 $0x1FC5;
	[bflag:$0x0] =	sbarrier.arrive $0xFFFF  }
0x65: {  	[hbm:s9], [sflag:s0] =	dma.local @p0 [spmem:s11], $0x1900  }
0x66: {  	s0 =	simm.s32 @p0 $0x5  }
0x67: {  	s29 =	sadd.s32 $0x1, s29;
	_ =	swait.ge @p0 [sflag:s0], $0x1900  }
0x68: {  	p1 =	sne.s32 s29, s10;
	[sflag:s0] =	ssyncset.done @p0 $0x0  }
.Ltmp1:
0x69: {  	[sflag:s0] =	ssyncadd.s32 @p0 $0xFFFFE700;
	s0 =	simm.s32 @!p0 $0x5;
	(pc) =	sbr.rel @p1 .LBB2_1-.Ltmp1, $4  }
0x6a: {  	[hbm:s8], [sflag:s12] =	dma.local @!p0 [spmem:s13], $0x2800  }
0x6b: {  	_ =	swait.ge @!p0 [sflag:s0], $0x2800  }
0x6c: {  	[sflag:s0] =	ssyncset.done @!p0 $0x0  }
0x6d: {  	[sflag:s0] =	ssyncadd.s32 @!p0 $0xFFFFD800  }
0x6e: {  	_ =	sfence.sel $0x180000  }
0x6f: {  	[bflag:$0x0] =	sbarrier.arrive $0xFFFF  }
0x70: {  	_ =	strace $0x9000004A  }
0x71: {  	s0 =	stileid.u32;
	[bflag:$0x2] =	sbarrier.arrive $0xFFFF  }
0x72: {  	p0 =	sne.s32 s0, $0x0;
	s0 =	rddreg [dreg:$0x3]  }
0x73: {  	s0 =	sadd.s32 @!p0 $0x100000, s0  }
0x74: {  	[sflag:s0] =	ssyncadd.tile.s32 @!p0 $0x1;
	_ =	shalt  }
.Lfunc_end2:
_tile_overlayer_lowered:
.L_overlay_start_2:
0x75: {  	(tag) =	ssettag $0x2  }
0x76: {  	s0 =	rddreg [dreg:$0x0];
	s2 =	stileid.u32  }
0x77: {  	s1 =	rddreg [dreg:$0x1];
	p0 =	sne.s32 s2, $0x0  }
0x78: {  	s3 =	rddreg [dreg:$0x2];
	[bflag:$0x3] =	sbarrier.arrive $0xFFFF;
	s2 =	simm.s32 @!p0 $0x1C05  }
0x79: {  	[timem:s3], [sflag:s2] =	dma.local @!p0 [hbm:s0], s1  }
0x7a: {  	s0 =	simm.s32 @!p0 $0x5  }
0x7b: {  	_ =	swait.ge @!p0 [sflag:s0], s1  }
0x7c: {  	s1 =	ssub.s32 @!p0 $0x0, s1;
	[sflag:s0] =	ssyncset.done @!p0 $0x0  }
0x7d: {  	[sflag:s0] =	ssyncadd.s32 @!p0 s1  }
0x7e: {  	[bflag:$0x3] =	sbarrier.arrive $0xFFFF  }
0x7f: {  	_ =	shalt  }

// kernel: sc_segsum_128.7.cloned.1.call-start
scs
__scs_entry_jumppad:
0x0: {  	(pc) =	sbr.rel $0x88, $3  }
0x1: {  	(tag) =	ssettag $0x0;
	lr =	simm.s32 $0x1  }
0x2: {  	[smem:$0x3F8E] =	sst lr;
	_ =	strace $0xD0000000  }
0x3: {  	_ = 	snop  }
0x4: {  	_ = 	snop  }
0x5: {  	_ = 	snop  }
0x6: {  	_ = 	snop  }
0x7: {  	_ = 	snop  }
__scs_overlays_trampoline_lowered:
0x8: {  	[smem:$0x3F9D] =	sst s0  }
0x9: {  	[smem:$0x3F9E] =	sst s1  }
0xa: {  	[smem:$0x3F9F] =	sst s2  }
0xb: {  	[smem:$0x3FA0] =	sst s3  }
0xc: {  	[smem:$0x3FA1] =	sst s4  }
0xd: {  	[smem:$0x3FA2] =	sst s5  }
0xe: {  	[smem:$0x3FA3] =	sst s6  }
0xf: {  	[smem:$0x3FA4] =	sst s7  }
0x10: {  	[smem:$0x3FA5] =	sst s8  }
0x11: {  	[smem:$0x3FA6] =	sst s9;
	s0 =	simm.s32 @!p0 $0x0  }
0x12: {  	s1 =	sld [smem:$0x3F8C];
	s0 =	simm.s32 @p0 $0x1  }
0x13: {  	[smem:$0x3FA7] =	sst s0;
	s0 =	simm.s32 @!p1 $0x0  }
0x14: {  	s2 =	sld [smem:$0x3F8B];
	s0 =	simm.s32 @p1 $0x1  }
0x15: {  	[smem:$0x3FA8] =	sst s0;
	s0 =	simm.s32 @!p2 $0x0  }
0x16: {  	s3 =	sld [smem:$0x3FDB];
	s0 =	simm.s32 @p2 $0x1  }
0x17: {  	s4 =	simm.s32 $0x1BF5;
	[smem:$0x3FAA] =	sst s0  }
0x18: {  	s0 =	sld [smem:$0x3F8D];
	_ =	swait.ge [sflag:s4], $0x0  }
0x19: {  	s7 =	sld [smem:$0x3F8E]  }
0x1a: {  	s8 =	sadd.s32 $0xFFFFE003, lr  }
0x1b: {  	s9 =	sadd.s32 $0xFFFFFEF7, lr;
	s5 =	simm.s32 $0xFFFFFFFF;
	p2 =	slt.u32 s8, $0xFFFFF086  }
0x1c: {  	p1 =	slt.u32 s9, $0xF7A;
	s5 =	simm.s32 @!p2 $0x0  }
0x1d: {  	s5 =	simm.s32 @p1 $0x1;
	p0 =	seq.s32 s7, s2  }
0x1e: {  	s7 =	smul.u32 @!p0 $0xF7A, s2;
	p2 =	seq.s32 @!p0 s5, $0x0  }
0x1f: {  	s9 =	smul.u32 $0xF7A, s1;
	s8 =	simm.s32 @!p0 $0x1BF5;
	p2 =	por !p2, p0  }
0x20: {  	[sflag:s8] =	ssyncset.s32 @!p0 $0xFFFFF086;
	s6 =	sadd.s32 @!p0 s3, s7;
	s7 =	simm.s32 @!p0 $0x108  }
0x21: {  	s3 =	sadd.s32 s3, s9;
	s6 =	sadd.s32 @!p0 $0x88, s6;
	s7 =	simm.s32 @p2 $0x1082  }
0x22: {  	[simem:s7], [sflag:s8] =	dma.local @!p0 [hbm:s6], $0xF7A  }
0x23: {  	s9 =	sor.u32 $0xD0000000, s2;
	s6 =	simm.s32 $0x108;
	_ =	swait.ge @!p0 [sflag:s8], $0x0  }
0x24: {  	s3 =	sadd.s32 $0x88, s3;
	s6 =	simm.s32 @!p1 $0x1082;
	[sflag:s4] =	ssyncset.s32 $0xFFFFF086  }
0x25: {  	[simem:s6], [sflag:s4] =	dma.local [hbm:s3], $0xF7A  }
0x26: {  	[smem:$0x3F8E] =	sst s1;
	(tag) =	ssettag s2;
	_ =	strace s9  }
0x27: {  	s1 =	sld [smem:$0x3F9E]  }
0x28: {  	s2 =	sld [smem:$0x3F9F]  }
0x29: {  	s4 =	sld [smem:$0x3FA1]  }
0x2a: {  	p0 =	seq.s32 s5, $0x0;
	s5 =	sld [smem:$0x3FA2]  }
0x2b: {  	s6 =	sld [smem:$0x3FA3]  }
0x2c: {  	s7 =	sld [smem:$0x3FA4]  }
0x2d: {  	s3 =	simm.s32 $0x108;
	s8 =	sld [smem:$0x3FA5]  }
0x2e: {  	s3 =	simm.s32 @!p0 $0x1082;
	s9 =	sld [smem:$0x3FA6]  }
0x2f: {  	lr =	sadd.s32 s0, s3;
	s0 =	sld [smem:$0x3F9D]  }
0x30: {  	s3 =	sld [smem:$0x3FA0]  }
0x31: {  	[smem:$0x3FA9] =	sst s10  }
0x32: {  	s10 =	sld [smem:$0x3FA7];
	_ =	sdelay $0x3  }
0x33: {  	p0 =	seq.s32 s10, $0x1;
	s10 =	sld [smem:$0x3FA9];
	_ =	sdelay $0x3  }
0x34: {  	[smem:$0x3FA9] =	sst s10  }
0x35: {  	s10 =	sld [smem:$0x3FA8];
	_ =	sdelay $0x3  }
0x36: {  	p1 =	seq.s32 s10, $0x1;
	s10 =	sld [smem:$0x3FA9];
	_ =	sdelay $0x3  }
0x37: {  	[smem:$0x3FA9] =	sst s10  }
0x38: {  	s10 =	sld [smem:$0x3FAA]  }
0x39: {  	_ = 	snop;
	(pc) =	sbr.ind lr, $3  }
0x3a: {  	_ = 	snop  }
0x3b: {  	_ = 	snop  }
0x3c: {  	p2 =	seq.s32 s10, $0x1;
	s10 =	sld [smem:$0x3FA9]  }
0x3d: {  	_ =	shalt  }
0x3e: {  	_ =	shalt  }
0x3f: {  	_ =	shalt  }
0x40: {  	_ =	shalt  }
0x41: {  	_ =	shalt  }
0x42: {  	_ =	shalt  }
0x43: {  	_ =	shalt  }
0x44: {  	_ =	shalt  }
0x45: {  	_ =	shalt  }
0x46: {  	_ =	shalt  }
0x47: {  	_ =	shalt  }
0x48: {  	_ =	shalt  }
0x49: {  	_ =	shalt  }
0x4a: {  	_ =	shalt  }
0x4b: {  	_ =	shalt  }
0x4c: {  	_ =	shalt  }
0x4d: {  	_ =	shalt  }
0x4e: {  	_ =	shalt  }
0x4f: {  	_ =	shalt  }
0x50: {  	_ =	shalt  }
0x51: {  	_ =	shalt  }
0x52: {  	_ =	shalt  }
0x53: {  	_ =	shalt  }
0x54: {  	_ =	shalt  }
0x55: {  	_ =	shalt  }
0x56: {  	_ =	shalt  }
0x57: {  	_ =	shalt  }
0x58: {  	_ =	shalt  }
0x59: {  	_ =	shalt  }
0x5a: {  	_ =	shalt  }
0x5b: {  	_ =	shalt  }
0x5c: {  	_ =	shalt  }
0x5d: {  	_ =	shalt  }
0x5e: {  	_ =	shalt  }
0x5f: {  	_ =	shalt  }
0x60: {  	_ =	shalt  }
0x61: {  	_ =	shalt  }
0x62: {  	_ =	shalt  }
0x63: {  	_ =	shalt  }
0x64: {  	_ =	shalt  }
0x65: {  	_ =	shalt  }
0x66: {  	_ =	shalt  }
0x67: {  	_ =	shalt  }
0x68: {  	_ =	shalt  }
0x69: {  	_ =	shalt  }
0x6a: {  	_ =	shalt  }
0x6b: {  	_ =	shalt  }
0x6c: {  	_ =	shalt  }
0x6d: {  	_ =	shalt  }
0x6e: {  	_ =	shalt  }
0x6f: {  	_ =	shalt  }
0x70: {  	_ =	shalt  }
0x71: {  	_ =	shalt  }
0x72: {  	_ =	shalt  }
0x73: {  	_ =	shalt  }
0x74: {  	_ =	shalt  }
0x75: {  	_ =	shalt  }
0x76: {  	_ =	shalt  }
0x77: {  	_ =	shalt  }
0x78: {  	_ =	shalt  }
0x79: {  	_ =	shalt  }
0x7a: {  	_ =	shalt  }
0x7b: {  	_ =	shalt  }
0x7c: {  	_ =	shalt  }
0x7d: {  	_ =	shalt  }
0x7e: {  	_ =	shalt  }
0x7f: {  	_ =	shalt  }
0x80: {  	_ =	shalt  }
0x81: {  	_ =	shalt  }
0x82: {  	_ =	shalt  }
0x83: {  	_ =	shalt  }
0x84: {  	_ =	shalt  }
0x85: {  	_ =	shalt  }
0x86: {  	_ =	shalt  }
0x87: {  	_ =	shalt  }
.Lfunc_end0:
.L_simem_size_0:
called_computation.2_lowered:
.L_overlay_start_0:
0x88: {  	s2 =	sld [smem:$0x3FD9]  }
0x89: {  	s3 =	sld [smem:$0x3FFE];
	_ =	sdelay $0x1  }
0x8a: {  	s1 =	srdreg.scid  }
0x8b: {  	s0 =	sand.u32 $0x1, s1  }
0x8c: {  	s17 =	sshll.u32 s0, $0xA;
	s2 =	sadd.s32 s3, s2  }
0x8d: {  	s2 =	sadd.s32 s2, s17  }
0x8e: {  	[smem:$0x3FB5] =	sst s2  }
0x8f: {  	_ = 	snop  }
0x90: {  	s2 =	sld [smem:$0x3FD0];
	(tm) =	ssettm $0x1  }
0x91: {  	s18 =	sld [smem:$0x3FFB];
	_ =	sdelay $0x3  }
0x92: {  	_ =	strace s18  }
0x93: {  	s3 =	sld [smem:$0x3FFC];
	_ =	sdelay $0x3  }
0x94: {  	_ =	strace s3  }
0x95: {  	s3 =	sld [smem:$0x3FFD];
	_ =	sdelay $0x3  }
0x96: {  	_ =	strace s3  }
0x97: {  	_ =	strace $0x8FFFFFFF  }
0x98: {  	s19 =	sld [smem:$0x3FDB];
	_ =	sdelay $0x1  }
0x99: {  	s4 =	simm.s32 $_scs_section_size  }
0x9a: {  	s5 =	simm.s32 $_size__tile_overlayer_lowered;
	s6 =	simm.s32 $_tile_overlayer_lowered  }
0x9b: {  	s22 =	simm.s32 $0x1BFF;
	s21 =	sshll.u32 s6, $0x1;
	s3 =	sadd.s32 s4, s19  }
0x9c: {  	s7 =	simm.s32 $0x0;
	s20 =	sshll.u32 s5, $0x1;
	s5 =	sadd.s32 s21, s3  }
0x9d: {  	[timem:s7], [sflag:s22] =	dma.local [hbm:s5], s20  }
0x9e: {  	_ =	swait.ge [sflag:s22], s20  }
0x9f: {  	s4 =	ssub.s32 $0x0, s20;
	[sflag:s22] =	ssyncset.done $0x0  }
0xa0: {  	[sflag:s22] =	ssyncadd.s32 s4;
	_ =	sdelay $0x1  }
0xa1: {  	s23 =	simm.s32 $0x1B8B  }
0xa2: {  	_ =	swait.ge [sflag:s23], $0x1  }
0xa3: {  	[sflag:s23] =	ssyncset.done $0x0  }
0xa4: {  	s25 =	simm.s32 $0x1B8E;
	s24 =	sld [smem:$0x3FFE];
	[sflag:s23] =	ssyncadd.s32 $0xFFFFFFFF  }
0xa5: {  	s26 =	simm.s32 $execute0_lowered;
	[smem:$0x3FD2] =	sst s25  }
0xa6: {  	s5 =	sshll.u32 s26, $0x1;
	_ =	strace $0x8000004C;
	[dreg:$0x1] =	wrdreg $0xFFFFFFFF  }
0xa7: {  	s28 =	simm.s32 $_size_execute0_lowered;
	s3 =	sadd.s32 s3, s5;
	[dreg:$0x0] =	wrdreg $0x0  }
0xa8: {  	s5 =	sshll.u32 s28, $0x1;
	[dreg:$0x2] =	wrdreg s3  }
0xa9: {  	[dreg:$0x3] =	wrdreg s5  }
0xaa: {  	[dreg:$0x4] =	wrdreg $0xC0  }
0xab: {  	_ =	task [dreg:s7], $0x5FFFF  }
0xac: {  	[dreg:$0x1] =	wrdreg $0xFFFFFFFF  }
0xad: {  	[dreg:$0x0] =	wrdreg $0x60  }
0xae: {  	[dreg:$0x2] =	wrdreg s24  }
0xaf: {  	[dreg:$0x3] =	wrdreg s2  }
0xb0: {  	[dreg:$0x4] =	wrdreg $0xB7800  }
0xb1: {  	[dreg:$0x5] =	wrdreg $0x9  }
0xb2: {  	_ =	task.clear_ibuf [dreg:s7], $0x6FFFF;
	_ =	strace $0x9000004C  }
0xb3: {  	s29 =	simm.s32 $0x9;
	_ =	strace $0x8000004E  }
0xb4: {  	_ =	swait.ge [sflag:s29], $0x1  }
0xb5: {  	[sflag:s29] =	ssyncadd.s32 $0xFFFFFFFF  }
0xb6: {  	_ =	strace $0x9000004E  }
0xb7: {  	_ =	sfence  }
0xb8: {  	s30 =	sld [smem:$0x0];
	_ =	sdelay $0x2  }
0xb9: {  	s31 =	sshll.u32 s1, $0xD;
	s1 =	sshrl.u32 s1, $0x2  }
0xba: {  	s3 =	sand.u32 $0x4000, s31;
	s1 =	sadd.s32 s1, s30  }
0xbb: {  	s0 =	sor.u32 s3, s0;
	s1 =	sshll.u32 s1, $0x11  }
0xbc: {  	s0 =	sor.u32 s1, s0  }
0xbd: {  	s0 =	sadd.s32 $0x8F2B, s0  }
0xbe: {  	[sflag:s0] =	ssyncadd.remote.s32 $0x1  }
0xbf: {  	_ =	sfence.sel $0xFFFF  }
0xc0: {  	[dreg:$0x0] =	wrdreg $0xFFFFFFFF;
	(pc) =	sbr.abs _section_cstart, $3  }
0xc1: {  	[dreg:$0x1] =	wrdreg $0xFFFFFFFF  }
0xc2: {  	_ =	task.clear_ibuf [dreg:s7], $0x2FFFF;
	_ =	strace $0x9FFFFFFF  }
0xc3: {  	(tm) =	ssettm $0x7FFFFFFF  }
tec
execute0_lowered:
.L_overlay_start_1:
0x0: {  	(tag) =	ssettag $0x1  }
0x1: {  	s0 =	rddreg [dreg:$0x0]  }
0x2: {  	s6 =	rddreg [dreg:$0x1]  }
0x3: {  	s1 =	rddreg [dreg:$0x2]  }
0x4: {  	s2 =	srdreg.scid;
	s3 =	simm.s32 $0x0;
	s17 =	simm.s32 $0x2780  }
0x5: {  	s18 =	simm.s32 $0x50;
	s19 =	simm.s32 $0x6780;
	s20 =	simm.s32 $0x8F80  }
0x6: {  	s21 =	simm.s32 $0x1;
	s22 =	simm.s32 $0x2;
	s23 =	simm.s32 $0x3  }
0x7: {  	s24 =	simm.s32 $0x4;
	s7 =	sand.u32 $0x1, s2;
	s2 =	stileid.u32  }
0x8: {  	s28 =	simm.s32 $0x6580;
	s29 =	simm.s32 $0x0;
	s10 =	smul.u32 $0x50000, s2  }
0x9: {  	[smem:$0x7FF] =	sst s3;
	s16 =	sadd.s32 $0x12C000, s1;
	s14 =	smul.u32 $0x27100, s7  }
0xa: {  	s4 =	sshll.u32 s7, $0x4;
	_ =	strace $0x8000004D;
	s25 =	smul.u32 $0x2800, s2  }
0xb: {  	s11 =	ssub.s32 $0x2, s7;
	s12 =	sshll.u32 s2, $0x7;
	s26 =	smul.u32 $0x138800, s7  }
0xc: {  	p0 =	seq.s32 s2, $0xF;
	s8 =	sor.u32 s2, s4;
	s4 =	sadd.s32 $0x16200, s0  }
0xd: {  	s13 =	sshrl.u32 s11, $0x1;
	s12 =	sand.u32 $0x380, s12;
	s5 =	sshll.u32 s8, $0xB  }
0xe: {  	s8 =	sshrl.u32 s8, $0x3;
	s11 =	ssub.s32 s11, s13;
	s10 =	sshrl.u32 s10, $0x2  }
0xf: {  	s30 =	sadd.s32 s25, s14;
	s31 =	sshrl.u32 s26, $0x3;
	s14 =	simm.s32 $0x80  }
0x10: {  	s25 =	simm.s32 $0x6480;
	s26 =	simm.s32 $0x6500;
	s8 =	smul.u32 $0x13C00, s8  }
0x11: {  	s9 =	sadd.s32 s5, s0;
	s5 =	sadd.s32 $0x13A00, s0;
	s0 =	sadd.s32 $0x3D400, s0  }
0x12: {  	s15 =	sadd.s32 s10, s1;
	s10 =	smax.u32 s11, $0x1;
	s8 =	sor.u32 s12, s8  }
0x13: {  	s11 =	sshrl.u32 @p0 s16, $0x3;
	s16 =	simm.s32 $0x5;
	s8 =	sshrl.u32 s8, $0x3  }
0x14: {  	s6 =	sadd.s32 s6, s8;
	s8 =	sadd.s32 s0, s30;
	s0 =	sadd.s32 s0, s31  }
0x15: {  	s7 =	sadd.s32 $0x3A00, s9;
	s9 =	sadd.s32 $0x25800, s0;
	s0 =	sshll.u32 @!p0 s2, $0x6  }
0x16: {  	s13 =	sshrl.u32 @!p0 s15, $0x3;
	s15 =	simm.s32 $0x400;
	s12 =	sor.u32 @!p0 $0x1C05, s0  }
.LBB2_1:
0x17: {  	s0 =	simm.s32 @p0 $0x1FC5  }
0x18: {  	[spmem:s11], [sflag:s0] =	dma.local @p0 [hbm:s5], $0x1900  }
0x19: {  	s0 =	simm.s32 @p0 $0x5  }
0x1a: {  	_ =	swait.ge @p0 [sflag:s0], $0x1900  }
0x1b: {  	[sflag:s0] =	ssyncset.done @p0 $0x0  }
0x1c: {  	[sflag:s0] =	ssyncadd.s32 @p0 $0xFFFFE700;
	s0 =	simm.s32 @!p0 $0x5  }
0x1d: {  	[spmem:s13], [sflag:s12] =	dma.local @!p0 [hbm:s5], $0x2800  }
0x1e: {  	_ =	swait.ge @!p0 [sflag:s0], $0x2800  }
0x1f: {  	[sflag:s0] =	ssyncset.done @!p0 $0x0  }
0x20: {  	[sflag:s0] =	ssyncadd.s32 @!p0 $0xFFFFD800  }
0x21: {  	[tilespmem:s3], [sflag:$0x5] =	stream.strided.gather [hbm4b:s6+s14], $0x2780, s15, s14, $0x38;
	[tilespmem:$0x1F000] =	vst v63  }
0x22: {  	_ =	swait.ge [sflag:s16], $0x2780  }
0x23: {  	[sflag:s16] =	ssyncset.done $0x0  }
0x24: {  	[sflag:s16] =	ssyncadd.s32 $0xFFFFD880  }
0x25: {  	[tilespmem:s17], [sflag:$0x5] =	stream.linear.gather [hbm4b:s7+s3], $0x3E80, $0x38;
	[tilespmem:$0x1F000] =	vst v63  }
0x26: {  	_ =	swait.ge [sflag:s16], $0x3E80  }
0x27: {  	[sflag:s16] =	ssyncset.done $0x0  }
0x28: {  	[sflag:s16] =	ssyncadd.s32 $0xFFFFC180  }
0x29: {  	[bflag:$0x0] =	sbarrier.arrive $0xFFFF  }
0x2a: {  	[tilespmem:s19], [sflag:$0x1] =	stream.indirect.gather [hbm4b:s4+s18], $0x80, s3, s18, $0xb8;
	[tilespmem:$0x1F000] =	vst v63  }
0x2b: {  	_ = 	snop  }
0x2c: {  	[tilespmem:s20], [sflag:$0x2] =	stream.indirect.gather [hbm4b:s4+s18], $0x80, s18, s18, $0xb8;
	[tilespmem:$0x1F000] =	vst v63  }
0x2d: {  	_ =	swait.ge [sflag:s21], $0x2800  }
0x2e: {  	[sflag:s21] =	ssyncset.done $0x0  }
0x2f: {  	s2 =	simm.s32 $0x2780;
	[sflag:s21] =	ssyncadd.s32 $0xFFFFD800  }
0x30: {  	[spmem:s1] =	stream.indirect.scatter.add.f32 [tilespmem:s19], [sflag:$0x3], $0x80, s2, s18, $0xb8;
	[tilespmem:$0x1F000] =	vst v63  }
0x31: {  	_ =	swait.ge [sflag:s22], $0x2800  }
0x32: {  	[sflag:s22] =	ssyncset.done $0x0  }
0x33: {  	s2 =	simm.s32 $0x2800;
	[sflag:s22] =	ssyncadd.s32 $0xFFFFD800  }
0x34: {  	[spmem:s1] =	stream.indirect.scatter.add.f32 [tilespmem:s20], [sflag:$0x4], $0x80, s2, s18, $0xb8;
	[tilespmem:$0x1F000] =	vst v63  }
0x35: {  	_ =	swait.ge [sflag:s23], $0x2800  }
0x36: {  	[sflag:s23] =	ssyncset.done $0x0  }
0x37: {  	s2 =	simm.s32 $0xA0;
	[sflag:s23] =	ssyncadd.s32 $0xFFFFD800  }
0x38: {  	[tilespmem:s19], [sflag:$0x1] =	stream.indirect.gather [hbm4b:s4+s18], $0x80, s2, s18, $0xb8;
	[tilespmem:$0x1F000] =	vst v63  }
0x39: {  	_ =	swait.ge [sflag:s24], $0x2800  }
0x3a: {  	s31 =	simm.s32 $0x400;
	[sflag:s24] =	ssyncset.done $0x0  }
0x3b: {  	s30 =	simm.s32 $0x140;
	s0 =	simm.s32 $0xF0;
	[sflag:s24] =	ssyncadd.s32 $0xFFFFD800  }
.LBB2_2:
0x3c: {  	[tilespmem:s20], [sflag:$0x2] =	stream.indirect.gather [hbm4b:s4+s18], $0x80, s0, s18, $0xb8;
	[tilespmem:$0x1F000] =	vst v63  }
0x3d: {  	s0 =	smov.u32 s31  }
0x3e: {  	p1 =	sne.s32 s31, $0xF000;
	s31 =	sadd.s32 $0x400, s31;
	_ =	swait.ge [sflag:s21], $0x2800  }
0x3f: {  	s0 =	sshra.s32 s0, $0x2;
	[sflag:s21] =	ssyncset.done $0x0  }
0x40: {  	s2 =	sadd.s32 $0x2780, s0;
	[sflag:s21] =	ssyncadd.s32 $0xFFFFD800  }
0x41: {  	[spmem:s1] =	stream.indirect.scatter.add.f32 [tilespmem:s19], [sflag:$0x3], $0x80, s2, s18, $0xb8;
	[tilespmem:$0x1F000] =	vst v63  }
0x42: {  	_ =	swait.ge [sflag:s22], $0x2800  }
0x43: {  	[sflag:s22] =	ssyncset.done $0x0  }
0x44: {  	s0 =	sadd.s32 $0x2800, s0;
	[sflag:s22] =	ssyncadd.s32 $0xFFFFD800  }
0x45: {  	[spmem:s1] =	stream.indirect.scatter.add.f32 [tilespmem:s20], [sflag:$0x4], $0x80, s0, s18, $0xb8;
	[tilespmem:$0x1F000] =	vst v63  }
0x46: {  	_ =	swait.ge [sflag:s23], $0x2800  }
0x47: {  	[sflag:s23] =	ssyncset.done $0x0  }
.Ltmp0:
0x48: {  	[sflag:s23] =	ssyncadd.s32 $0xFFFFD800;
	(pc) =	sbr.rel @p1 .LBB2_2-.Ltmp0, $4  }
0x49: {  	[tilespmem:s19], [sflag:$0x1] =	stream.indirect.gather [hbm4b:s4+s18], $0x80, s30, s18, $0xb8;
	[tilespmem:$0x1F000] =	vst v63  }
0x4a: {  	_ =	swait.ge [sflag:s24], $0x2800  }
0x4b: {  	[sflag:s24] =	ssyncset.done $0x0  }
0x4c: {  	s0 =	sadd.s32 $0x50, s30;
	s30 =	sadd.s32 $0xA0, s30;
	[sflag:s24] =	ssyncadd.s32 $0xFFFFD800  }
0x4d: {  	[tilespmem:s20], [sflag:$0x2] =	stream.indirect.gather [hbm4b:s4+s18], $0x80, s0, s18, $0xb8;
	[tilespmem:$0x1F000] =	vst v63  }
0x4e: {  	_ =	swait.ge [sflag:s21], $0x2800  }
0x4f: {  	[sflag:s21] =	ssyncset.done $0x0  }
0x50: {  	[sflag:s21] =	ssyncadd.s32 $0xFFFFD800  }
0x51: {  	[spmem:s1] =	stream.indirect.scatter.add.f32 [tilespmem:s19], [sflag:$0x3], $0x80, s25, s18, $0xb8;
	[tilespmem:$0x1F000] =	vst v63  }
0x52: {  	_ =	swait.ge [sflag:s22], $0x2800  }
0x53: {  	[sflag:s22] =	ssyncset.done $0x0  }
0x54: {  	[sflag:s22] =	ssyncadd.s32 $0xFFFFD800  }
0x55: {  	[spmem:s1] =	stream.indirect.scatter.add.f32 [tilespmem:s20], [sflag:$0x4], $0x80, s26, s18, $0xb8;
	[tilespmem:$0x1F000] =	vst v63  }
0x56: {  	_ =	swait.ge [sflag:s23], $0x2800  }
0x57: {  	[sflag:s23] =	ssyncset.done $0x0  }
0x58: {  	[sflag:s23] =	ssyncadd.s32 $0xFFFFD800  }
0x59: {  	[tilespmem:s19], [sflag:$0x1] =	stream.indirect.gather [hbm4b:s4+s18], $0x80, s30, s18, $0xb8;
	[tilespmem:$0x1F000] =	vst v63  }
0x5a: {  	_ =	swait.ge [sflag:s21], $0x2800  }
0x5b: {  	[sflag:s21] =	ssyncset.done $0x0  }
0x5c: {  	[sflag:s21] =	ssyncadd.s32 $0xFFFFD800  }
0x5d: {  	[spmem:s1] =	stream.indirect.scatter.add.f32 [tilespmem:s19], [sflag:$0x3], $0x80, s28, s18, $0xb8;
	[tilespmem:$0x1F000] =	vst v63  }
0x5e: {  	_ =	swait.ge [sflag:s24], $0x2800  }
0x5f: {  	[sflag:s24] =	ssyncset.done $0x0  }
0x60: {  	[sflag:s24] =	ssyncadd.s32 $0xFFFFD800  }
0x61: {  	_ =	swait.ge [sflag:s23], $0x2800  }
0x62: {  	[sflag:s23] =	ssyncset.done $0x0  }
0x63: {  	[sflag:s23] =	ssyncadd.s32 $0xFFFFD800  }
0x64: {  	s0 =	simm.s32 @p0 $0x1FC5;
	[bflag:$0x0] =	sbarrier.arrive $0xFFFF  }
0x65: {  	[hbm:s9], [sflag:s0] =	dma.local @p0 [spmem:s11], $0x1900  }
0x66: {  	s0 =	simm.s32 @p0 $0x5  }
0x67: {  	s29 =	sadd.s32 $0x1, s29;
	_ =	swait.ge @p0 [sflag:s0], $0x1900  }
0x68: {  	p1 =	sne.s32 s29, s10;
	[sflag:s0] =	ssyncset.done @p0 $0x0  }
.Ltmp1:
0x69: {  	[sflag:s0] =	ssyncadd.s32 @p0 $0xFFFFE700;
	s0 =	simm.s32 @!p0 $0x5;
	(pc) =	sbr.rel @p1 .LBB2_1-.Ltmp1, $4  }
0x6a: {  	[hbm:s8], [sflag:s12] =	dma.local @!p0 [spmem:s13], $0x2800  }
0x6b: {  	_ =	swait.ge @!p0 [sflag:s0], $0x2800  }
0x6c: {  	[sflag:s0] =	ssyncset.done @!p0 $0x0  }
0x6d: {  	[sflag:s0] =	ssyncadd.s32 @!p0 $0xFFFFD800  }
0x6e: {  	_ =	sfence.sel $0x180000  }
0x6f: {  	[bflag:$0x0] =	sbarrier.arrive $0xFFFF  }
0x70: {  	_ =	strace $0x9000004D  }
0x71: {  	s0 =	stileid.u32;
	[bflag:$0x2] =	sbarrier.arrive $0xFFFF  }
0x72: {  	p0 =	sne.s32 s0, $0x0;
	s0 =	rddreg [dreg:$0x3]  }
0x73: {  	s0 =	sadd.s32 @!p0 $0x100000, s0  }
0x74: {  	[sflag:s0] =	ssyncadd.tile.s32 @!p0 $0x1;
	_ =	shalt  }
.Lfunc_end2:
_tile_overlayer_lowered:
.L_overlay_start_2:
0x75: {  	(tag) =	ssettag $0x2  }
0x76: {  	s0 =	rddreg [dreg:$0x0];
	s2 =	stileid.u32  }
0x77: {  	s1 =	rddreg [dreg:$0x1];
	p0 =	sne.s32 s2, $0x0  }
0x78: {  	s3 =	rddreg [dreg:$0x2];
	[bflag:$0x3] =	sbarrier.arrive $0xFFFF;
	s2 =	simm.s32 @!p0 $0x1C05  }
0x79: {  	[timem:s3], [sflag:s2] =	dma.local @!p0 [hbm:s0], s1  }
0x7a: {  	s0 =	simm.s32 @!p0 $0x5  }
0x7b: {  	_ =	swait.ge @!p0 [sflag:s0], s1  }
0x7c: {  	s1 =	ssub.s32 @!p0 $0x0, s1;
	[sflag:s0] =	ssyncset.done @!p0 $0x0  }
0x7d: {  	[sflag:s0] =	ssyncadd.s32 @!p0 s1  }
0x7e: {  	[bflag:$0x3] =	sbarrier.arrive $0xFFFF  }
0x7f: {  	_ =	shalt  }

</sc_bundles>
